<compile_context>
chip_gen: v7x
topology: tpu7x:2x2x1
jax: 0.10.2.dev20260603
libtpu: 0.0.44.dev20260713+nightly
codegen_flags: <defaults>
</compile_context>

<pallas_src>
import functools

import jax
import jax.numpy as jnp
from jax import lax
from jax.experimental import pallas as pl
from jax.experimental.pallas import tpu as pltpu
from jax.experimental.pallas import tpu_sc as plsc

N = 100000
E = 1600000
IN_CH = 32
HID = 64
EPS = 1e-5

NW = 32
EPW = E // NW
CHUNK = 10000
NCHUNK = EPW // CHUNK
CCAP = 10752
FL = 128
RN = 7160
NPASS = 14
ACC_ROWS = 7168
AGG_PAD = (NPASS - 1) * RN + ACC_ROWS
DEG_PT = 6256
DEG_PAD = 16 * DEG_PT

_mesh = plsc.VectorSubcoreMesh(core_axis_name="c", subcore_axis_name="s")
_params = pltpu.CompilerParams(needs_layout_passes=False)


@functools.partial(
    pl.kernel,
    out_type=jax.ShapeDtypeStruct((2 * DEG_PAD,), jnp.float32),
    mesh=_mesh,
    compiler_params=_params,
    scratch_types=[
        pltpu.VMEM((CHUNK,), jnp.int32),
        pltpu.VMEM((CHUNK,), jnp.float32),
        pltpu.VMEM((128,), jnp.int32),
        pltpu.VMEM((16,), jnp.int32),
        pltpu.VMEM((DEG_PT,), jnp.float32),
        pltpu.VMEM_SHARED((DEG_PAD,), jnp.float32),
    ],
)
def _sc_deg(dst_hbm, w_hbm, out_hbm, dstm, wm, dst_l, dst_l16, zbuf,
            deg_sh):
    c = lax.axis_index("c")
    s = lax.axis_index("s")
    zero16 = jnp.zeros((16,), jnp.float32)

    def zb(i, _):
        zbuf[pl.ds(i * 16, 16)] = zero16
        return 0

    lax.fori_loop(0, DEG_PT // 16, zb, 0)
    pltpu.sync_copy(zbuf, deg_sh.at[pl.ds(s * DEG_PT, DEG_PT)])
    plsc.subcore_barrier()

    ebase = (c * 16 + s) * EPW

    def dchunk(ci, _):
        off = ebase + ci * CHUNK
        pltpu.sync_copy(dst_hbm.at[pl.ds(off, CHUNK)], dstm)
        pltpu.sync_copy(w_hbm.at[pl.ds(off, CHUNK)], wm)

        def dsub(i, _):
            base = pl.multiple_of(i * 128, 128)

            def cp(q, _):
                o2 = pl.multiple_of(i * 128 + q * 16, 16)
                dst_l[pl.ds(q * 16, 16)] = dstm[pl.ds(o2, 16)]
                return 0

            lax.fori_loop(0, 8, cp, 0)
            pltpu.sync_copy(wm.at[pl.ds(base, 128)],
                            deg_sh.at[dst_l], add=True)
            return 0

        lax.fori_loop(0, CHUNK // 128, dsub, 0)
        dst_l16[pl.ds(0, 16)] = dstm[pl.ds(9984, 16)]
        pltpu.sync_copy(wm.at[pl.ds(9984, 16)], deg_sh.at[dst_l16],
                        add=True)
        return 0

    lax.fori_loop(0, NCHUNK, dchunk, 0)

    plsc.subcore_barrier()
    pltpu.sync_copy(deg_sh.at[pl.ds(s * DEG_PT, DEG_PT)], zbuf)
    pltpu.sync_copy(zbuf,
                    out_hbm.at[pl.ds(c * DEG_PAD + s * DEG_PT, DEG_PT)])


@functools.partial(
    pl.kernel,
    out_type=jax.ShapeDtypeStruct((2, AGG_PAD, HID), jnp.float32),
    mesh=_mesh,
    compiler_params=_params,
    scratch_types=[
        pltpu.VMEM((CHUNK,), jnp.int32),
        pltpu.VMEM((CHUNK,), jnp.int32),
        pltpu.VMEM((CHUNK,), jnp.float32),
        pltpu.VMEM((CCAP,), jnp.int32),
        pltpu.VMEM((CCAP,), jnp.float32),
        pltpu.VMEM((FL,), jnp.int32),
        pltpu.VMEM((FL,), jnp.int32),
        pltpu.VMEM((FL, 2 * HID), jnp.float32),
        pltpu.VMEM((FL, HID), jnp.float32),
        pltpu.VMEM((128, HID), jnp.float32),
        pltpu.VMEM_SHARED((ACC_ROWS, HID), jnp.float32),
        pltpu.SemaphoreType.DMA,
    ],
)
def _sc_agg(h_hbm, src_hbm, dst_hbm, w_hbm, out_hbm,
            srcm, dstm, wm, ecc, wc, src_l, dloc_l, rows2, scaled, zbuf,
            acc_sh, sem):
    c = lax.axis_index("c")
    s = lax.axis_index("s")
    wid = c * 16 + s
    ebase = wid * EPW
    zero16 = jnp.zeros((16,), jnp.float32)
    iota = lax.iota(jnp.int32, 16)
    pad_ec = (wid * 128 + iota * 8) | ((RN + (iota & 7)) << 17)

    def zb(i, _):
        r = i >> 2
        zbuf[r, pl.ds((i & 3) * 16, 16)] = zero16
        return 0

    lax.fori_loop(0, 128 * 4, zb, 0)

    def flush_batches(rounds):
        def flush(j, _):
            def cp(i, _):
                ev = ecc[pl.ds(pl.multiple_of(j * FL + i * 16, 16), 16)]
                src_l[pl.ds(i * 16, 16)] = (ev & 131071) >> 1
                dloc_l[pl.ds(i * 16, 16)] = ev >> 17
                return 0

            lax.fori_loop(0, FL // 16, cp, 0)
            pltpu.async_copy(h_hbm.at[src_l], rows2, sem).wait()

            def scale(i, _):
                off = pl.multiple_of(j * FL + i * 16, 16)
                wv = wc[pl.ds(off, 16)]
                ev = ecc[pl.ds(off, 16)]
                for u in range(16):
                    e = i * 16 + u
                    parf = (ev[u] & 1).astype(jnp.float32)
                    w = wv[u]
                    blo = jnp.full((16,), w * (1.0 - parf))
                    bhi = jnp.full((16,), w * parf)
                    for cb in range(4):
                        scaled[e, pl.ds(cb * 16, 16)] = (
                            rows2[e, pl.ds(cb * 16, 16)] * blo
                            + rows2[e, pl.ds(HID + cb * 16, 16)] * bhi)
                return 0

            lax.fori_loop(0, FL // 16, scale, 0)
            pltpu.sync_copy(scaled, acc_sh.at[dloc_l], add=True)
            return 0

        lax.fori_loop(0, rounds, flush, 0)

    def one_pass(p, _):
        nbase = p * RN
        for k in range(4):
            pltpu.sync_copy(zbuf.at[pl.ds(0, 112)],
                            acc_sh.at[pl.ds(s * 448 + k * 112, 112)])
        plsc.subcore_barrier()

        plsc.subcore_barrier()
        for k in range(4):
            pltpu.sync_copy(acc_sh.at[pl.ds(s * 448 + k * 112, 112)],
                            scaled.at[pl.ds(0, 112)])
            pltpu.sync_copy(
                scaled.at[pl.ds(0, 112)],
                out_hbm.at[c, pl.ds(nbase + s * 448 + k * 112, 112)])
        plsc.subcore_barrier()
        return 0

    lax.fori_loop(0, NPASS, one_pass, 0)


_BLK = 2000
_GRID = N // _BLK


def _row_spec(w, blk=_BLK):
    return pl.BlockSpec((blk, w), lambda i: (i, 0))


def _full_spec(shape):
    return pl.BlockSpec(shape, lambda i: tuple(0 for _ in shape))


def _tc_a_body(x_r, w1_r, dga_r, dgb_r, h1p_r):
    deg = dga_r[...] + dgb_r[...] + 1.0
    dinv = lax.rsqrt(deg)
    h = jnp.dot(x_r[...], w1_r[...], preferred_element_type=jnp.float32)
    h1p_r[...] = h * dinv


def _bn_relu_x(aggs, hp, dinv, b, g, be, rm, rv):
    y = jnp.maximum(dinv * (aggs + hp) + b, 0.0)
    return (y - rm) * lax.rsqrt(rv + EPS) * g + be


def _tc_b_body(agg_r, h1p_r, dga_r, dgb_r, w2_r, b1_r, g1_r, be1_r, rm1_r,
               rv1_r, x1_o, h2p_o):
    dinv = lax.rsqrt(dga_r[...] + dgb_r[...] + 1.0)
    aggs = agg_r[0] + agg_r[1]
    x1 = _bn_relu_x(aggs, h1p_r[...], dinv, b1_r[...], g1_r[...], be1_r[...],
                    rm1_r[...], rv1_r[...])
    x1_o[...] = x1
    h2p_o[...] = jnp.dot(x1, w2_r[...],
                         preferred_element_type=jnp.float32) * dinv


def _lstm_h(gates, bi, bh):
    g = gates + bi + bh
    i = jax.nn.sigmoid(g[:, 0:HID])
    gg = jnp.tanh(g[:, HID:2 * HID])
    o = jax.nn.sigmoid(g[:, 2 * HID:3 * HID])
    return o * jnp.tanh(i * gg)


def _tc_c_body(agg_r, h2p_r, x1_r, x_r, dga_r, dgb_r, b2_r, g2_r, be2_r,
               rm2_r, rv2_r, w1a_r, w2a_r, bi1_r, bh1_r, bi2_r, bh2_r,
               wl1_r, wl2_r, wlx_r, bl_r, out_r):
    dinv = lax.rsqrt(dga_r[...] + dgb_r[...] + 1.0)
    aggs = agg_r[0] + agg_r[1]
    x2 = _bn_relu_x(aggs, h2p_r[...], dinv, b2_r[...], g2_r[...], be2_r[...],
                    rm2_r[...], rv2_r[...])
    x1 = x1_r[...]
    w1a = w1a_r[...]
    g1 = (jnp.dot(x1, w1a[0:HID], preferred_element_type=jnp.float32)
          + jnp.dot(x2, w1a[HID:2 * HID], preferred_element_type=jnp.float32))
    h1 = _lstm_h(g1, bi1_r[...], bh1_r[...])
    g2m = jnp.dot(h1, w2a_r[...], preferred_element_type=jnp.float32)
    h2 = _lstm_h(g2m, bi2_r[...], bh2_r[...])
    out_r[...] = (jnp.dot(h1, wl1_r[...], preferred_element_type=jnp.float32)
                  + jnp.dot(h2, wl2_r[...], preferred_element_type=jnp.float32)
                  + jnp.dot(x_r[...], wlx_r[...],
                            preferred_element_type=jnp.float32)
                  + bl_r[...])


def kernel(x, edge_idx, edge_wgt, W1, b1, g1, be1, rm1, rv1, W2, b2, g2, be2,
           rm2, rv2, Wih1, Whh1, bih1, bhh1, Wih2, Whh2, bih2, bhh2, Wl, bl):
    src = edge_idx[0]
    dst = edge_idx[1]

    deg2 = _sc_deg(dst, edge_wgt)
    dga = deg2[:N].reshape(N, 1)
    dgb = deg2[DEG_PAD:DEG_PAD + N].reshape(N, 1)

    h1p = pl.pallas_call(
        _tc_a_body,
        grid=(_GRID,),
        in_specs=[_row_spec(IN_CH), _full_spec((IN_CH, HID)), _row_spec(1),
                  _row_spec(1)],
        out_specs=_row_spec(HID),
        out_shape=jax.ShapeDtypeStruct((N, HID), jnp.float32),
    )(x, W1, dga, dgb)

    agg1 = _sc_agg(h1p.reshape(N // 2, 2 * HID), src, dst, edge_wgt)[:, :N]

    b1r, g1r, be1r, rm1r, rv1r = (v.reshape(1, HID)
                                  for v in (b1, g1, be1, rm1, rv1))
    x1, h2p = pl.pallas_call(
        _tc_b_body,
        grid=(_GRID,),
        in_specs=[pl.BlockSpec((2, _BLK, HID), lambda i: (0, i, 0)),
                  _row_spec(HID), _row_spec(1), _row_spec(1),
                  _full_spec((HID, HID))] + [_full_spec((1, HID))] * 5,
        out_specs=[_row_spec(HID), _row_spec(HID)],
        out_shape=[jax.ShapeDtypeStruct((N, HID), jnp.float32),
                   jax.ShapeDtypeStruct((N, HID), jnp.float32)],
    )(agg1, h1p, dga, dgb, W2, b1r, g1r, be1r, rm1r, rv1r)

    agg2 = _sc_agg(h2p.reshape(N // 2, 2 * HID), src, dst, edge_wgt)[:, :N]

    def act(wih):
        return jnp.concatenate(
            [wih[0:HID], wih[2 * HID:3 * HID], wih[3 * HID:4 * HID]]).T

    def actb(bvec):
        return jnp.concatenate(
            [bvec[0:HID], bvec[2 * HID:3 * HID],
             bvec[3 * HID:4 * HID]]).reshape(1, 3 * HID)

    w1a = act(Wih1)
    w2a = act(Wih2)
    b2r, g2r, be2r, rm2r, rv2r = (v.reshape(1, HID)
                                  for v in (b2, g2, be2, rm2, rv2))
    wl1 = Wl[0:HID].reshape(HID, 1)
    wl2 = Wl[HID:2 * HID].reshape(HID, 1)
    wlx = Wl[2 * HID:].reshape(IN_CH, 1)
    blr = bl.reshape(1, 1)

    out = pl.pallas_call(
        _tc_c_body,
        grid=(_GRID,),
        in_specs=[pl.BlockSpec((2, _BLK, HID), lambda i: (0, i, 0)),
                  _row_spec(HID), _row_spec(HID),
                  _row_spec(IN_CH), _row_spec(1), _row_spec(1)]
                 + [_full_spec((1, HID))] * 5
                 + [_full_spec((2 * HID, 3 * HID)),
                    _full_spec((HID, 3 * HID))]
                 + [_full_spec((1, 3 * HID))] * 4
                 + [_full_spec((HID, 1)), _full_spec((HID, 1)),
                    _full_spec((IN_CH, 1)), _full_spec((1, 1))],
        out_specs=_row_spec(1),
        out_shape=jax.ShapeDtypeStruct((N, 1), jnp.float32),
    )(agg2, h2p, x1, x, dga, dgb, b2r, g2r, be2r, rm2r, rv2r,
      w1a, w2a, actb(bih1), actb(bhh1), actb(bih2), actb(bhh2),
      wl1, wl2, wlx, blr)

    return out.reshape(N)

# --- scband reference (transcript-rebuilt; emitter-appended) ---
"""Pipeline reference for scband-mpnnlstm-12017318494640 (READ-ONLY COPY).

The authoritative reference and input builder live on the scoring server;
editing this copy changes nothing except your own understanding.
"""

import jax, jax.numpy as jnp
import numpy as np

N = 100000
E = 1600000
IN_CH = 32
HID = 64
EPS = 1e-5


def _gcn(x, src, dst, ew, W, b):
    loop = jnp.arange(N)
    s = jnp.concatenate([src, loop])
    d = jnp.concatenate([dst, loop])
    w = jnp.concatenate([ew, jnp.ones((N,), x.dtype)])
    deg = jnp.zeros((N,), x.dtype).at[d].add(w)
    dinv = jnp.where(deg > 0, 1.0 / jnp.sqrt(deg), 0.0)
    norm = dinv[s] * w * dinv[d]
    h = x @ W
    out = jnp.zeros_like(h).at[d].add(norm[:, None] * h[s])
    return out + b


def _bn(x, g, b, rm, rv):
    return (x - rm) / jnp.sqrt(rv + EPS) * g + b


def _lstm_step(x, Wih, Whh, bih, bhh):
    h0 = jnp.zeros((x.shape[0], HID), x.dtype)
    gates = x @ Wih.T + bih + h0 @ Whh.T + bhh
    i, f, g, o = jnp.split(gates, 4, axis=1)
    i = jax.nn.sigmoid(i)
    f = jax.nn.sigmoid(f)
    g = jnp.tanh(g)
    o = jax.nn.sigmoid(o)
    c = f * jnp.zeros_like(i) + i * g
    return o * jnp.tanh(c)


def setup_inputs(seed: int = 0):
    key = jax.random.key(seed)
    ks = jax.random.split(key, 16)
    inp = {}
    inp["x"] = jax.random.normal(ks[0], (N, IN_CH), dtype=jnp.float32)
    inp["edge_idx"] = jax.random.randint(ks[1], (2, E), 0, N, dtype=jnp.int32)
    inp["edge_wgt"] = jax.random.uniform(ks[2], (E,), dtype=jnp.float32)
    inp["W1"] = jax.random.normal(ks[3], (IN_CH, HID), dtype=jnp.float32) * 0.05
    inp["b1"] = jnp.zeros((HID,), jnp.float32)
    inp["g1"] = jnp.ones((HID,), jnp.float32)
    inp["be1"] = jnp.zeros((HID,), jnp.float32)
    inp["rm1"] = jnp.zeros((HID,), jnp.float32)
    inp["rv1"] = jnp.ones((HID,), jnp.float32)
    inp["W2"] = jax.random.normal(ks[4], (HID, HID), dtype=jnp.float32) * 0.05
    inp["b2"] = jnp.zeros((HID,), jnp.float32)
    inp["g2"] = jnp.ones((HID,), jnp.float32)
    inp["be2"] = jnp.zeros((HID,), jnp.float32)
    inp["rm2"] = jnp.zeros((HID,), jnp.float32)
    inp["rv2"] = jnp.ones((HID,), jnp.float32)
    inp["Wih1"] = jax.random.normal(ks[5], (4 * HID, 2 * HID), dtype=jnp.float32) * 0.05
    inp["Whh1"] = jax.random.normal(ks[6], (4 * HID, HID), dtype=jnp.float32) * 0.05
    inp["bih1"] = jnp.zeros((4 * HID,), jnp.float32)
    inp["bhh1"] = jnp.zeros((4 * HID,), jnp.float32)
    inp["Wih2"] = jax.random.normal(ks[7], (4 * HID, HID), dtype=jnp.float32) * 0.05
    inp["Whh2"] = jax.random.normal(ks[8], (4 * HID, HID), dtype=jnp.float32) * 0.05
    inp["bih2"] = jnp.zeros((4 * HID,), jnp.float32)
    inp["bhh2"] = jnp.zeros((4 * HID,), jnp.float32)
    inp["Wl"] = jax.random.normal(ks[9], (IN_CH + 2 * HID,), dtype=jnp.float32) * 0.05
    inp["bl"] = jnp.zeros((), jnp.float32)
    return inp


def reference(x, edge_idx, edge_wgt, W1, b1, g1, be1, rm1, rv1, W2, b2, g2, be2, rm2, rv2, Wih1, Whh1, bih1, bhh1, Wih2, Whh2, bih2, bhh2, Wl, bl):
    src = edge_idx[0]
    dst = edge_idx[1]
    # window == 1 so S reconstruction reduces to the original node features
    S = x
    X1 = jax.nn.relu(_gcn(x, src, dst, edge_wgt, W1, b1))
    X1 = _bn(X1, g1, be1, rm1, rv1)
    X2 = jax.nn.relu(_gcn(X1, src, dst, edge_wgt, W2, b2))
    X2 = _bn(X2, g2, be2, rm2, rv2)
    R = jnp.concatenate([X1, X2], axis=1)
    # seq_len = window = 1, batch = N, zero initial states
    H1 = _lstm_step(R, Wih1, Whh1, bih1, bhh1)
    H2 = _lstm_step(H1, Wih2, Whh2, bih2, bhh2)
    Hc = jnp.concatenate([H1, H2, S], axis=1)
    return Hc @ Wl + bl

if __name__ == "__main__":
    import jax
    _d = setup_inputs()
    print(jax.jit(kernel)(*tuple(_d.values())))

</pallas_src>

<mosaic_0001>
#map = affine_map<(d0, d1) -> (0)>
module attributes {stable_mosaic.version = 14 : i64} {
  func.func @_sc_deg(%arg0: i32, %arg1: i32, %arg2: memref<1600000xi32, #tpu.memory_space<hbm>>, %arg3: memref<1600000xf32, #tpu.memory_space<hbm>>, %arg4: memref<200192xf32, #tpu.memory_space<hbm>>, %arg5: memref<10000xi32, #tpu.memory_space<vmem>>, %arg6: memref<10000xf32, #tpu.memory_space<vmem>>, %arg7: memref<128xi32, #tpu.memory_space<vmem>>, %arg8: memref<16xi32, #tpu.memory_space<vmem>>, %arg9: memref<6256xf32, #tpu.memory_space<vmem>>, %arg10: memref<100096xf32, #tpu.memory_space<vmem_shared>>) attributes {dimension_semantics = [#tpu.dimension_semantics<core_parallel>, #tpu.dimension_semantics<subcore_parallel>], iteration_bounds = array<i64: 2, 16>, scalar_prefetch = 0 : i64, scratch_operands = 6 : i64, tpu.core_type = #tpu.core_type<sc_vector_subcore>, window_params = [{transform_indices = #map}, {transform_indices = #map}, {transform_indices = #map}]} {
    %broadcast_in_dim3A = arith.constant 0.000000e+00 : f32
    %broadcast_in_dim3A_0 = vector.broadcast %broadcast_in_dim3A : f32 to vector<16xf32>
    %scan3A = arith.constant 0 : i32
    %scan3A_1 = arith.constant 0 : i32
    %scan3A_2 = arith.constant 391 : i32
    %scan3A_3 = arith.addi %scan3A_1, %scan3A_2 : i32
    %scan3A_4 = arith.constant 1 : i32
    %scan3A_5 = scf.for %scan3A_27 = %scan3A_1 to %scan3A_3 step %scan3A_4 iter_args(%scan3A_28 = %scan3A) -> (i32)  : i32 {
      %mul3A_29 = arith.constant 16 : i32
      %mul3A_30 = arith.muli %scan3A_27, %mul3A_29 : i32
      %swap3A = arith.index_cast %mul3A_30 : i32 to index
      %swap3A_31 = tpu.vector_load %arg9[%swap3A] {strides = array<i32>} : memref<6256xf32, #tpu.memory_space<vmem>>, vector<16xf32>,
      tpu.vector_store %arg9[%swap3A], %broadcast_in_dim3A_0 {strides = array<i32>} : memref<6256xf32, #tpu.memory_space<vmem>>, vector<16xf32>,
      %scan3A_32 = arith.constant 0 : i32
      scf.yield %scan3A_32 : i32
    }
    %scan3A_6 = arith.constant 391 : i32
    %mul3A = arith.constant 6256 : i32
    %mul3A_7 = arith.muli %arg1, %mul3A : i32
    "tpu.region"() ({
      %run_scoped3A = tpu.sem_alloc : memref<!tpu.dma_semaphore, #tpu.memory_space<semaphore_mem>>
      %dma_start3A = tpu.memref_slice %arg10[%mul3A_7] : memref<100096xf32, #tpu.memory_space<vmem_shared>> -> memref<6256xf32, #tpu.memory_space<vmem_shared>>
      %dma_start3A_27 = tpu.memref_slice %arg10[%mul3A_7] : memref<100096xf32, #tpu.memory_space<vmem_shared>> -> memref<6256xf32, #tpu.memory_space<vmem_shared>>
      tpu.enqueue_dma source(%arg9 : memref<6256xf32, #tpu.memory_space<vmem>>) target(%dma_start3A_27 : memref<6256xf32, #tpu.memory_space<vmem_shared>>) target_semaphore(%run_scoped3A : memref<!tpu.dma_semaphore, #tpu.memory_space<semaphore_mem>>)
      %dma_wait3A = tpu.memref_slice %arg10[%mul3A_7] : memref<100096xf32, #tpu.memory_space<vmem_shared>> -> memref<6256xf32, #tpu.memory_space<vmem_shared>>
      %dma_wait3A_28 = tpu.memref_slice %arg10[%mul3A_7] : memref<100096xf32, #tpu.memory_space<vmem_shared>> -> memref<6256xf32, #tpu.memory_space<vmem_shared>>
      tpu.wait_dma2 semaphore(%run_scoped3A : memref<!tpu.dma_semaphore, #tpu.memory_space<semaphore_mem>>) src(%arg9 : memref<6256xf32, #tpu.memory_space<vmem>>) dst(%dma_wait3A_28 : memref<6256xf32, #tpu.memory_space<vmem_shared>>)
      tpu.yield
    }) : () -> ()
    %barrier3A = arith.constant 0 : index
    tpu.barrier barrier_id(%barrier3A)
    %mul3A_8 = arith.constant 16 : i32
    %mul3A_9 = arith.muli %arg0, %mul3A_8 : i32
    %add3A = arith.addi %mul3A_9, %arg1 : i32
    %mul3A_10 = arith.constant 50000 : i32
    %mul3A_11 = arith.muli %add3A, %mul3A_10 : i32
    %scan3A_12 = arith.constant 0 : i32
    %scan3A_13 = arith.constant 0 : i32
    %scan3A_14 = arith.constant 5 : i32
    %scan3A_15 = arith.addi %scan3A_13, %scan3A_14 : i32
    %scan3A_16 = arith.constant 1 : i32
    %scan3A_17 = scf.for %scan3A_27 = %scan3A_13 to %scan3A_15 step %scan3A_16 iter_args(%scan3A_28 = %scan3A_12) -> (i32)  : i32 {
      %mul3A_29 = arith.constant 10000 : i32
      %mul3A_30 = arith.muli %scan3A_27, %mul3A_29 : i32
      %add3A_31 = arith.addi %mul3A_11, %mul3A_30 : i32
      "tpu.region"() ({
        %run_scoped3A = tpu.sem_alloc : memref<!tpu.dma_semaphore, #tpu.memory_space<semaphore_mem>>
        %dma_start3A = tpu.memref_slice %arg2[%add3A_31] : memref<1600000xi32, #tpu.memory_space<hbm>> -> memref<10000xi32, #tpu.memory_space<hbm>>
        %dma_start3A_42 = tpu.memref_slice %arg2[%add3A_31] : memref<1600000xi32, #tpu.memory_space<hbm>> -> memref<10000xi32, #tpu.memory_space<hbm>>
        tpu.enqueue_dma source(%dma_start3A_42 : memref<10000xi32, #tpu.memory_space<hbm>>) target(%arg5 : memref<10000xi32, #tpu.memory_space<vmem>>) target_semaphore(%run_scoped3A : memref<!tpu.dma_semaphore, #tpu.memory_space<semaphore_mem>>)
        %dma_wait3A = tpu.memref_slice %arg2[%add3A_31] : memref<1600000xi32, #tpu.memory_space<hbm>> -> memref<10000xi32, #tpu.memory_space<hbm>>
        %dma_wait3A_43 = tpu.memref_slice %arg2[%add3A_31] : memref<1600000xi32, #tpu.memory_space<hbm>> -> memref<10000xi32, #tpu.memory_space<hbm>>
        tpu.wait_dma2 semaphore(%run_scoped3A : memref<!tpu.dma_semaphore, #tpu.memory_space<semaphore_mem>>) src(%dma_wait3A_43 : memref<10000xi32, #tpu.memory_space<hbm>>) dst(%arg5 : memref<10000xi32, #tpu.memory_space<vmem>>)
        tpu.yield
      }) : () -> ()
      "tpu.region"() ({
        %run_scoped3A = tpu.sem_alloc : memref<!tpu.dma_semaphore, #tpu.memory_space<semaphore_mem>>
        %dma_start3A = tpu.memref_slice %arg3[%add3A_31] : memref<1600000xf32, #tpu.memory_space<hbm>> -> memref<10000xf32, #tpu.memory_space<hbm>>
        %dma_start3A_42 = tpu.memref_slice %arg3[%add3A_31] : memref<1600000xf32, #tpu.memory_space<hbm>> -> memref<10000xf32, #tpu.memory_space<hbm>>
        tpu.enqueue_dma source(%dma_start3A_42 : memref<10000xf32, #tpu.memory_space<hbm>>) target(%arg6 : memref<10000xf32, #tpu.memory_space<vmem>>) target_semaphore(%run_scoped3A : memref<!tpu.dma_semaphore, #tpu.memory_space<semaphore_mem>>)
        %dma_wait3A = tpu.memref_slice %arg3[%add3A_31] : memref<1600000xf32, #tpu.memory_space<hbm>> -> memref<10000xf32, #tpu.memory_space<hbm>>
        %dma_wait3A_43 = tpu.memref_slice %arg3[%add3A_31] : memref<1600000xf32, #tpu.memory_space<hbm>> -> memref<10000xf32, #tpu.memory_space<hbm>>
        tpu.wait_dma2 semaphore(%run_scoped3A : memref<!tpu.dma_semaphore, #tpu.memory_space<semaphore_mem>>) src(%dma_wait3A_43 : memref<10000xf32, #tpu.memory_space<hbm>>) dst(%arg6 : memref<10000xf32, #tpu.memory_space<vmem>>)
        tpu.yield
      }) : () -> ()
      %scan3A_32 = arith.constant 0 : i32
      %scan3A_33 = arith.constant 0 : i32
      %scan3A_34 = arith.constant 78 : i32
      %scan3A_35 = arith.addi %scan3A_33, %scan3A_34 : i32
      %scan3A_36 = arith.constant 1 : i32
      %scan3A_37 = scf.for %scan3A_42 = %scan3A_33 to %scan3A_35 step %scan3A_36 iter_args(%scan3A_43 = %scan3A_32) -> (i32)  : i32 {
        %mul3A_44 = arith.constant 128 : i32
        %mul3A_45 = arith.muli %scan3A_42, %mul3A_44 : i32
        %multiple_of3A = tpu.assume_multiple %mul3A_45, 128 : i32
        %scan3A_46 = arith.constant 0 : i32
        %scan3A_47 = arith.constant 0 : i32
        %scan3A_48 = arith.constant 8 : i32
        %scan3A_49 = arith.addi %scan3A_47, %scan3A_48 : i32
        %scan3A_50 = arith.constant 1 : i32
        %scan3A_51 = scf.for %scan3A_54 = %scan3A_47 to %scan3A_49 step %scan3A_50 iter_args(%scan3A_55 = %scan3A_46) -> (i32)  : i32 {
          %mul3A_56 = arith.constant 128 : i32
          %mul3A_57 = arith.muli %scan3A_42, %mul3A_56 : i32
          %mul3A_58 = arith.constant 16 : i32
          %mul3A_59 = arith.muli %scan3A_54, %mul3A_58 : i32
          %add3A_60 = arith.addi %mul3A_57, %mul3A_59 : i32
          %multiple_of3A_61 = tpu.assume_multiple %add3A_60, 16 : i32
          %get3A_62 = arith.index_cast %multiple_of3A_61 : i32 to index
          %get3A_63 = tpu.vector_load %arg5[%get3A_62] {strides = array<i32>} : memref<10000xi32, #tpu.memory_space<vmem>>, vector<16xi32>,
          %mul3A_64 = arith.constant 16 : i32
          %mul3A_65 = arith.muli %scan3A_54, %mul3A_64 : i32
          %swap3A_66 = arith.index_cast %mul3A_65 : i32 to index
          %swap3A_67 = tpu.vector_load %arg7[%swap3A_66] {strides = array<i32>} : memref<128xi32, #tpu.memory_space<vmem>>, vector<16xi32>,
          tpu.vector_store %arg7[%swap3A_66], %get3A_63 {strides = array<i32>} : memref<128xi32, #tpu.memory_space<vmem>>, vector<16xi32>,
          %scan3A_68 = arith.constant 0 : i32
          scf.yield %scan3A_68 : i32
        }
        %scan3A_52 = arith.constant 8 : i32
        "tpu.region"() ({
          %run_scoped3A = tpu.sem_alloc : memref<!tpu.dma_semaphore, #tpu.memory_space<semaphore_mem>>
          %dma_start3A = tpu.memref_slice %arg6[%multiple_of3A] : memref<10000xf32, #tpu.memory_space<vmem>> -> memref<128xf32, #tpu.memory_space<vmem>>
          %dma_start3A_54 = arith.constant 0 : i32
          %dma_start3A_55 = tpu.memref_slice %arg10[%dma_start3A_54] : memref<100096xf32, #tpu.memory_space<vmem_shared>> -> memref<100096xf32, #tpu.memory_space<vmem_shared>>
          tpu.enqueue_indirect_dma source(%dma_start3A : memref<128xf32, #tpu.memory_space<vmem>>) target(%dma_start3A_55 : memref<100096xf32, #tpu.memory_space<vmem_shared>>) offsets(%arg7 : memref<128xi32, #tpu.memory_space<vmem>>) semaphore(%run_scoped3A : memref<!tpu.dma_semaphore, #tpu.memory_space<semaphore_mem>>) {add = true}
          %dma_wait3A = tpu.memref_slice %arg6[%multiple_of3A] : memref<10000xf32, #tpu.memory_space<vmem>> -> memref<128xf32, #tpu.memory_space<vmem>>
          %dma_wait3A_56 = arith.constant 0 : i32
          %dma_wait3A_57 = tpu.memref_slice %arg10[%dma_wait3A_56] : memref<100096xf32, #tpu.memory_space<vmem_shared>> -> memref<100096xf32, #tpu.memory_space<vmem_shared>>
          tpu.wait_indirect_dma semaphore(%run_scoped3A : memref<!tpu.dma_semaphore, #tpu.memory_space<semaphore_mem>>) src(%dma_wait3A : memref<128xf32, #tpu.memory_space<vmem>>) dst(%dma_wait3A_57 : memref<100096xf32, #tpu.memory_space<vmem_shared>>)
          tpu.yield
        }) : () -> ()
        %scan3A_53 = arith.constant 0 : i32
        scf.yield %scan3A_53 : i32
      }
      %scan3A_38 = arith.constant 78 : i32
      %get3A = arith.constant 9984 : index
      %get3A_39 = tpu.vector_load %arg5[%get3A] {strides = array<i32>} : memref<10000xi32, #tpu.memory_space<vmem>>, vector<16xi32>,
      %swap3A = arith.constant 0 : index
      %swap3A_40 = tpu.vector_load %arg8[%swap3A] {strides = array<i32>} : memref<16xi32, #tpu.memory_space<vmem>>, vector<16xi32>,
      tpu.vector_store %arg8[%swap3A], %get3A_39 {strides = array<i32>} : memref<16xi32, #tpu.memory_space<vmem>>, vector<16xi32>,
      "tpu.region"() ({
        %run_scoped3A = tpu.sem_alloc : memref<!tpu.dma_semaphore, #tpu.memory_space<semaphore_mem>>
        %dma_start3A = arith.constant 9984 : i32
        %dma_start3A_42 = tpu.memref_slice %arg6[%dma_start3A] : memref<10000xf32, #tpu.memory_space<vmem>> -> memref<16xf32, #tpu.memory_space<vmem>>
        %dma_start3A_43 = arith.constant 0 : i32
        %dma_start3A_44 = tpu.memref_slice %arg10[%dma_start3A_43] : memref<100096xf32, #tpu.memory_space<vmem_shared>> -> memref<100096xf32, #tpu.memory_space<vmem_shared>>
        tpu.enqueue_indirect_dma source(%dma_start3A_42 : memref<16xf32, #tpu.memory_space<vmem>>) target(%dma_start3A_44 : memref<100096xf32, #tpu.memory_space<vmem_shared>>) offsets(%arg8 : memref<16xi32, #tpu.memory_space<vmem>>) semaphore(%run_scoped3A : memref<!tpu.dma_semaphore, #tpu.memory_space<semaphore_mem>>) {add = true}
        %dma_wait3A = arith.constant 9984 : i32
        %dma_wait3A_45 = tpu.memref_slice %arg6[%dma_wait3A] : memref<10000xf32, #tpu.memory_space<vmem>> -> memref<16xf32, #tpu.memory_space<vmem>>
        %dma_wait3A_46 = arith.constant 0 : i32
        %dma_wait3A_47 = tpu.memref_slice %arg10[%dma_wait3A_46] : memref<100096xf32, #tpu.memory_space<vmem_shared>> -> memref<100096xf32, #tpu.memory_space<vmem_shared>>
        tpu.wait_indirect_dma semaphore(%run_scoped3A : memref<!tpu.dma_semaphore, #tpu.memory_space<semaphore_mem>>) src(%dma_wait3A_45 : memref<16xf32, #tpu.memory_space<vmem>>) dst(%dma_wait3A_47 : memref<100096xf32, #tpu.memory_space<vmem_shared>>)
        tpu.yield
      }) : () -> ()
      %scan3A_41 = arith.constant 0 : i32
      scf.yield %scan3A_41 : i32
    }
    %scan3A_18 = arith.constant 5 : i32
    %barrier3A_19 = arith.constant 0 : index
    tpu.barrier barrier_id(%barrier3A_19)
    %mul3A_20 = arith.constant 6256 : i32
    %mul3A_21 = arith.muli %arg1, %mul3A_20 : i32
    "tpu.region"() ({
      %run_scoped3A = tpu.sem_alloc : memref<!tpu.dma_semaphore, #tpu.memory_space<semaphore_mem>>
      %dma_start3A = tpu.memref_slice %arg10[%mul3A_21] : memref<100096xf32, #tpu.memory_space<vmem_shared>> -> memref<6256xf32, #tpu.memory_space<vmem_shared>>
      %dma_start3A_27 = tpu.memref_slice %arg10[%mul3A_21] : memref<100096xf32, #tpu.memory_space<vmem_shared>> -> memref<6256xf32, #tpu.memory_space<vmem_shared>>
      tpu.enqueue_dma source(%dma_start3A_27 : memref<6256xf32, #tpu.memory_space<vmem_shared>>) target(%arg9 : memref<6256xf32, #tpu.memory_space<vmem>>) target_semaphore(%run_scoped3A : memref<!tpu.dma_semaphore, #tpu.memory_space<semaphore_mem>>)
      %dma_wait3A = tpu.memref_slice %arg10[%mul3A_21] : memref<100096xf32, #tpu.memory_space<vmem_shared>> -> memref<6256xf32, #tpu.memory_space<vmem_shared>>
      %dma_wait3A_28 = tpu.memref_slice %arg10[%mul3A_21] : memref<100096xf32, #tpu.memory_space<vmem_shared>> -> memref<6256xf32, #tpu.memory_space<vmem_shared>>
      tpu.wait_dma2 semaphore(%run_scoped3A : memref<!tpu.dma_semaphore, #tpu.memory_space<semaphore_mem>>) src(%dma_wait3A_28 : memref<6256xf32, #tpu.memory_space<vmem_shared>>) dst(%arg9 : memref<6256xf32, #tpu.memory_space<vmem>>)
      tpu.yield
    }) : () -> ()
    %mul3A_22 = arith.constant 100096 : i32
    %mul3A_23 = arith.muli %arg0, %mul3A_22 : i32
    %mul3A_24 = arith.constant 6256 : i32
    %mul3A_25 = arith.muli %arg1, %mul3A_24 : i32
    %add3A_26 = arith.addi %mul3A_23, %mul3A_25 : i32
    "tpu.region"() ({
      %run_scoped3A = tpu.sem_alloc : memref<!tpu.dma_semaphore, #tpu.memory_space<semaphore_mem>>
      %dma_start3A = tpu.memref_slice %arg4[%add3A_26] : memref<200192xf32, #tpu.memory_space<hbm>> -> memref<6256xf32, #tpu.memory_space<hbm>>
      %dma_start3A_27 = tpu.memref_slice %arg4[%add3A_26] : memref<200192xf32, #tpu.memory_space<hbm>> -> memref<6256xf32, #tpu.memory_space<hbm>>
      tpu.enqueue_dma source(%arg9 : memref<6256xf32, #tpu.memory_space<vmem>>) target(%dma_start3A_27 : memref<6256xf32, #tpu.memory_space<hbm>>) target_semaphore(%run_scoped3A : memref<!tpu.dma_semaphore, #tpu.memory_space<semaphore_mem>>)
      %dma_wait3A = tpu.memref_slice %arg4[%add3A_26] : memref<200192xf32, #tpu.memory_space<hbm>> -> memref<6256xf32, #tpu.memory_space<hbm>>
      %dma_wait3A_28 = tpu.memref_slice %arg4[%add3A_26] : memref<200192xf32, #tpu.memory_space<hbm>> -> memref<6256xf32, #tpu.memory_space<hbm>>
      tpu.wait_dma2 semaphore(%run_scoped3A : memref<!tpu.dma_semaphore, #tpu.memory_space<semaphore_mem>>) src(%arg9 : memref<6256xf32, #tpu.memory_space<vmem>>) dst(%dma_wait3A_28 : memref<6256xf32, #tpu.memory_space<hbm>>)
      tpu.yield
    }) : () -> ()
    return
  }
}

#map = affine_map<(d0, d1) -> (0, 0)>
#map1 = affine_map<(d0, d1) -> (0)>
#map2 = affine_map<(d0, d1) -> (0, 0, 0)>
module attributes {stable_mosaic.version = 14 : i64} {
  func.func @_sc_agg(%arg0: i32, %arg1: i32, %arg2: memref<50000x128xf32, #tpu.memory_space<hbm>>, %arg3: memref<1600000xi32, #tpu.memory_space<hbm>>, %arg4: memref<1600000xi32, #tpu.memory_space<hbm>>, %arg5: memref<1600000xf32, #tpu.memory_space<hbm>>, %arg6: memref<2x100248x64xf32, #tpu.memory_space<hbm>>, %arg7: memref<10000xi32, #tpu.memory_space<vmem>>, %arg8: memref<10000xi32, #tpu.memory_space<vmem>>, %arg9: memref<10000xf32, #tpu.memory_space<vmem>>, %arg10: memref<10752xi32, #tpu.memory_space<vmem>>, %arg11: memref<10752xf32, #tpu.memory_space<vmem>>, %arg12: memref<128xi32, #tpu.memory_space<vmem>>, %arg13: memref<128xi32, #tpu.memory_space<vmem>>, %arg14: memref<128x128xf32, #tpu.memory_space<vmem>>, %arg15: memref<128x64xf32, #tpu.memory_space<vmem>>, %arg16: memref<128x64xf32, #tpu.memory_space<vmem>>, %arg17: memref<7168x64xf32, #tpu.memory_space<vmem_shared>>, %arg18: memref<!tpu.dma_semaphore, #tpu.memory_space<semaphore_mem>>) attributes {dimension_semantics = [#tpu.dimension_semantics<core_parallel>, #tpu.dimension_semantics<subcore_parallel>], iteration_bounds = array<i64: 2, 16>, scalar_prefetch = 0 : i64, scratch_operands = 12 : i64, tpu.core_type = #tpu.core_type<sc_vector_subcore>, window_params = [{transform_indices = #map}, {transform_indices = #map1}, {transform_indices = #map1}, {transform_indices = #map1}, {transform_indices = #map2}]} {
    %mul3A = arith.constant 16 : i32
    %mul3A_0 = arith.muli %arg0, %mul3A : i32
    %add3A = arith.addi %mul3A_0, %arg1 : i32
    %mul3A_1 = arith.constant 50000 : i32
    %mul3A_2 = arith.muli %add3A, %mul3A_1 : i32
    %broadcast_in_dim3A = arith.constant 0.000000e+00 : f32
    %broadcast_in_dim3A_3 = vector.broadcast %broadcast_in_dim3A : f32 to vector<16xf32>
    %iota3A = tpu.iota {dimensions = array<i32: 0>} : vector<16xi32>
    %mul3A_4 = arith.constant 128 : i32
    %mul3A_5 = arith.muli %add3A, %mul3A_4 : i32
    %mul3A_6 = arith.constant 8 : i32
    %mul3A_7 = vector.broadcast %mul3A_6 : i32 to vector<16xi32>
    %mul3A_8 = arith.muli %iota3A, %mul3A_7 : vector<16xi32>
    %add3A_9 = vector.broadcast %mul3A_5 : i32 to vector<16xi32>
    %add3A_10 = arith.addi %add3A_9, %mul3A_8 : vector<16xi32>
    %and3A = arith.constant 7 : i32
    %and3A_11 = vector.broadcast %and3A : i32 to vector<16xi32>
    %and3A_12 = arith.andi %iota3A, %and3A_11 : vector<16xi32>
    %add3A_13 = arith.constant 7160 : i32
    %add3A_14 = vector.broadcast %add3A_13 : i32 to vector<16xi32>
    %add3A_15 = arith.addi %add3A_14, %and3A_12 : vector<16xi32>
    %shift_left3A = arith.constant 17 : i32
    %shift_left3A_16 = vector.broadcast %shift_left3A : i32 to vector<16xi32>
    %shift_left3A_17 = arith.shli %add3A_15, %shift_left3A_16 : vector<16xi32>
    %or3A = arith.ori %add3A_10, %shift_left3A_17 : vector<16xi32>
    %scan3A = arith.constant 0 : i32
    %scan3A_18 = arith.constant 0 : i32
    %scan3A_19 = arith.constant 512 : i32
    %scan3A_20 = arith.addi %scan3A_18, %scan3A_19 : i32
    %scan3A_21 = arith.constant 1 : i32
    %scan3A_22 = scf.for %scan3A_31 = %scan3A_18 to %scan3A_20 step %scan3A_21 iter_args(%scan3A_32 = %scan3A) -> (i32)  : i32 {
      %shift_right_arithmetic3A = arith.constant 2 : i32
      %shift_right_arithmetic3A_33 = arith.shrsi %scan3A_31, %shift_right_arithmetic3A : i32
      %and3A_34 = arith.constant 3 : i32
      %and3A_35 = arith.andi %scan3A_31, %and3A_34 : i32
      %mul3A_36 = arith.constant 16 : i32
      %mul3A_37 = arith.muli %and3A_35, %mul3A_36 : i32
      %swap3A = arith.index_cast %shift_right_arithmetic3A_33 : i32 to index
      %swap3A_38 = arith.index_cast %mul3A_37 : i32 to index
      %swap3A_39 = tpu.vector_load %arg16[%swap3A, %swap3A_38] {strides = array<i32>} : memref<128x64xf32, #tpu.memory_space<vmem>>, vector<16xf32>,
      tpu.vector_store %arg16[%swap3A, %swap3A_38], %broadcast_in_dim3A_3 {strides = array<i32>} : memref<128x64xf32, #tpu.memory_space<vmem>>, vector<16xf32>,
      %scan3A_40 = arith.constant 0 : i32
      scf.yield %scan3A_40 : i32
    }
    %scan3A_23 = arith.constant 512 : i32
    %scan3A_24 = arith.constant 0 : i32
    %scan3A_25 = arith.constant 0 : i32
    %scan3A_26 = arith.constant 14 : i32
    %scan3A_27 = arith.addi %scan3A_25, %scan3A_26 : i32
    %scan3A_28 = arith.constant 1 : i32
    %scan3A_29 = scf.for %scan3A_31 = %scan3A_25 to %scan3A_27 step %scan3A_28 iter_args(%scan3A_32 = %scan3A_24) -> (i32)  : i32 {
      %mul3A_33 = arith.constant 7160 : i32
      %mul3A_34 = arith.muli %scan3A_31, %mul3A_33 : i32
      %mul3A_35 = arith.constant 448 : i32
      %mul3A_36 = arith.muli %arg1, %mul3A_35 : i32
      %add3A_37 = arith.constant 0 : i32
      %add3A_38 = arith.addi %mul3A_36, %add3A_37 : i32
      "tpu.region"() ({
        %run_scoped3A = tpu.sem_alloc : memref<!tpu.dma_semaphore, #tpu.memory_space<semaphore_mem>>
        %dma_start3A = arith.constant 0 : i32
        %dma_start3A_90 = arith.constant 0 : i32
        %dma_start3A_91 = tpu.memref_slice %arg16[%dma_start3A, %dma_start3A_90] : memref<128x64xf32, #tpu.memory_space<vmem>> -> memref<112x64xf32, #tpu.memory_space<vmem>>
        %dma_start3A_92 = arith.constant 0 : i32
        %dma_start3A_93 = tpu.memref_slice %arg17[%add3A_38, %dma_start3A_92] : memref<7168x64xf32, #tpu.memory_space<vmem_shared>> -> memref<112x64xf32, #tpu.memory_space<vmem_shared>>
        %dma_start3A_94 = arith.constant 0 : i32
        %dma_start3A_95 = tpu.memref_slice %arg17[%add3A_38, %dma_start3A_94] : memref<7168x64xf32, #tpu.memory_space<vmem_shared>> -> memref<112x64xf32, #tpu.memory_space<vmem_shared>>
        %dma_start3A_96 = arith.constant 0 : i32
        %dma_start3A_97 = arith.constant 0 : i32
        %dma_start3A_98 = tpu.memref_slice %arg16[%dma_start3A_96, %dma_start3A_97] : memref<128x64xf32, #tpu.memory_space<vmem>> -> memref<112x64xf32, #tpu.memory_space<vmem>>
        tpu.enqueue_dma source(%dma_start3A_98 : memref<112x64xf32, #tpu.memory_space<vmem>>) target(%dma_start3A_95 : memref<112x64xf32, #tpu.memory_space<vmem_shared>>) target_semaphore(%run_scoped3A : memref<!tpu.dma_semaphore, #tpu.memory_space<semaphore_mem>>)
        %dma_wait3A = arith.constant 0 : i32
        %dma_wait3A_99 = arith.constant 0 : i32
        %dma_wait3A_100 = tpu.memref_slice %arg16[%dma_wait3A, %dma_wait3A_99] : memref<128x64xf32, #tpu.memory_space<vmem>> -> memref<112x64xf32, #tpu.memory_space<vmem>>
        %dma_wait3A_101 = arith.constant 0 : i32
        %dma_wait3A_102 = tpu.memref_slice %arg17[%add3A_38, %dma_wait3A_101] : memref<7168x64xf32, #tpu.memory_space<vmem_shared>> -> memref<112x64xf32, #tpu.memory_space<vmem_shared>>
        %dma_wait3A_103 = arith.constant 0 : i32
        %dma_wait3A_104 = tpu.memref_slice %arg17[%add3A_38, %dma_wait3A_103] : memref<7168x64xf32, #tpu.memory_space<vmem_shared>> -> memref<112x64xf32, #tpu.memory_space<vmem_shared>>
        %dma_wait3A_105 = arith.constant 0 : i32
        %dma_wait3A_106 = arith.constant 0 : i32
        %dma_wait3A_107 = tpu.memref_slice %arg16[%dma_wait3A_105, %dma_wait3A_106] : memref<128x64xf32, #tpu.memory_space<vmem>> -> memref<112x64xf32, #tpu.memory_space<vmem>>
        tpu.wait_dma2 semaphore(%run_scoped3A : memref<!tpu.dma_semaphore, #tpu.memory_space<semaphore_mem>>) src(%dma_wait3A_107 : memref<112x64xf32, #tpu.memory_space<vmem>>) dst(%dma_wait3A_104 : memref<112x64xf32, #tpu.memory_space<vmem_shared>>)
        tpu.yield
      }) : () -> ()
      %mul3A_39 = arith.constant 448 : i32
      %mul3A_40 = arith.muli %arg1, %mul3A_39 : i32
      %add3A_41 = arith.constant 112 : i32
      %add3A_42 = arith.addi %mul3A_40, %add3A_41 : i32
      "tpu.region"() ({
        %run_scoped3A = tpu.sem_alloc : memref<!tpu.dma_semaphore, #tpu.memory_space<semaphore_mem>>
        %dma_start3A = arith.constant 0 : i32
        %dma_start3A_90 = arith.constant 0 : i32
        %dma_start3A_91 = tpu.memref_slice %arg16[%dma_start3A, %dma_start3A_90] : memref<128x64xf32, #tpu.memory_space<vmem>> -> memref<112x64xf32, #tpu.memory_space<vmem>>
        %dma_start3A_92 = arith.constant 0 : i32
        %dma_start3A_93 = tpu.memref_slice %arg17[%add3A_42, %dma_start3A_92] : memref<7168x64xf32, #tpu.memory_space<vmem_shared>> -> memref<112x64xf32, #tpu.memory_space<vmem_shared>>
        %dma_start3A_94 = arith.constant 0 : i32
        %dma_start3A_95 = tpu.memref_slice %arg17[%add3A_42, %dma_start3A_94] : memref<7168x64xf32, #tpu.memory_space<vmem_shared>> -> memref<112x64xf32, #tpu.memory_space<vmem_shared>>
        %dma_start3A_96 = arith.constant 0 : i32
        %dma_start3A_97 = arith.constant 0 : i32
        %dma_start3A_98 = tpu.memref_slice %arg16[%dma_start3A_96, %dma_start3A_97] : memref<128x64xf32, #tpu.memory_space<vmem>> -> memref<112x64xf32, #tpu.memory_space<vmem>>
        tpu.enqueue_dma source(%dma_start3A_98 : memref<112x64xf32, #tpu.memory_space<vmem>>) target(%dma_start3A_95 : memref<112x64xf32, #tpu.memory_space<vmem_shared>>) target_semaphore(%run_scoped3A : memref<!tpu.dma_semaphore, #tpu.memory_space<semaphore_mem>>)
        %dma_wait3A = arith.constant 0 : i32
        %dma_wait3A_99 = arith.constant 0 : i32
        %dma_wait3A_100 = tpu.memref_slice %arg16[%dma_wait3A, %dma_wait3A_99] : memref<128x64xf32, #tpu.memory_space<vmem>> -> memref<112x64xf32, #tpu.memory_space<vmem>>
        %dma_wait3A_101 = arith.constant 0 : i32
        %dma_wait3A_102 = tpu.memref_slice %arg17[%add3A_42, %dma_wait3A_101] : memref<7168x64xf32, #tpu.memory_space<vmem_shared>> -> memref<112x64xf32, #tpu.memory_space<vmem_shared>>
        %dma_wait3A_103 = arith.constant 0 : i32
        %dma_wait3A_104 = tpu.memref_slice %arg17[%add3A_42, %dma_wait3A_103] : memref<7168x64xf32, #tpu.memory_space<vmem_shared>> -> memref<112x64xf32, #tpu.memory_space<vmem_shared>>
        %dma_wait3A_105 = arith.constant 0 : i32
        %dma_wait3A_106 = arith.constant 0 : i32
        %dma_wait3A_107 = tpu.memref_slice %arg16[%dma_wait3A_105, %dma_wait3A_106] : memref<128x64xf32, #tpu.memory_space<vmem>> -> memref<112x64xf32, #tpu.memory_space<vmem>>
        tpu.wait_dma2 semaphore(%run_scoped3A : memref<!tpu.dma_semaphore, #tpu.memory_space<semaphore_mem>>) src(%dma_wait3A_107 : memref<112x64xf32, #tpu.memory_space<vmem>>) dst(%dma_wait3A_104 : memref<112x64xf32, #tpu.memory_space<vmem_shared>>)
        tpu.yield
      }) : () -> ()
      %mul3A_43 = arith.constant 448 : i32
      %mul3A_44 = arith.muli %arg1, %mul3A_43 : i32
      %add3A_45 = arith.constant 224 : i32
      %add3A_46 = arith.addi %mul3A_44, %add3A_45 : i32
      "tpu.region"() ({
        %run_scoped3A = tpu.sem_alloc : memref<!tpu.dma_semaphore, #tpu.memory_space<semaphore_mem>>
        %dma_start3A = arith.constant 0 : i32
        %dma_start3A_90 = arith.constant 0 : i32
        %dma_start3A_91 = tpu.memref_slice %arg16[%dma_start3A, %dma_start3A_90] : memref<128x64xf32, #tpu.memory_space<vmem>> -> memref<112x64xf32, #tpu.memory_space<vmem>>
        %dma_start3A_92 = arith.constant 0 : i32
        %dma_start3A_93 = tpu.memref_slice %arg17[%add3A_46, %dma_start3A_92] : memref<7168x64xf32, #tpu.memory_space<vmem_shared>> -> memref<112x64xf32, #tpu.memory_space<vmem_shared>>
        %dma_start3A_94 = arith.constant 0 : i32
        %dma_start3A_95 = tpu.memref_slice %arg17[%add3A_46, %dma_start3A_94] : memref<7168x64xf32, #tpu.memory_space<vmem_shared>> -> memref<112x64xf32, #tpu.memory_space<vmem_shared>>
        %dma_start3A_96 = arith.constant 0 : i32
        %dma_start3A_97 = arith.constant 0 : i32
        %dma_start3A_98 = tpu.memref_slice %arg16[%dma_start3A_96, %dma_start3A_97] : memref<128x64xf32, #tpu.memory_space<vmem>> -> memref<112x64xf32, #tpu.memory_space<vmem>>
        tpu.enqueue_dma source(%dma_start3A_98 : memref<112x64xf32, #tpu.memory_space<vmem>>) target(%dma_start3A_95 : memref<112x64xf32, #tpu.memory_space<vmem_shared>>) target_semaphore(%run_scoped3A : memref<!tpu.dma_semaphore, #tpu.memory_space<semaphore_mem>>)
        %dma_wait3A = arith.constant 0 : i32
        %dma_wait3A_99 = arith.constant 0 : i32
        %dma_wait3A_100 = tpu.memref_slice %arg16[%dma_wait3A, %dma_wait3A_99] : memref<128x64xf32, #tpu.memory_space<vmem>> -> memref<112x64xf32, #tpu.memory_space<vmem>>
        %dma_wait3A_101 = arith.constant 0 : i32
        %dma_wait3A_102 = tpu.memref_slice %arg17[%add3A_46, %dma_wait3A_101] : memref<7168x64xf32, #tpu.memory_space<vmem_shared>> -> memref<112x64xf32, #tpu.memory_space<vmem_shared>>
        %dma_wait3A_103 = arith.constant 0 : i32
        %dma_wait3A_104 = tpu.memref_slice %arg17[%add3A_46, %dma_wait3A_103] : memref<7168x64xf32, #tpu.memory_space<vmem_shared>> -> memref<112x64xf32, #tpu.memory_space<vmem_shared>>
        %dma_wait3A_105 = arith.constant 0 : i32
        %dma_wait3A_106 = arith.constant 0 : i32
        %dma_wait3A_107 = tpu.memref_slice %arg16[%dma_wait3A_105, %dma_wait3A_106] : memref<128x64xf32, #tpu.memory_space<vmem>> -> memref<112x64xf32, #tpu.memory_space<vmem>>
        tpu.wait_dma2 semaphore(%run_scoped3A : memref<!tpu.dma_semaphore, #tpu.memory_space<semaphore_mem>>) src(%dma_wait3A_107 : memref<112x64xf32, #tpu.memory_space<vmem>>) dst(%dma_wait3A_104 : memref<112x64xf32, #tpu.memory_space<vmem_shared>>)
        tpu.yield
      }) : () -> ()
      %mul3A_47 = arith.constant 448 : i32
      %mul3A_48 = arith.muli %arg1, %mul3A_47 : i32
      %add3A_49 = arith.constant 336 : i32
      %add3A_50 = arith.addi %mul3A_48, %add3A_49 : i32
      "tpu.region"() ({
        %run_scoped3A = tpu.sem_alloc : memref<!tpu.dma_semaphore, #tpu.memory_space<semaphore_mem>>
        %dma_start3A = arith.constant 0 : i32
        %dma_start3A_90 = arith.constant 0 : i32
        %dma_start3A_91 = tpu.memref_slice %arg16[%dma_start3A, %dma_start3A_90] : memref<128x64xf32, #tpu.memory_space<vmem>> -> memref<112x64xf32, #tpu.memory_space<vmem>>
        %dma_start3A_92 = arith.constant 0 : i32
        %dma_start3A_93 = tpu.memref_slice %arg17[%add3A_50, %dma_start3A_92] : memref<7168x64xf32, #tpu.memory_space<vmem_shared>> -> memref<112x64xf32, #tpu.memory_space<vmem_shared>>
        %dma_start3A_94 = arith.constant 0 : i32
        %dma_start3A_95 = tpu.memref_slice %arg17[%add3A_50, %dma_start3A_94] : memref<7168x64xf32, #tpu.memory_space<vmem_shared>> -> memref<112x64xf32, #tpu.memory_space<vmem_shared>>
        %dma_start3A_96 = arith.constant 0 : i32
        %dma_start3A_97 = arith.constant 0 : i32
        %dma_start3A_98 = tpu.memref_slice %arg16[%dma_start3A_96, %dma_start3A_97] : memref<128x64xf32, #tpu.memory_space<vmem>> -> memref<112x64xf32, #tpu.memory_space<vmem>>
        tpu.enqueue_dma source(%dma_start3A_98 : memref<112x64xf32, #tpu.memory_space<vmem>>) target(%dma_start3A_95 : memref<112x64xf32, #tpu.memory_space<vmem_shared>>) target_semaphore(%run_scoped3A : memref<!tpu.dma_semaphore, #tpu.memory_space<semaphore_mem>>)
        %dma_wait3A = arith.constant 0 : i32
        %dma_wait3A_99 = arith.constant 0 : i32
        %dma_wait3A_100 = tpu.memref_slice %arg16[%dma_wait3A, %dma_wait3A_99] : memref<128x64xf32, #tpu.memory_space<vmem>> -> memref<112x64xf32, #tpu.memory_space<vmem>>
        %dma_wait3A_101 = arith.constant 0 : i32
        %dma_wait3A_102 = tpu.memref_slice %arg17[%add3A_50, %dma_wait3A_101] : memref<7168x64xf32, #tpu.memory_space<vmem_shared>> -> memref<112x64xf32, #tpu.memory_space<vmem_shared>>
        %dma_wait3A_103 = arith.constant 0 : i32
        %dma_wait3A_104 = tpu.memref_slice %arg17[%add3A_50, %dma_wait3A_103] : memref<7168x64xf32, #tpu.memory_space<vmem_shared>> -> memref<112x64xf32, #tpu.memory_space<vmem_shared>>
        %dma_wait3A_105 = arith.constant 0 : i32
        %dma_wait3A_106 = arith.constant 0 : i32
        %dma_wait3A_107 = tpu.memref_slice %arg16[%dma_wait3A_105, %dma_wait3A_106] : memref<128x64xf32, #tpu.memory_space<vmem>> -> memref<112x64xf32, #tpu.memory_space<vmem>>
        tpu.wait_dma2 semaphore(%run_scoped3A : memref<!tpu.dma_semaphore, #tpu.memory_space<semaphore_mem>>) src(%dma_wait3A_107 : memref<112x64xf32, #tpu.memory_space<vmem>>) dst(%dma_wait3A_104 : memref<112x64xf32, #tpu.memory_space<vmem_shared>>)
        tpu.yield
      }) : () -> ()
      %barrier3A = arith.constant 0 : index
      tpu.barrier barrier_id(%barrier3A)
      %barrier3A_51 = arith.constant 0 : index
      tpu.barrier barrier_id(%barrier3A_51)
      %mul3A_52 = arith.constant 448 : i32
      %mul3A_53 = arith.muli %arg1, %mul3A_52 : i32
      %add3A_54 = arith.constant 0 : i32
      %add3A_55 = arith.addi %mul3A_53, %add3A_54 : i32
      "tpu.region"() ({
        %run_scoped3A = tpu.sem_alloc : memref<!tpu.dma_semaphore, #tpu.memory_space<semaphore_mem>>
        %dma_start3A = arith.constant 0 : i32
        %dma_start3A_90 = arith.constant 0 : i32
        %dma_start3A_91 = tpu.memref_slice %arg15[%dma_start3A, %dma_start3A_90] : memref<128x64xf32, #tpu.memory_space<vmem>> -> memref<112x64xf32, #tpu.memory_space<vmem>>
        %dma_start3A_92 = arith.constant 0 : i32
        %dma_start3A_93 = tpu.memref_slice %arg17[%add3A_55, %dma_start3A_92] : memref<7168x64xf32, #tpu.memory_space<vmem_shared>> -> memref<112x64xf32, #tpu.memory_space<vmem_shared>>
        %dma_start3A_94 = arith.constant 0 : i32
        %dma_start3A_95 = arith.constant 0 : i32
        %dma_start3A_96 = tpu.memref_slice %arg15[%dma_start3A_94, %dma_start3A_95] : memref<128x64xf32, #tpu.memory_space<vmem>> -> memref<112x64xf32, #tpu.memory_space<vmem>>
        %dma_start3A_97 = arith.constant 0 : i32
        %dma_start3A_98 = tpu.memref_slice %arg17[%add3A_55, %dma_start3A_97] : memref<7168x64xf32, #tpu.memory_space<vmem_shared>> -> memref<112x64xf32, #tpu.memory_space<vmem_shared>>
        tpu.enqueue_dma source(%dma_start3A_98 : memref<112x64xf32, #tpu.memory_space<vmem_shared>>) target(%dma_start3A_96 : memref<112x64xf32, #tpu.memory_space<vmem>>) target_semaphore(%run_scoped3A : memref<!tpu.dma_semaphore, #tpu.memory_space<semaphore_mem>>)
        %dma_wait3A = arith.constant 0 : i32
        %dma_wait3A_99 = arith.constant 0 : i32
        %dma_wait3A_100 = tpu.memref_slice %arg15[%dma_wait3A, %dma_wait3A_99] : memref<128x64xf32, #tpu.memory_space<vmem>> -> memref<112x64xf32, #tpu.memory_space<vmem>>
        %dma_wait3A_101 = arith.constant 0 : i32
        %dma_wait3A_102 = tpu.memref_slice %arg17[%add3A_55, %dma_wait3A_101] : memref<7168x64xf32, #tpu.memory_space<vmem_shared>> -> memref<112x64xf32, #tpu.memory_space<vmem_shared>>
        %dma_wait3A_103 = arith.constant 0 : i32
        %dma_wait3A_104 = arith.constant 0 : i32
        %dma_wait3A_105 = tpu.memref_slice %arg15[%dma_wait3A_103, %dma_wait3A_104] : memref<128x64xf32, #tpu.memory_space<vmem>> -> memref<112x64xf32, #tpu.memory_space<vmem>>
        %dma_wait3A_106 = arith.constant 0 : i32
        %dma_wait3A_107 = tpu.memref_slice %arg17[%add3A_55, %dma_wait3A_106] : memref<7168x64xf32, #tpu.memory_space<vmem_shared>> -> memref<112x64xf32, #tpu.memory_space<vmem_shared>>
        tpu.wait_dma2 semaphore(%run_scoped3A : memref<!tpu.dma_semaphore, #tpu.memory_space<semaphore_mem>>) src(%dma_wait3A_107 : memref<112x64xf32, #tpu.memory_space<vmem_shared>>) dst(%dma_wait3A_105 : memref<112x64xf32, #tpu.memory_space<vmem>>)
        tpu.yield
      }) : () -> ()
      %mul3A_56 = arith.constant 448 : i32
      %mul3A_57 = arith.muli %arg1, %mul3A_56 : i32
      %add3A_58 = arith.addi %mul3A_34, %mul3A_57 : i32
      %add3A_59 = arith.constant 0 : i32
      %add3A_60 = arith.addi %add3A_58, %add3A_59 : i32
      "tpu.region"() ({
        %run_scoped3A = tpu.sem_alloc : memref<!tpu.dma_semaphore, #tpu.memory_space<semaphore_mem>>
        %dma_start3A = arith.constant 0 : i32
        %dma_start3A_90 = arith.constant 0 : i32
        %dma_start3A_91 = tpu.memref_slice %arg15[%dma_start3A, %dma_start3A_90] : memref<128x64xf32, #tpu.memory_space<vmem>> -> memref<112x64xf32, #tpu.memory_space<vmem>>
        %dma_start3A_92 = arith.constant 0 : i32
        %dma_start3A_93 = tpu.memref_slice %arg6[%arg0, %add3A_60, %dma_start3A_92] : memref<2x100248x64xf32, #tpu.memory_space<hbm>> -> memref<1x112x64xf32, #tpu.memory_space<hbm>>
        %dma_start3A_94 = tpu.memref_squeeze %dma_start3A_93 : memref<1x112x64xf32, #tpu.memory_space<hbm>> -> memref<112x64xf32, #tpu.memory_space<hbm>>
        %dma_start3A_95 = arith.constant 0 : i32
        %dma_start3A_96 = tpu.memref_slice %arg6[%arg0, %add3A_60, %dma_start3A_95] : memref<2x100248x64xf32, #tpu.memory_space<hbm>> -> memref<1x112x64xf32, #tpu.memory_space<hbm>>
        %dma_start3A_97 = tpu.memref_squeeze %dma_start3A_96 : memref<1x112x64xf32, #tpu.memory_space<hbm>> -> memref<112x64xf32, #tpu.memory_space<hbm>>
        %dma_start3A_98 = arith.constant 0 : i32
        %dma_start3A_99 = arith.constant 0 : i32
        %dma_start3A_100 = tpu.memref_slice %arg15[%dma_start3A_98, %dma_start3A_99] : memref<128x64xf32, #tpu.memory_space<vmem>> -> memref<112x64xf32, #tpu.memory_space<vmem>>
        tpu.enqueue_dma source(%dma_start3A_100 : memref<112x64xf32, #tpu.memory_space<vmem>>) target(%dma_start3A_97 : memref<112x64xf32, #tpu.memory_space<hbm>>) target_semaphore(%run_scoped3A : memref<!tpu.dma_semaphore, #tpu.memory_space<semaphore_mem>>)
        %dma_wait3A = arith.constant 0 : i32
        %dma_wait3A_101 = arith.constant 0 : i32
        %dma_wait3A_102 = tpu.memref_slice %arg15[%dma_wait3A, %dma_wait3A_101] : memref<128x64xf32, #tpu.memory_space<vmem>> -> memref<112x64xf32, #tpu.memory_space<vmem>>
        %dma_wait3A_103 = arith.constant 0 : i32
        %dma_wait3A_104 = tpu.memref_slice %arg6[%arg0, %add3A_60, %dma_wait3A_103] : memref<2x100248x64xf32, #tpu.memory_space<hbm>> -> memref<1x112x64xf32, #tpu.memory_space<hbm>>
        %dma_wait3A_105 = tpu.memref_squeeze %dma_wait3A_104 : memref<1x112x64xf32, #tpu.memory_space<hbm>> -> memref<112x64xf32, #tpu.memory_space<hbm>>
        %dma_wait3A_106 = arith.constant 0 : i32
        %dma_wait3A_107 = tpu.memref_slice %arg6[%arg0, %add3A_60, %dma_wait3A_106] : memref<2x100248x64xf32, #tpu.memory_space<hbm>> -> memref<1x112x64xf32, #tpu.memory_space<hbm>>
        %dma_wait3A_108 = tpu.memref_squeeze %dma_wait3A_107 : memref<1x112x64xf32, #tpu.memory_space<hbm>> -> memref<112x64xf32, #tpu.memory_space<hbm>>
        %dma_wait3A_109 = arith.constant 0 : i32
        %dma_wait3A_110 = arith.constant 0 : i32
        %dma_wait3A_111 = tpu.memref_slice %arg15[%dma_wait3A_109, %dma_wait3A_110] : memref<128x64xf32, #tpu.memory_space<vmem>> -> memref<112x64xf32, #tpu.memory_space<vmem>>
        tpu.wait_dma2 semaphore(%run_scoped3A : memref<!tpu.dma_semaphore, #tpu.memory_space<semaphore_mem>>) src(%dma_wait3A_111 : memref<112x64xf32, #tpu.memory_space<vmem>>) dst(%dma_wait3A_108 : memref<112x64xf32, #tpu.memory_space<hbm>>)
        tpu.yield
      }) : () -> ()
      %mul3A_61 = arith.constant 448 : i32
      %mul3A_62 = arith.muli %arg1, %mul3A_61 : i32
      %add3A_63 = arith.constant 112 : i32
      %add3A_64 = arith.addi %mul3A_62, %add3A_63 : i32
      "tpu.region"() ({
        %run_scoped3A = tpu.sem_alloc : memref<!tpu.dma_semaphore, #tpu.memory_space<semaphore_mem>>
        %dma_start3A = arith.constant 0 : i32
        %dma_start3A_90 = arith.constant 0 : i32
        %dma_start3A_91 = tpu.memref_slice %arg15[%dma_start3A, %dma_start3A_90] : memref<128x64xf32, #tpu.memory_space<vmem>> -> memref<112x64xf32, #tpu.memory_space<vmem>>
        %dma_start3A_92 = arith.constant 0 : i32
        %dma_start3A_93 = tpu.memref_slice %arg17[%add3A_64, %dma_start3A_92] : memref<7168x64xf32, #tpu.memory_space<vmem_shared>> -> memref<112x64xf32, #tpu.memory_space<vmem_shared>>
        %dma_start3A_94 = arith.constant 0 : i32
        %dma_start3A_95 = arith.constant 0 : i32
        %dma_start3A_96 = tpu.memref_slice %arg15[%dma_start3A_94, %dma_start3A_95] : memref<128x64xf32, #tpu.memory_space<vmem>> -> memref<112x64xf32, #tpu.memory_space<vmem>>
        %dma_start3A_97 = arith.constant 0 : i32
        %dma_start3A_98 = tpu.memref_slice %arg17[%add3A_64, %dma_start3A_97] : memref<7168x64xf32, #tpu.memory_space<vmem_shared>> -> memref<112x64xf32, #tpu.memory_space<vmem_shared>>
        tpu.enqueue_dma source(%dma_start3A_98 : memref<112x64xf32, #tpu.memory_space<vmem_shared>>) target(%dma_start3A_96 : memref<112x64xf32, #tpu.memory_space<vmem>>) target_semaphore(%run_scoped3A : memref<!tpu.dma_semaphore, #tpu.memory_space<semaphore_mem>>)
        %dma_wait3A = arith.constant 0 : i32
        %dma_wait3A_99 = arith.constant 0 : i32
        %dma_wait3A_100 = tpu.memref_slice %arg15[%dma_wait3A, %dma_wait3A_99] : memref<128x64xf32, #tpu.memory_space<vmem>> -> memref<112x64xf32, #tpu.memory_space<vmem>>
        %dma_wait3A_101 = arith.constant 0 : i32
        %dma_wait3A_102 = tpu.memref_slice %arg17[%add3A_64, %dma_wait3A_101] : memref<7168x64xf32, #tpu.memory_space<vmem_shared>> -> memref<112x64xf32, #tpu.memory_space<vmem_shared>>
        %dma_wait3A_103 = arith.constant 0 : i32
        %dma_wait3A_104 = arith.constant 0 : i32
        %dma_wait3A_105 = tpu.memref_slice %arg15[%dma_wait3A_103, %dma_wait3A_104] : memref<128x64xf32, #tpu.memory_space<vmem>> -> memref<112x64xf32, #tpu.memory_space<vmem>>
        %dma_wait3A_106 = arith.constant 0 : i32
        %dma_wait3A_107 = tpu.memref_slice %arg17[%add3A_64, %dma_wait3A_106] : memref<7168x64xf32, #tpu.memory_space<vmem_shared>> -> memref<112x64xf32, #tpu.memory_space<vmem_shared>>
        tpu.wait_dma2 semaphore(%run_scoped3A : memref<!tpu.dma_semaphore, #tpu.memory_space<semaphore_mem>>) src(%dma_wait3A_107 : memref<112x64xf32, #tpu.memory_space<vmem_shared>>) dst(%dma_wait3A_105 : memref<112x64xf32, #tpu.memory_space<vmem>>)
        tpu.yield
      }) : () -> ()
      %mul3A_65 = arith.constant 448 : i32
      %mul3A_66 = arith.muli %arg1, %mul3A_65 : i32
      %add3A_67 = arith.addi %mul3A_34, %mul3A_66 : i32
      %add3A_68 = arith.constant 112 : i32
      %add3A_69 = arith.addi %add3A_67, %add3A_68 : i32
      "tpu.region"() ({
        %run_scoped3A = tpu.sem_alloc : memref<!tpu.dma_semaphore, #tpu.memory_space<semaphore_mem>>
        %dma_start3A = arith.constant 0 : i32
        %dma_start3A_90 = arith.constant 0 : i32
        %dma_start3A_91 = tpu.memref_slice %arg15[%dma_start3A, %dma_start3A_90] : memref<128x64xf32, #tpu.memory_space<vmem>> -> memref<112x64xf32, #tpu.memory_space<vmem>>
        %dma_start3A_92 = arith.constant 0 : i32
        %dma_start3A_93 = tpu.memref_slice %arg6[%arg0, %add3A_69, %dma_start3A_92] : memref<2x100248x64xf32, #tpu.memory_space<hbm>> -> memref<1x112x64xf32, #tpu.memory_space<hbm>>
        %dma_start3A_94 = tpu.memref_squeeze %dma_start3A_93 : memref<1x112x64xf32, #tpu.memory_space<hbm>> -> memref<112x64xf32, #tpu.memory_space<hbm>>
        %dma_start3A_95 = arith.constant 0 : i32
        %dma_start3A_96 = tpu.memref_slice %arg6[%arg0, %add3A_69, %dma_start3A_95] : memref<2x100248x64xf32, #tpu.memory_space<hbm>> -> memref<1x112x64xf32, #tpu.memory_space<hbm>>
        %dma_start3A_97 = tpu.memref_squeeze %dma_start3A_96 : memref<1x112x64xf32, #tpu.memory_space<hbm>> -> memref<112x64xf32, #tpu.memory_space<hbm>>
        %dma_start3A_98 = arith.constant 0 : i32
        %dma_start3A_99 = arith.constant 0 : i32
        %dma_start3A_100 = tpu.memref_slice %arg15[%dma_start3A_98, %dma_start3A_99] : memref<128x64xf32, #tpu.memory_space<vmem>> -> memref<112x64xf32, #tpu.memory_space<vmem>>
        tpu.enqueue_dma source(%dma_start3A_100 : memref<112x64xf32, #tpu.memory_space<vmem>>) target(%dma_start3A_97 : memref<112x64xf32, #tpu.memory_space<hbm>>) target_semaphore(%run_scoped3A : memref<!tpu.dma_semaphore, #tpu.memory_space<semaphore_mem>>)
        %dma_wait3A = arith.constant 0 : i32
        %dma_wait3A_101 = arith.constant 0 : i32
        %dma_wait3A_102 = tpu.memref_slice %arg15[%dma_wait3A, %dma_wait3A_101] : memref<128x64xf32, #tpu.memory_space<vmem>> -> memref<112x64xf32, #tpu.memory_space<vmem>>
        %dma_wait3A_103 = arith.constant 0 : i32
        %dma_wait3A_104 = tpu.memref_slice %arg6[%arg0, %add3A_69, %dma_wait3A_103] : memref<2x100248x64xf32, #tpu.memory_space<hbm>> -> memref<1x112x64xf32, #tpu.memory_space<hbm>>
        %dma_wait3A_105 = tpu.memref_squeeze %dma_wait3A_104 : memref<1x112x64xf32, #tpu.memory_space<hbm>> -> memref<112x64xf32, #tpu.memory_space<hbm>>
        %dma_wait3A_106 = arith.constant 0 : i32
        %dma_wait3A_107 = tpu.memref_slice %arg6[%arg0, %add3A_69, %dma_wait3A_106] : memref<2x100248x64xf32, #tpu.memory_space<hbm>> -> memref<1x112x64xf32, #tpu.memory_space<hbm>>
        %dma_wait3A_108 = tpu.memref_squeeze %dma_wait3A_107 : memref<1x112x64xf32, #tpu.memory_space<hbm>> -> memref<112x64xf32, #tpu.memory_space<hbm>>
        %dma_wait3A_109 = arith.constant 0 : i32
        %dma_wait3A_110 = arith.constant 0 : i32
        %dma_wait3A_111 = tpu.memref_slice %arg15[%dma_wait3A_109, %dma_wait3A_110] : memref<128x64xf32, #tpu.memory_space<vmem>> -> memref<112x64xf32, #tpu.memory_space<vmem>>
        tpu.wait_dma2 semaphore(%run_scoped3A : memref<!tpu.dma_semaphore, #tpu.memory_space<semaphore_mem>>) src(%dma_wait3A_111 : memref<112x64xf32, #tpu.memory_space<vmem>>) dst(%dma_wait3A_108 : memref<112x64xf32, #tpu.memory_space<hbm>>)
        tpu.yield
      }) : () -> ()
      %mul3A_70 = arith.constant 448 : i32
      %mul3A_71 = arith.muli %arg1, %mul3A_70 : i32
      %add3A_72 = arith.constant 224 : i32
      %add3A_73 = arith.addi %mul3A_71, %add3A_72 : i32
      "tpu.region"() ({
        %run_scoped3A = tpu.sem_alloc : memref<!tpu.dma_semaphore, #tpu.memory_space<semaphore_mem>>
        %dma_start3A = arith.constant 0 : i32
        %dma_start3A_90 = arith.constant 0 : i32
        %dma_start3A_91 = tpu.memref_slice %arg15[%dma_start3A, %dma_start3A_90] : memref<128x64xf32, #tpu.memory_space<vmem>> -> memref<112x64xf32, #tpu.memory_space<vmem>>
        %dma_start3A_92 = arith.constant 0 : i32
        %dma_start3A_93 = tpu.memref_slice %arg17[%add3A_73, %dma_start3A_92] : memref<7168x64xf32, #tpu.memory_space<vmem_shared>> -> memref<112x64xf32, #tpu.memory_space<vmem_shared>>
        %dma_start3A_94 = arith.constant 0 : i32
        %dma_start3A_95 = arith.constant 0 : i32
        %dma_start3A_96 = tpu.memref_slice %arg15[%dma_start3A_94, %dma_start3A_95] : memref<128x64xf32, #tpu.memory_space<vmem>> -> memref<112x64xf32, #tpu.memory_space<vmem>>
        %dma_start3A_97 = arith.constant 0 : i32
        %dma_start3A_98 = tpu.memref_slice %arg17[%add3A_73, %dma_start3A_97] : memref<7168x64xf32, #tpu.memory_space<vmem_shared>> -> memref<112x64xf32, #tpu.memory_space<vmem_shared>>
        tpu.enqueue_dma source(%dma_start3A_98 : memref<112x64xf32, #tpu.memory_space<vmem_shared>>) target(%dma_start3A_96 : memref<112x64xf32, #tpu.memory_space<vmem>>) target_semaphore(%run_scoped3A : memref<!tpu.dma_semaphore, #tpu.memory_space<semaphore_mem>>)
        %dma_wait3A = arith.constant 0 : i32
        %dma_wait3A_99 = arith.constant 0 : i32
        %dma_wait3A_100 = tpu.memref_slice %arg15[%dma_wait3A, %dma_wait3A_99] : memref<128x64xf32, #tpu.memory_space<vmem>> -> memref<112x64xf32, #tpu.memory_space<vmem>>
        %dma_wait3A_101 = arith.constant 0 : i32
        %dma_wait3A_102 = tpu.memref_slice %arg17[%add3A_73, %dma_wait3A_101] : memref<7168x64xf32, #tpu.memory_space<vmem_shared>> -> memref<112x64xf32, #tpu.memory_space<vmem_shared>>
        %dma_wait3A_103 = arith.constant 0 : i32
        %dma_wait3A_104 = arith.constant 0 : i32
        %dma_wait3A_105 = tpu.memref_slice %arg15[%dma_wait3A_103, %dma_wait3A_104] : memref<128x64xf32, #tpu.memory_space<vmem>> -> memref<112x64xf32, #tpu.memory_space<vmem>>
        %dma_wait3A_106 = arith.constant 0 : i32
        %dma_wait3A_107 = tpu.memref_slice %arg17[%add3A_73, %dma_wait3A_106] : memref<7168x64xf32, #tpu.memory_space<vmem_shared>> -> memref<112x64xf32, #tpu.memory_space<vmem_shared>>
        tpu.wait_dma2 semaphore(%run_scoped3A : memref<!tpu.dma_semaphore, #tpu.memory_space<semaphore_mem>>) src(%dma_wait3A_107 : memref<112x64xf32, #tpu.memory_space<vmem_shared>>) dst(%dma_wait3A_105 : memref<112x64xf32, #tpu.memory_space<vmem>>)
        tpu.yield
      }) : () -> ()
      %mul3A_74 = arith.constant 448 : i32
      %mul3A_75 = arith.muli %arg1, %mul3A_74 : i32
      %add3A_76 = arith.addi %mul3A_34, %mul3A_75 : i32
      %add3A_77 = arith.constant 224 : i32
      %add3A_78 = arith.addi %add3A_76, %add3A_77 : i32
      "tpu.region"() ({
        %run_scoped3A = tpu.sem_alloc : memref<!tpu.dma_semaphore, #tpu.memory_space<semaphore_mem>>
        %dma_start3A = arith.constant 0 : i32
        %dma_start3A_90 = arith.constant 0 : i32
        %dma_start3A_91 = tpu.memref_slice %arg15[%dma_start3A, %dma_start3A_90] : memref<128x64xf32, #tpu.memory_space<vmem>> -> memref<112x64xf32, #tpu.memory_space<vmem>>
        %dma_start3A_92 = arith.constant 0 : i32
        %dma_start3A_93 = tpu.memref_slice %arg6[%arg0, %add3A_78, %dma_start3A_92] : memref<2x100248x64xf32, #tpu.memory_space<hbm>> -> memref<1x112x64xf32, #tpu.memory_space<hbm>>
        %dma_start3A_94 = tpu.memref_squeeze %dma_start3A_93 : memref<1x112x64xf32, #tpu.memory_space<hbm>> -> memref<112x64xf32, #tpu.memory_space<hbm>>
        %dma_start3A_95 = arith.constant 0 : i32
        %dma_start3A_96 = tpu.memref_slice %arg6[%arg0, %add3A_78, %dma_start3A_95] : memref<2x100248x64xf32, #tpu.memory_space<hbm>> -> memref<1x112x64xf32, #tpu.memory_space<hbm>>
        %dma_start3A_97 = tpu.memref_squeeze %dma_start3A_96 : memref<1x112x64xf32, #tpu.memory_space<hbm>> -> memref<112x64xf32, #tpu.memory_space<hbm>>
        %dma_start3A_98 = arith.constant 0 : i32
        %dma_start3A_99 = arith.constant 0 : i32
        %dma_start3A_100 = tpu.memref_slice %arg15[%dma_start3A_98, %dma_start3A_99] : memref<128x64xf32, #tpu.memory_space<vmem>> -> memref<112x64xf32, #tpu.memory_space<vmem>>
        tpu.enqueue_dma source(%dma_start3A_100 : memref<112x64xf32, #tpu.memory_space<vmem>>) target(%dma_start3A_97 : memref<112x64xf32, #tpu.memory_space<hbm>>) target_semaphore(%run_scoped3A : memref<!tpu.dma_semaphore, #tpu.memory_space<semaphore_mem>>)
        %dma_wait3A = arith.constant 0 : i32
        %dma_wait3A_101 = arith.constant 0 : i32
        %dma_wait3A_102 = tpu.memref_slice %arg15[%dma_wait3A, %dma_wait3A_101] : memref<128x64xf32, #tpu.memory_space<vmem>> -> memref<112x64xf32, #tpu.memory_space<vmem>>
        %dma_wait3A_103 = arith.constant 0 : i32
        %dma_wait3A_104 = tpu.memref_slice %arg6[%arg0, %add3A_78, %dma_wait3A_103] : memref<2x100248x64xf32, #tpu.memory_space<hbm>> -> memref<1x112x64xf32, #tpu.memory_space<hbm>>
        %dma_wait3A_105 = tpu.memref_squeeze %dma_wait3A_104 : memref<1x112x64xf32, #tpu.memory_space<hbm>> -> memref<112x64xf32, #tpu.memory_space<hbm>>
        %dma_wait3A_106 = arith.constant 0 : i32
        %dma_wait3A_107 = tpu.memref_slice %arg6[%arg0, %add3A_78, %dma_wait3A_106] : memref<2x100248x64xf32, #tpu.memory_space<hbm>> -> memref<1x112x64xf32, #tpu.memory_space<hbm>>
        %dma_wait3A_108 = tpu.memref_squeeze %dma_wait3A_107 : memref<1x112x64xf32, #tpu.memory_space<hbm>> -> memref<112x64xf32, #tpu.memory_space<hbm>>
        %dma_wait3A_109 = arith.constant 0 : i32
        %dma_wait3A_110 = arith.constant 0 : i32
        %dma_wait3A_111 = tpu.memref_slice %arg15[%dma_wait3A_109, %dma_wait3A_110] : memref<128x64xf32, #tpu.memory_space<vmem>> -> memref<112x64xf32, #tpu.memory_space<vmem>>
        tpu.wait_dma2 semaphore(%run_scoped3A : memref<!tpu.dma_semaphore, #tpu.memory_space<semaphore_mem>>) src(%dma_wait3A_111 : memref<112x64xf32, #tpu.memory_space<vmem>>) dst(%dma_wait3A_108 : memref<112x64xf32, #tpu.memory_space<hbm>>)
        tpu.yield
      }) : () -> ()
      %mul3A_79 = arith.constant 448 : i32
      %mul3A_80 = arith.muli %arg1, %mul3A_79 : i32
      %add3A_81 = arith.constant 336 : i32
      %add3A_82 = arith.addi %mul3A_80, %add3A_81 : i32
      "tpu.region"() ({
        %run_scoped3A = tpu.sem_alloc : memref<!tpu.dma_semaphore, #tpu.memory_space<semaphore_mem>>
        %dma_start3A = arith.constant 0 : i32
        %dma_start3A_90 = arith.constant 0 : i32
        %dma_start3A_91 = tpu.memref_slice %arg15[%dma_start3A, %dma_start3A_90] : memref<128x64xf32, #tpu.memory_space<vmem>> -> memref<112x64xf32, #tpu.memory_space<vmem>>
        %dma_start3A_92 = arith.constant 0 : i32
        %dma_start3A_93 = tpu.memref_slice %arg17[%add3A_82, %dma_start3A_92] : memref<7168x64xf32, #tpu.memory_space<vmem_shared>> -> memref<112x64xf32, #tpu.memory_space<vmem_shared>>
        %dma_start3A_94 = arith.constant 0 : i32
        %dma_start3A_95 = arith.constant 0 : i32
        %dma_start3A_96 = tpu.memref_slice %arg15[%dma_start3A_94, %dma_start3A_95] : memref<128x64xf32, #tpu.memory_space<vmem>> -> memref<112x64xf32, #tpu.memory_space<vmem>>
        %dma_start3A_97 = arith.constant 0 : i32
        %dma_start3A_98 = tpu.memref_slice %arg17[%add3A_82, %dma_start3A_97] : memref<7168x64xf32, #tpu.memory_space<vmem_shared>> -> memref<112x64xf32, #tpu.memory_space<vmem_shared>>
        tpu.enqueue_dma source(%dma_start3A_98 : memref<112x64xf32, #tpu.memory_space<vmem_shared>>) target(%dma_start3A_96 : memref<112x64xf32, #tpu.memory_space<vmem>>) target_semaphore(%run_scoped3A : memref<!tpu.dma_semaphore, #tpu.memory_space<semaphore_mem>>)
        %dma_wait3A = arith.constant 0 : i32
        %dma_wait3A_99 = arith.constant 0 : i32
        %dma_wait3A_100 = tpu.memref_slice %arg15[%dma_wait3A, %dma_wait3A_99] : memref<128x64xf32, #tpu.memory_space<vmem>> -> memref<112x64xf32, #tpu.memory_space<vmem>>
        %dma_wait3A_101 = arith.constant 0 : i32
        %dma_wait3A_102 = tpu.memref_slice %arg17[%add3A_82, %dma_wait3A_101] : memref<7168x64xf32, #tpu.memory_space<vmem_shared>> -> memref<112x64xf32, #tpu.memory_space<vmem_shared>>
        %dma_wait3A_103 = arith.constant 0 : i32
        %dma_wait3A_104 = arith.constant 0 : i32
        %dma_wait3A_105 = tpu.memref_slice %arg15[%dma_wait3A_103, %dma_wait3A_104] : memref<128x64xf32, #tpu.memory_space<vmem>> -> memref<112x64xf32, #tpu.memory_space<vmem>>
        %dma_wait3A_106 = arith.constant 0 : i32
        %dma_wait3A_107 = tpu.memref_slice %arg17[%add3A_82, %dma_wait3A_106] : memref<7168x64xf32, #tpu.memory_space<vmem_shared>> -> memref<112x64xf32, #tpu.memory_space<vmem_shared>>
        tpu.wait_dma2 semaphore(%run_scoped3A : memref<!tpu.dma_semaphore, #tpu.memory_space<semaphore_mem>>) src(%dma_wait3A_107 : memref<112x64xf32, #tpu.memory_space<vmem_shared>>) dst(%dma_wait3A_105 : memref<112x64xf32, #tpu.memory_space<vmem>>)
        tpu.yield
      }) : () -> ()
      %mul3A_83 = arith.constant 448 : i32
      %mul3A_84 = arith.muli %arg1, %mul3A_83 : i32
      %add3A_85 = arith.addi %mul3A_34, %mul3A_84 : i32
      %add3A_86 = arith.constant 336 : i32
      %add3A_87 = arith.addi %add3A_85, %add3A_86 : i32
      "tpu.region"() ({
        %run_scoped3A = tpu.sem_alloc : memref<!tpu.dma_semaphore, #tpu.memory_space<semaphore_mem>>
        %dma_start3A = arith.constant 0 : i32
        %dma_start3A_90 = arith.constant 0 : i32
        %dma_start3A_91 = tpu.memref_slice %arg15[%dma_start3A, %dma_start3A_90] : memref<128x64xf32, #tpu.memory_space<vmem>> -> memref<112x64xf32, #tpu.memory_space<vmem>>
        %dma_start3A_92 = arith.constant 0 : i32
        %dma_start3A_93 = tpu.memref_slice %arg6[%arg0, %add3A_87, %dma_start3A_92] : memref<2x100248x64xf32, #tpu.memory_space<hbm>> -> memref<1x112x64xf32, #tpu.memory_space<hbm>>
        %dma_start3A_94 = tpu.memref_squeeze %dma_start3A_93 : memref<1x112x64xf32, #tpu.memory_space<hbm>> -> memref<112x64xf32, #tpu.memory_space<hbm>>
        %dma_start3A_95 = arith.constant 0 : i32
        %dma_start3A_96 = tpu.memref_slice %arg6[%arg0, %add3A_87, %dma_start3A_95] : memref<2x100248x64xf32, #tpu.memory_space<hbm>> -> memref<1x112x64xf32, #tpu.memory_space<hbm>>
        %dma_start3A_97 = tpu.memref_squeeze %dma_start3A_96 : memref<1x112x64xf32, #tpu.memory_space<hbm>> -> memref<112x64xf32, #tpu.memory_space<hbm>>
        %dma_start3A_98 = arith.constant 0 : i32
        %dma_start3A_99 = arith.constant 0 : i32
        %dma_start3A_100 = tpu.memref_slice %arg15[%dma_start3A_98, %dma_start3A_99] : memref<128x64xf32, #tpu.memory_space<vmem>> -> memref<112x64xf32, #tpu.memory_space<vmem>>
        tpu.enqueue_dma source(%dma_start3A_100 : memref<112x64xf32, #tpu.memory_space<vmem>>) target(%dma_start3A_97 : memref<112x64xf32, #tpu.memory_space<hbm>>) target_semaphore(%run_scoped3A : memref<!tpu.dma_semaphore, #tpu.memory_space<semaphore_mem>>)
        %dma_wait3A = arith.constant 0 : i32
        %dma_wait3A_101 = arith.constant 0 : i32
        %dma_wait3A_102 = tpu.memref_slice %arg15[%dma_wait3A, %dma_wait3A_101] : memref<128x64xf32, #tpu.memory_space<vmem>> -> memref<112x64xf32, #tpu.memory_space<vmem>>
        %dma_wait3A_103 = arith.constant 0 : i32
        %dma_wait3A_104 = tpu.memref_slice %arg6[%arg0, %add3A_87, %dma_wait3A_103] : memref<2x100248x64xf32, #tpu.memory_space<hbm>> -> memref<1x112x64xf32, #tpu.memory_space<hbm>>
        %dma_wait3A_105 = tpu.memref_squeeze %dma_wait3A_104 : memref<1x112x64xf32, #tpu.memory_space<hbm>> -> memref<112x64xf32, #tpu.memory_space<hbm>>
        %dma_wait3A_106 = arith.constant 0 : i32
        %dma_wait3A_107 = tpu.memref_slice %arg6[%arg0, %add3A_87, %dma_wait3A_106] : memref<2x100248x64xf32, #tpu.memory_space<hbm>> -> memref<1x112x64xf32, #tpu.memory_space<hbm>>
        %dma_wait3A_108 = tpu.memref_squeeze %dma_wait3A_107 : memref<1x112x64xf32, #tpu.memory_space<hbm>> -> memref<112x64xf32, #tpu.memory_space<hbm>>
        %dma_wait3A_109 = arith.constant 0 : i32
        %dma_wait3A_110 = arith.constant 0 : i32
        %dma_wait3A_111 = tpu.memref_slice %arg15[%dma_wait3A_109, %dma_wait3A_110] : memref<128x64xf32, #tpu.memory_space<vmem>> -> memref<112x64xf32, #tpu.memory_space<vmem>>
        tpu.wait_dma2 semaphore(%run_scoped3A : memref<!tpu.dma_semaphore, #tpu.memory_space<semaphore_mem>>) src(%dma_wait3A_111 : memref<112x64xf32, #tpu.memory_space<vmem>>) dst(%dma_wait3A_108 : memref<112x64xf32, #tpu.memory_space<hbm>>)
        tpu.yield
      }) : () -> ()
      %barrier3A_88 = arith.constant 0 : index
      tpu.barrier barrier_id(%barrier3A_88)
      %scan3A_89 = arith.constant 0 : i32
      scf.yield %scan3A_89 : i32
    }
    %scan3A_30 = arith.constant 14 : i32
    return
  }
}

#map = affine_map<(d0, d1) -> (0, 0)>
#map1 = affine_map<(d0, d1) -> (0)>
#map2 = affine_map<(d0, d1) -> (0, 0, 0)>
module attributes {stable_mosaic.version = 14 : i64} {
  func.func @_sc_agg(%arg0: i32, %arg1: i32, %arg2: memref<50000x128xf32, #tpu.memory_space<hbm>>, %arg3: memref<1600000xi32, #tpu.memory_space<hbm>>, %arg4: memref<1600000xi32, #tpu.memory_space<hbm>>, %arg5: memref<1600000xf32, #tpu.memory_space<hbm>>, %arg6: memref<2x100248x64xf32, #tpu.memory_space<hbm>>, %arg7: memref<10000xi32, #tpu.memory_space<vmem>>, %arg8: memref<10000xi32, #tpu.memory_space<vmem>>, %arg9: memref<10000xf32, #tpu.memory_space<vmem>>, %arg10: memref<10752xi32, #tpu.memory_space<vmem>>, %arg11: memref<10752xf32, #tpu.memory_space<vmem>>, %arg12: memref<128xi32, #tpu.memory_space<vmem>>, %arg13: memref<128xi32, #tpu.memory_space<vmem>>, %arg14: memref<128x128xf32, #tpu.memory_space<vmem>>, %arg15: memref<128x64xf32, #tpu.memory_space<vmem>>, %arg16: memref<128x64xf32, #tpu.memory_space<vmem>>, %arg17: memref<7168x64xf32, #tpu.memory_space<vmem_shared>>, %arg18: memref<!tpu.dma_semaphore, #tpu.memory_space<semaphore_mem>>) attributes {dimension_semantics = [#tpu.dimension_semantics<core_parallel>, #tpu.dimension_semantics<subcore_parallel>], iteration_bounds = array<i64: 2, 16>, scalar_prefetch = 0 : i64, scratch_operands = 12 : i64, tpu.core_type = #tpu.core_type<sc_vector_subcore>, window_params = [{transform_indices = #map}, {transform_indices = #map1}, {transform_indices = #map1}, {transform_indices = #map1}, {transform_indices = #map2}]} {
    %mul3A = arith.constant 16 : i32
    %mul3A_0 = arith.muli %arg0, %mul3A : i32
    %add3A = arith.addi %mul3A_0, %arg1 : i32
    %mul3A_1 = arith.constant 50000 : i32
    %mul3A_2 = arith.muli %add3A, %mul3A_1 : i32
    %broadcast_in_dim3A = arith.constant 0.000000e+00 : f32
    %broadcast_in_dim3A_3 = vector.broadcast %broadcast_in_dim3A : f32 to vector<16xf32>
    %iota3A = tpu.iota {dimensions = array<i32: 0>} : vector<16xi32>
    %mul3A_4 = arith.constant 128 : i32
    %mul3A_5 = arith.muli %add3A, %mul3A_4 : i32
    %mul3A_6 = arith.constant 8 : i32
    %mul3A_7 = vector.broadcast %mul3A_6 : i32 to vector<16xi32>
    %mul3A_8 = arith.muli %iota3A, %mul3A_7 : vector<16xi32>
    %add3A_9 = vector.broadcast %mul3A_5 : i32 to vector<16xi32>
    %add3A_10 = arith.addi %add3A_9, %mul3A_8 : vector<16xi32>
    %and3A = arith.constant 7 : i32
    %and3A_11 = vector.broadcast %and3A : i32 to vector<16xi32>
    %and3A_12 = arith.andi %iota3A, %and3A_11 : vector<16xi32>
    %add3A_13 = arith.constant 7160 : i32
    %add3A_14 = vector.broadcast %add3A_13 : i32 to vector<16xi32>
    %add3A_15 = arith.addi %add3A_14, %and3A_12 : vector<16xi32>
    %shift_left3A = arith.constant 17 : i32
    %shift_left3A_16 = vector.broadcast %shift_left3A : i32 to vector<16xi32>
    %shift_left3A_17 = arith.shli %add3A_15, %shift_left3A_16 : vector<16xi32>
    %or3A = arith.ori %add3A_10, %shift_left3A_17 : vector<16xi32>
    %scan3A = arith.constant 0 : i32
    %scan3A_18 = arith.constant 0 : i32
    %scan3A_19 = arith.constant 512 : i32
    %scan3A_20 = arith.addi %scan3A_18, %scan3A_19 : i32
    %scan3A_21 = arith.constant 1 : i32
    %scan3A_22 = scf.for %scan3A_31 = %scan3A_18 to %scan3A_20 step %scan3A_21 iter_args(%scan3A_32 = %scan3A) -> (i32)  : i32 {
      %shift_right_arithmetic3A = arith.constant 2 : i32
      %shift_right_arithmetic3A_33 = arith.shrsi %scan3A_31, %shift_right_arithmetic3A : i32
      %and3A_34 = arith.constant 3 : i32
      %and3A_35 = arith.andi %scan3A_31, %and3A_34 : i32
      %mul3A_36 = arith.constant 16 : i32
      %mul3A_37 = arith.muli %and3A_35, %mul3A_36 : i32
      %swap3A = arith.index_cast %shift_right_arithmetic3A_33 : i32 to index
      %swap3A_38 = arith.index_cast %mul3A_37 : i32 to index
      %swap3A_39 = tpu.vector_load %arg16[%swap3A, %swap3A_38] {strides = array<i32>} : memref<128x64xf32, #tpu.memory_space<vmem>>, vector<16xf32>,
      tpu.vector_store %arg16[%swap3A, %swap3A_38], %broadcast_in_dim3A_3 {strides = array<i32>} : memref<128x64xf32, #tpu.memory_space<vmem>>, vector<16xf32>,
      %scan3A_40 = arith.constant 0 : i32
      scf.yield %scan3A_40 : i32
    }
    %scan3A_23 = arith.constant 512 : i32
    %scan3A_24 = arith.constant 0 : i32
    %scan3A_25 = arith.constant 0 : i32
    %scan3A_26 = arith.constant 14 : i32
    %scan3A_27 = arith.addi %scan3A_25, %scan3A_26 : i32
    %scan3A_28 = arith.constant 1 : i32
    %scan3A_29 = scf.for %scan3A_31 = %scan3A_25 to %scan3A_27 step %scan3A_28 iter_args(%scan3A_32 = %scan3A_24) -> (i32)  : i32 {
      %mul3A_33 = arith.constant 7160 : i32
      %mul3A_34 = arith.muli %scan3A_31, %mul3A_33 : i32
      %mul3A_35 = arith.constant 448 : i32
      %mul3A_36 = arith.muli %arg1, %mul3A_35 : i32
      %add3A_37 = arith.constant 0 : i32
      %add3A_38 = arith.addi %mul3A_36, %add3A_37 : i32
      "tpu.region"() ({
        %run_scoped3A = tpu.sem_alloc : memref<!tpu.dma_semaphore, #tpu.memory_space<semaphore_mem>>
        %dma_start3A = arith.constant 0 : i32
        %dma_start3A_90 = arith.constant 0 : i32
        %dma_start3A_91 = tpu.memref_slice %arg16[%dma_start3A, %dma_start3A_90] : memref<128x64xf32, #tpu.memory_space<vmem>> -> memref<112x64xf32, #tpu.memory_space<vmem>>
        %dma_start3A_92 = arith.constant 0 : i32
        %dma_start3A_93 = tpu.memref_slice %arg17[%add3A_38, %dma_start3A_92] : memref<7168x64xf32, #tpu.memory_space<vmem_shared>> -> memref<112x64xf32, #tpu.memory_space<vmem_shared>>
        %dma_start3A_94 = arith.constant 0 : i32
        %dma_start3A_95 = tpu.memref_slice %arg17[%add3A_38, %dma_start3A_94] : memref<7168x64xf32, #tpu.memory_space<vmem_shared>> -> memref<112x64xf32, #tpu.memory_space<vmem_shared>>
        %dma_start3A_96 = arith.constant 0 : i32
        %dma_start3A_97 = arith.constant 0 : i32
        %dma_start3A_98 = tpu.memref_slice %arg16[%dma_start3A_96, %dma_start3A_97] : memref<128x64xf32, #tpu.memory_space<vmem>> -> memref<112x64xf32, #tpu.memory_space<vmem>>
        tpu.enqueue_dma source(%dma_start3A_98 : memref<112x64xf32, #tpu.memory_space<vmem>>) target(%dma_start3A_95 : memref<112x64xf32, #tpu.memory_space<vmem_shared>>) target_semaphore(%run_scoped3A : memref<!tpu.dma_semaphore, #tpu.memory_space<semaphore_mem>>)
        %dma_wait3A = arith.constant 0 : i32
        %dma_wait3A_99 = arith.constant 0 : i32
        %dma_wait3A_100 = tpu.memref_slice %arg16[%dma_wait3A, %dma_wait3A_99] : memref<128x64xf32, #tpu.memory_space<vmem>> -> memref<112x64xf32, #tpu.memory_space<vmem>>
        %dma_wait3A_101 = arith.constant 0 : i32
        %dma_wait3A_102 = tpu.memref_slice %arg17[%add3A_38, %dma_wait3A_101] : memref<7168x64xf32, #tpu.memory_space<vmem_shared>> -> memref<112x64xf32, #tpu.memory_space<vmem_shared>>
        %dma_wait3A_103 = arith.constant 0 : i32
        %dma_wait3A_104 = tpu.memref_slice %arg17[%add3A_38, %dma_wait3A_103] : memref<7168x64xf32, #tpu.memory_space<vmem_shared>> -> memref<112x64xf32, #tpu.memory_space<vmem_shared>>
        %dma_wait3A_105 = arith.constant 0 : i32
        %dma_wait3A_106 = arith.constant 0 : i32
        %dma_wait3A_107 = tpu.memref_slice %arg16[%dma_wait3A_105, %dma_wait3A_106] : memref<128x64xf32, #tpu.memory_space<vmem>> -> memref<112x64xf32, #tpu.memory_space<vmem>>
        tpu.wait_dma2 semaphore(%run_scoped3A : memref<!tpu.dma_semaphore, #tpu.memory_space<semaphore_mem>>) src(%dma_wait3A_107 : memref<112x64xf32, #tpu.memory_space<vmem>>) dst(%dma_wait3A_104 : memref<112x64xf32, #tpu.memory_space<vmem_shared>>)
        tpu.yield
      }) : () -> ()
      %mul3A_39 = arith.constant 448 : i32
      %mul3A_40 = arith.muli %arg1, %mul3A_39 : i32
      %add3A_41 = arith.constant 112 : i32
      %add3A_42 = arith.addi %mul3A_40, %add3A_41 : i32
      "tpu.region"() ({
        %run_scoped3A = tpu.sem_alloc : memref<!tpu.dma_semaphore, #tpu.memory_space<semaphore_mem>>
        %dma_start3A = arith.constant 0 : i32
        %dma_start3A_90 = arith.constant 0 : i32
        %dma_start3A_91 = tpu.memref_slice %arg16[%dma_start3A, %dma_start3A_90] : memref<128x64xf32, #tpu.memory_space<vmem>> -> memref<112x64xf32, #tpu.memory_space<vmem>>
        %dma_start3A_92 = arith.constant 0 : i32
        %dma_start3A_93 = tpu.memref_slice %arg17[%add3A_42, %dma_start3A_92] : memref<7168x64xf32, #tpu.memory_space<vmem_shared>> -> memref<112x64xf32, #tpu.memory_space<vmem_shared>>
        %dma_start3A_94 = arith.constant 0 : i32
        %dma_start3A_95 = tpu.memref_slice %arg17[%add3A_42, %dma_start3A_94] : memref<7168x64xf32, #tpu.memory_space<vmem_shared>> -> memref<112x64xf32, #tpu.memory_space<vmem_shared>>
        %dma_start3A_96 = arith.constant 0 : i32
        %dma_start3A_97 = arith.constant 0 : i32
        %dma_start3A_98 = tpu.memref_slice %arg16[%dma_start3A_96, %dma_start3A_97] : memref<128x64xf32, #tpu.memory_space<vmem>> -> memref<112x64xf32, #tpu.memory_space<vmem>>
        tpu.enqueue_dma source(%dma_start3A_98 : memref<112x64xf32, #tpu.memory_space<vmem>>) target(%dma_start3A_95 : memref<112x64xf32, #tpu.memory_space<vmem_shared>>) target_semaphore(%run_scoped3A : memref<!tpu.dma_semaphore, #tpu.memory_space<semaphore_mem>>)
        %dma_wait3A = arith.constant 0 : i32
        %dma_wait3A_99 = arith.constant 0 : i32
        %dma_wait3A_100 = tpu.memref_slice %arg16[%dma_wait3A, %dma_wait3A_99] : memref<128x64xf32, #tpu.memory_space<vmem>> -> memref<112x64xf32, #tpu.memory_space<vmem>>
        %dma_wait3A_101 = arith.constant 0 : i32
        %dma_wait3A_102 = tpu.memref_slice %arg17[%add3A_42, %dma_wait3A_101] : memref<7168x64xf32, #tpu.memory_space<vmem_shared>> -> memref<112x64xf32, #tpu.memory_space<vmem_shared>>
        %dma_wait3A_103 = arith.constant 0 : i32
        %dma_wait3A_104 = tpu.memref_slice %arg17[%add3A_42, %dma_wait3A_103] : memref<7168x64xf32, #tpu.memory_space<vmem_shared>> -> memref<112x64xf32, #tpu.memory_space<vmem_shared>>
        %dma_wait3A_105 = arith.constant 0 : i32
        %dma_wait3A_106 = arith.constant 0 : i32
        %dma_wait3A_107 = tpu.memref_slice %arg16[%dma_wait3A_105, %dma_wait3A_106] : memref<128x64xf32, #tpu.memory_space<vmem>> -> memref<112x64xf32, #tpu.memory_space<vmem>>
        tpu.wait_dma2 semaphore(%run_scoped3A : memref<!tpu.dma_semaphore, #tpu.memory_space<semaphore_mem>>) src(%dma_wait3A_107 : memref<112x64xf32, #tpu.memory_space<vmem>>) dst(%dma_wait3A_104 : memref<112x64xf32, #tpu.memory_space<vmem_shared>>)
        tpu.yield
      }) : () -> ()
      %mul3A_43 = arith.constant 448 : i32
      %mul3A_44 = arith.muli %arg1, %mul3A_43 : i32
      %add3A_45 = arith.constant 224 : i32
      %add3A_46 = arith.addi %mul3A_44, %add3A_45 : i32
      "tpu.region"() ({
        %run_scoped3A = tpu.sem_alloc : memref<!tpu.dma_semaphore, #tpu.memory_space<semaphore_mem>>
        %dma_start3A = arith.constant 0 : i32
        %dma_start3A_90 = arith.constant 0 : i32
        %dma_start3A_91 = tpu.memref_slice %arg16[%dma_start3A, %dma_start3A_90] : memref<128x64xf32, #tpu.memory_space<vmem>> -> memref<112x64xf32, #tpu.memory_space<vmem>>
        %dma_start3A_92 = arith.constant 0 : i32
        %dma_start3A_93 = tpu.memref_slice %arg17[%add3A_46, %dma_start3A_92] : memref<7168x64xf32, #tpu.memory_space<vmem_shared>> -> memref<112x64xf32, #tpu.memory_space<vmem_shared>>
        %dma_start3A_94 = arith.constant 0 : i32
        %dma_start3A_95 = tpu.memref_slice %arg17[%add3A_46, %dma_start3A_94] : memref<7168x64xf32, #tpu.memory_space<vmem_shared>> -> memref<112x64xf32, #tpu.memory_space<vmem_shared>>
        %dma_start3A_96 = arith.constant 0 : i32
        %dma_start3A_97 = arith.constant 0 : i32
        %dma_start3A_98 = tpu.memref_slice %arg16[%dma_start3A_96, %dma_start3A_97] : memref<128x64xf32, #tpu.memory_space<vmem>> -> memref<112x64xf32, #tpu.memory_space<vmem>>
        tpu.enqueue_dma source(%dma_start3A_98 : memref<112x64xf32, #tpu.memory_space<vmem>>) target(%dma_start3A_95 : memref<112x64xf32, #tpu.memory_space<vmem_shared>>) target_semaphore(%run_scoped3A : memref<!tpu.dma_semaphore, #tpu.memory_space<semaphore_mem>>)
        %dma_wait3A = arith.constant 0 : i32
        %dma_wait3A_99 = arith.constant 0 : i32
        %dma_wait3A_100 = tpu.memref_slice %arg16[%dma_wait3A, %dma_wait3A_99] : memref<128x64xf32, #tpu.memory_space<vmem>> -> memref<112x64xf32, #tpu.memory_space<vmem>>
        %dma_wait3A_101 = arith.constant 0 : i32
        %dma_wait3A_102 = tpu.memref_slice %arg17[%add3A_46, %dma_wait3A_101] : memref<7168x64xf32, #tpu.memory_space<vmem_shared>> -> memref<112x64xf32, #tpu.memory_space<vmem_shared>>
        %dma_wait3A_103 = arith.constant 0 : i32
        %dma_wait3A_104 = tpu.memref_slice %arg17[%add3A_46, %dma_wait3A_103] : memref<7168x64xf32, #tpu.memory_space<vmem_shared>> -> memref<112x64xf32, #tpu.memory_space<vmem_shared>>
        %dma_wait3A_105 = arith.constant 0 : i32
        %dma_wait3A_106 = arith.constant 0 : i32
        %dma_wait3A_107 = tpu.memref_slice %arg16[%dma_wait3A_105, %dma_wait3A_106] : memref<128x64xf32, #tpu.memory_space<vmem>> -> memref<112x64xf32, #tpu.memory_space<vmem>>
        tpu.wait_dma2 semaphore(%run_scoped3A : memref<!tpu.dma_semaphore, #tpu.memory_space<semaphore_mem>>) src(%dma_wait3A_107 : memref<112x64xf32, #tpu.memory_space<vmem>>) dst(%dma_wait3A_104 : memref<112x64xf32, #tpu.memory_space<vmem_shared>>)
        tpu.yield
      }) : () -> ()
      %mul3A_47 = arith.constant 448 : i32
      %mul3A_48 = arith.muli %arg1, %mul3A_47 : i32
      %add3A_49 = arith.constant 336 : i32
      %add3A_50 = arith.addi %mul3A_48, %add3A_49 : i32
      "tpu.region"() ({
        %run_scoped3A = tpu.sem_alloc : memref<!tpu.dma_semaphore, #tpu.memory_space<semaphore_mem>>
        %dma_start3A = arith.constant 0 : i32
        %dma_start3A_90 = arith.constant 0 : i32
        %dma_start3A_91 = tpu.memref_slice %arg16[%dma_start3A, %dma_start3A_90] : memref<128x64xf32, #tpu.memory_space<vmem>> -> memref<112x64xf32, #tpu.memory_space<vmem>>
        %dma_start3A_92 = arith.constant 0 : i32
        %dma_start3A_93 = tpu.memref_slice %arg17[%add3A_50, %dma_start3A_92] : memref<7168x64xf32, #tpu.memory_space<vmem_shared>> -> memref<112x64xf32, #tpu.memory_space<vmem_shared>>
        %dma_start3A_94 = arith.constant 0 : i32
        %dma_start3A_95 = tpu.memref_slice %arg17[%add3A_50, %dma_start3A_94] : memref<7168x64xf32, #tpu.memory_space<vmem_shared>> -> memref<112x64xf32, #tpu.memory_space<vmem_shared>>
        %dma_start3A_96 = arith.constant 0 : i32
        %dma_start3A_97 = arith.constant 0 : i32
        %dma_start3A_98 = tpu.memref_slice %arg16[%dma_start3A_96, %dma_start3A_97] : memref<128x64xf32, #tpu.memory_space<vmem>> -> memref<112x64xf32, #tpu.memory_space<vmem>>
        tpu.enqueue_dma source(%dma_start3A_98 : memref<112x64xf32, #tpu.memory_space<vmem>>) target(%dma_start3A_95 : memref<112x64xf32, #tpu.memory_space<vmem_shared>>) target_semaphore(%run_scoped3A : memref<!tpu.dma_semaphore, #tpu.memory_space<semaphore_mem>>)
        %dma_wait3A = arith.constant 0 : i32
        %dma_wait3A_99 = arith.constant 0 : i32
        %dma_wait3A_100 = tpu.memref_slice %arg16[%dma_wait3A, %dma_wait3A_99] : memref<128x64xf32, #tpu.memory_space<vmem>> -> memref<112x64xf32, #tpu.memory_space<vmem>>
        %dma_wait3A_101 = arith.constant 0 : i32
        %dma_wait3A_102 = tpu.memref_slice %arg17[%add3A_50, %dma_wait3A_101] : memref<7168x64xf32, #tpu.memory_space<vmem_shared>> -> memref<112x64xf32, #tpu.memory_space<vmem_shared>>
        %dma_wait3A_103 = arith.constant 0 : i32
        %dma_wait3A_104 = tpu.memref_slice %arg17[%add3A_50, %dma_wait3A_103] : memref<7168x64xf32, #tpu.memory_space<vmem_shared>> -> memref<112x64xf32, #tpu.memory_space<vmem_shared>>
        %dma_wait3A_105 = arith.constant 0 : i32
        %dma_wait3A_106 = arith.constant 0 : i32
        %dma_wait3A_107 = tpu.memref_slice %arg16[%dma_wait3A_105, %dma_wait3A_106] : memref<128x64xf32, #tpu.memory_space<vmem>> -> memref<112x64xf32, #tpu.memory_space<vmem>>
        tpu.wait_dma2 semaphore(%run_scoped3A : memref<!tpu.dma_semaphore, #tpu.memory_space<semaphore_mem>>) src(%dma_wait3A_107 : memref<112x64xf32, #tpu.memory_space<vmem>>) dst(%dma_wait3A_104 : memref<112x64xf32, #tpu.memory_space<vmem_shared>>)
        tpu.yield
      }) : () -> ()
      %barrier3A = arith.constant 0 : index
      tpu.barrier barrier_id(%barrier3A)
      %barrier3A_51 = arith.constant 0 : index
      tpu.barrier barrier_id(%barrier3A_51)
      %mul3A_52 = arith.constant 448 : i32
      %mul3A_53 = arith.muli %arg1, %mul3A_52 : i32
      %add3A_54 = arith.constant 0 : i32
      %add3A_55 = arith.addi %mul3A_53, %add3A_54 : i32
      "tpu.region"() ({
        %run_scoped3A = tpu.sem_alloc : memref<!tpu.dma_semaphore, #tpu.memory_space<semaphore_mem>>
        %dma_start3A = arith.constant 0 : i32
        %dma_start3A_90 = arith.constant 0 : i32
        %dma_start3A_91 = tpu.memref_slice %arg15[%dma_start3A, %dma_start3A_90] : memref<128x64xf32, #tpu.memory_space<vmem>> -> memref<112x64xf32, #tpu.memory_space<vmem>>
        %dma_start3A_92 = arith.constant 0 : i32
        %dma_start3A_93 = tpu.memref_slice %arg17[%add3A_55, %dma_start3A_92] : memref<7168x64xf32, #tpu.memory_space<vmem_shared>> -> memref<112x64xf32, #tpu.memory_space<vmem_shared>>
        %dma_start3A_94 = arith.constant 0 : i32
        %dma_start3A_95 = arith.constant 0 : i32
        %dma_start3A_96 = tpu.memref_slice %arg15[%dma_start3A_94, %dma_start3A_95] : memref<128x64xf32, #tpu.memory_space<vmem>> -> memref<112x64xf32, #tpu.memory_space<vmem>>
        %dma_start3A_97 = arith.constant 0 : i32
        %dma_start3A_98 = tpu.memref_slice %arg17[%add3A_55, %dma_start3A_97] : memref<7168x64xf32, #tpu.memory_space<vmem_shared>> -> memref<112x64xf32, #tpu.memory_space<vmem_shared>>
        tpu.enqueue_dma source(%dma_start3A_98 : memref<112x64xf32, #tpu.memory_space<vmem_shared>>) target(%dma_start3A_96 : memref<112x64xf32, #tpu.memory_space<vmem>>) target_semaphore(%run_scoped3A : memref<!tpu.dma_semaphore, #tpu.memory_space<semaphore_mem>>)
        %dma_wait3A = arith.constant 0 : i32
        %dma_wait3A_99 = arith.constant 0 : i32
        %dma_wait3A_100 = tpu.memref_slice %arg15[%dma_wait3A, %dma_wait3A_99] : memref<128x64xf32, #tpu.memory_space<vmem>> -> memref<112x64xf32, #tpu.memory_space<vmem>>
        %dma_wait3A_101 = arith.constant 0 : i32
        %dma_wait3A_102 = tpu.memref_slice %arg17[%add3A_55, %dma_wait3A_101] : memref<7168x64xf32, #tpu.memory_space<vmem_shared>> -> memref<112x64xf32, #tpu.memory_space<vmem_shared>>
        %dma_wait3A_103 = arith.constant 0 : i32
        %dma_wait3A_104 = arith.constant 0 : i32
        %dma_wait3A_105 = tpu.memref_slice %arg15[%dma_wait3A_103, %dma_wait3A_104] : memref<128x64xf32, #tpu.memory_space<vmem>> -> memref<112x64xf32, #tpu.memory_space<vmem>>
        %dma_wait3A_106 = arith.constant 0 : i32
        %dma_wait3A_107 = tpu.memref_slice %arg17[%add3A_55, %dma_wait3A_106] : memref<7168x64xf32, #tpu.memory_space<vmem_shared>> -> memref<112x64xf32, #tpu.memory_space<vmem_shared>>
        tpu.wait_dma2 semaphore(%run_scoped3A : memref<!tpu.dma_semaphore, #tpu.memory_space<semaphore_mem>>) src(%dma_wait3A_107 : memref<112x64xf32, #tpu.memory_space<vmem_shared>>) dst(%dma_wait3A_105 : memref<112x64xf32, #tpu.memory_space<vmem>>)
        tpu.yield
      }) : () -> ()
      %mul3A_56 = arith.constant 448 : i32
      %mul3A_57 = arith.muli %arg1, %mul3A_56 : i32
      %add3A_58 = arith.addi %mul3A_34, %mul3A_57 : i32
      %add3A_59 = arith.constant 0 : i32
      %add3A_60 = arith.addi %add3A_58, %add3A_59 : i32
      "tpu.region"() ({
        %run_scoped3A = tpu.sem_alloc : memref<!tpu.dma_semaphore, #tpu.memory_space<semaphore_mem>>
        %dma_start3A = arith.constant 0 : i32
        %dma_start3A_90 = arith.constant 0 : i32
        %dma_start3A_91 = tpu.memref_slice %arg15[%dma_start3A, %dma_start3A_90] : memref<128x64xf32, #tpu.memory_space<vmem>> -> memref<112x64xf32, #tpu.memory_space<vmem>>
        %dma_start3A_92 = arith.constant 0 : i32
        %dma_start3A_93 = tpu.memref_slice %arg6[%arg0, %add3A_60, %dma_start3A_92] : memref<2x100248x64xf32, #tpu.memory_space<hbm>> -> memref<1x112x64xf32, #tpu.memory_space<hbm>>
        %dma_start3A_94 = tpu.memref_squeeze %dma_start3A_93 : memref<1x112x64xf32, #tpu.memory_space<hbm>> -> memref<112x64xf32, #tpu.memory_space<hbm>>
        %dma_start3A_95 = arith.constant 0 : i32
        %dma_start3A_96 = tpu.memref_slice %arg6[%arg0, %add3A_60, %dma_start3A_95] : memref<2x100248x64xf32, #tpu.memory_space<hbm>> -> memref<1x112x64xf32, #tpu.memory_space<hbm>>
        %dma_start3A_97 = tpu.memref_squeeze %dma_start3A_96 : memref<1x112x64xf32, #tpu.memory_space<hbm>> -> memref<112x64xf32, #tpu.memory_space<hbm>>
        %dma_start3A_98 = arith.constant 0 : i32
        %dma_start3A_99 = arith.constant 0 : i32
        %dma_start3A_100 = tpu.memref_slice %arg15[%dma_start3A_98, %dma_start3A_99] : memref<128x64xf32, #tpu.memory_space<vmem>> -> memref<112x64xf32, #tpu.memory_space<vmem>>
        tpu.enqueue_dma source(%dma_start3A_100 : memref<112x64xf32, #tpu.memory_space<vmem>>) target(%dma_start3A_97 : memref<112x64xf32, #tpu.memory_space<hbm>>) target_semaphore(%run_scoped3A : memref<!tpu.dma_semaphore, #tpu.memory_space<semaphore_mem>>)
        %dma_wait3A = arith.constant 0 : i32
        %dma_wait3A_101 = arith.constant 0 : i32
        %dma_wait3A_102 = tpu.memref_slice %arg15[%dma_wait3A, %dma_wait3A_101] : memref<128x64xf32, #tpu.memory_space<vmem>> -> memref<112x64xf32, #tpu.memory_space<vmem>>
        %dma_wait3A_103 = arith.constant 0 : i32
        %dma_wait3A_104 = tpu.memref_slice %arg6[%arg0, %add3A_60, %dma_wait3A_103] : memref<2x100248x64xf32, #tpu.memory_space<hbm>> -> memref<1x112x64xf32, #tpu.memory_space<hbm>>
        %dma_wait3A_105 = tpu.memref_squeeze %dma_wait3A_104 : memref<1x112x64xf32, #tpu.memory_space<hbm>> -> memref<112x64xf32, #tpu.memory_space<hbm>>
        %dma_wait3A_106 = arith.constant 0 : i32
        %dma_wait3A_107 = tpu.memref_slice %arg6[%arg0, %add3A_60, %dma_wait3A_106] : memref<2x100248x64xf32, #tpu.memory_space<hbm>> -> memref<1x112x64xf32, #tpu.memory_space<hbm>>
        %dma_wait3A_108 = tpu.memref_squeeze %dma_wait3A_107 : memref<1x112x64xf32, #tpu.memory_space<hbm>> -> memref<112x64xf32, #tpu.memory_space<hbm>>
        %dma_wait3A_109 = arith.constant 0 : i32
        %dma_wait3A_110 = arith.constant 0 : i32
        %dma_wait3A_111 = tpu.memref_slice %arg15[%dma_wait3A_109, %dma_wait3A_110] : memref<128x64xf32, #tpu.memory_space<vmem>> -> memref<112x64xf32, #tpu.memory_space<vmem>>
        tpu.wait_dma2 semaphore(%run_scoped3A : memref<!tpu.dma_semaphore, #tpu.memory_space<semaphore_mem>>) src(%dma_wait3A_111 : memref<112x64xf32, #tpu.memory_space<vmem>>) dst(%dma_wait3A_108 : memref<112x64xf32, #tpu.memory_space<hbm>>)
        tpu.yield
      }) : () -> ()
      %mul3A_61 = arith.constant 448 : i32
      %mul3A_62 = arith.muli %arg1, %mul3A_61 : i32
      %add3A_63 = arith.constant 112 : i32
      %add3A_64 = arith.addi %mul3A_62, %add3A_63 : i32
      "tpu.region"() ({
        %run_scoped3A = tpu.sem_alloc : memref<!tpu.dma_semaphore, #tpu.memory_space<semaphore_mem>>
        %dma_start3A = arith.constant 0 : i32
        %dma_start3A_90 = arith.constant 0 : i32
        %dma_start3A_91 = tpu.memref_slice %arg15[%dma_start3A, %dma_start3A_90] : memref<128x64xf32, #tpu.memory_space<vmem>> -> memref<112x64xf32, #tpu.memory_space<vmem>>
        %dma_start3A_92 = arith.constant 0 : i32
        %dma_start3A_93 = tpu.memref_slice %arg17[%add3A_64, %dma_start3A_92] : memref<7168x64xf32, #tpu.memory_space<vmem_shared>> -> memref<112x64xf32, #tpu.memory_space<vmem_shared>>
        %dma_start3A_94 = arith.constant 0 : i32
        %dma_start3A_95 = arith.constant 0 : i32
        %dma_start3A_96 = tpu.memref_slice %arg15[%dma_start3A_94, %dma_start3A_95] : memref<128x64xf32, #tpu.memory_space<vmem>> -> memref<112x64xf32, #tpu.memory_space<vmem>>
        %dma_start3A_97 = arith.constant 0 : i32
        %dma_start3A_98 = tpu.memref_slice %arg17[%add3A_64, %dma_start3A_97] : memref<7168x64xf32, #tpu.memory_space<vmem_shared>> -> memref<112x64xf32, #tpu.memory_space<vmem_shared>>
        tpu.enqueue_dma source(%dma_start3A_98 : memref<112x64xf32, #tpu.memory_space<vmem_shared>>) target(%dma_start3A_96 : memref<112x64xf32, #tpu.memory_space<vmem>>) target_semaphore(%run_scoped3A : memref<!tpu.dma_semaphore, #tpu.memory_space<semaphore_mem>>)
        %dma_wait3A = arith.constant 0 : i32
        %dma_wait3A_99 = arith.constant 0 : i32
        %dma_wait3A_100 = tpu.memref_slice %arg15[%dma_wait3A, %dma_wait3A_99] : memref<128x64xf32, #tpu.memory_space<vmem>> -> memref<112x64xf32, #tpu.memory_space<vmem>>
        %dma_wait3A_101 = arith.constant 0 : i32
        %dma_wait3A_102 = tpu.memref_slice %arg17[%add3A_64, %dma_wait3A_101] : memref<7168x64xf32, #tpu.memory_space<vmem_shared>> -> memref<112x64xf32, #tpu.memory_space<vmem_shared>>
        %dma_wait3A_103 = arith.constant 0 : i32
        %dma_wait3A_104 = arith.constant 0 : i32
        %dma_wait3A_105 = tpu.memref_slice %arg15[%dma_wait3A_103, %dma_wait3A_104] : memref<128x64xf32, #tpu.memory_space<vmem>> -> memref<112x64xf32, #tpu.memory_space<vmem>>
        %dma_wait3A_106 = arith.constant 0 : i32
        %dma_wait3A_107 = tpu.memref_slice %arg17[%add3A_64, %dma_wait3A_106] : memref<7168x64xf32, #tpu.memory_space<vmem_shared>> -> memref<112x64xf32, #tpu.memory_space<vmem_shared>>
        tpu.wait_dma2 semaphore(%run_scoped3A : memref<!tpu.dma_semaphore, #tpu.memory_space<semaphore_mem>>) src(%dma_wait3A_107 : memref<112x64xf32, #tpu.memory_space<vmem_shared>>) dst(%dma_wait3A_105 : memref<112x64xf32, #tpu.memory_space<vmem>>)
        tpu.yield
      }) : () -> ()
      %mul3A_65 = arith.constant 448 : i32
      %mul3A_66 = arith.muli %arg1, %mul3A_65 : i32
      %add3A_67 = arith.addi %mul3A_34, %mul3A_66 : i32
      %add3A_68 = arith.constant 112 : i32
      %add3A_69 = arith.addi %add3A_67, %add3A_68 : i32
      "tpu.region"() ({
        %run_scoped3A = tpu.sem_alloc : memref<!tpu.dma_semaphore, #tpu.memory_space<semaphore_mem>>
        %dma_start3A = arith.constant 0 : i32
        %dma_start3A_90 = arith.constant 0 : i32
        %dma_start3A_91 = tpu.memref_slice %arg15[%dma_start3A, %dma_start3A_90] : memref<128x64xf32, #tpu.memory_space<vmem>> -> memref<112x64xf32, #tpu.memory_space<vmem>>
        %dma_start3A_92 = arith.constant 0 : i32
        %dma_start3A_93 = tpu.memref_slice %arg6[%arg0, %add3A_69, %dma_start3A_92] : memref<2x100248x64xf32, #tpu.memory_space<hbm>> -> memref<1x112x64xf32, #tpu.memory_space<hbm>>
        %dma_start3A_94 = tpu.memref_squeeze %dma_start3A_93 : memref<1x112x64xf32, #tpu.memory_space<hbm>> -> memref<112x64xf32, #tpu.memory_space<hbm>>
        %dma_start3A_95 = arith.constant 0 : i32
        %dma_start3A_96 = tpu.memref_slice %arg6[%arg0, %add3A_69, %dma_start3A_95] : memref<2x100248x64xf32, #tpu.memory_space<hbm>> -> memref<1x112x64xf32, #tpu.memory_space<hbm>>
        %dma_start3A_97 = tpu.memref_squeeze %dma_start3A_96 : memref<1x112x64xf32, #tpu.memory_space<hbm>> -> memref<112x64xf32, #tpu.memory_space<hbm>>
        %dma_start3A_98 = arith.constant 0 : i32
        %dma_start3A_99 = arith.constant 0 : i32
        %dma_start3A_100 = tpu.memref_slice %arg15[%dma_start3A_98, %dma_start3A_99] : memref<128x64xf32, #tpu.memory_space<vmem>> -> memref<112x64xf32, #tpu.memory_space<vmem>>
        tpu.enqueue_dma source(%dma_start3A_100 : memref<112x64xf32, #tpu.memory_space<vmem>>) target(%dma_start3A_97 : memref<112x64xf32, #tpu.memory_space<hbm>>) target_semaphore(%run_scoped3A : memref<!tpu.dma_semaphore, #tpu.memory_space<semaphore_mem>>)
        %dma_wait3A = arith.constant 0 : i32
        %dma_wait3A_101 = arith.constant 0 : i32
        %dma_wait3A_102 = tpu.memref_slice %arg15[%dma_wait3A, %dma_wait3A_101] : memref<128x64xf32, #tpu.memory_space<vmem>> -> memref<112x64xf32, #tpu.memory_space<vmem>>
        %dma_wait3A_103 = arith.constant 0 : i32
        %dma_wait3A_104 = tpu.memref_slice %arg6[%arg0, %add3A_69, %dma_wait3A_103] : memref<2x100248x64xf32, #tpu.memory_space<hbm>> -> memref<1x112x64xf32, #tpu.memory_space<hbm>>
        %dma_wait3A_105 = tpu.memref_squeeze %dma_wait3A_104 : memref<1x112x64xf32, #tpu.memory_space<hbm>> -> memref<112x64xf32, #tpu.memory_space<hbm>>
        %dma_wait3A_106 = arith.constant 0 : i32
        %dma_wait3A_107 = tpu.memref_slice %arg6[%arg0, %add3A_69, %dma_wait3A_106] : memref<2x100248x64xf32, #tpu.memory_space<hbm>> -> memref<1x112x64xf32, #tpu.memory_space<hbm>>
        %dma_wait3A_108 = tpu.memref_squeeze %dma_wait3A_107 : memref<1x112x64xf32, #tpu.memory_space<hbm>> -> memref<112x64xf32, #tpu.memory_space<hbm>>
        %dma_wait3A_109 = arith.constant 0 : i32
        %dma_wait3A_110 = arith.constant 0 : i32
        %dma_wait3A_111 = tpu.memref_slice %arg15[%dma_wait3A_109, %dma_wait3A_110] : memref<128x64xf32, #tpu.memory_space<vmem>> -> memref<112x64xf32, #tpu.memory_space<vmem>>
        tpu.wait_dma2 semaphore(%run_scoped3A : memref<!tpu.dma_semaphore, #tpu.memory_space<semaphore_mem>>) src(%dma_wait3A_111 : memref<112x64xf32, #tpu.memory_space<vmem>>) dst(%dma_wait3A_108 : memref<112x64xf32, #tpu.memory_space<hbm>>)
        tpu.yield
      }) : () -> ()
      %mul3A_70 = arith.constant 448 : i32
      %mul3A_71 = arith.muli %arg1, %mul3A_70 : i32
      %add3A_72 = arith.constant 224 : i32
      %add3A_73 = arith.addi %mul3A_71, %add3A_72 : i32
      "tpu.region"() ({
        %run_scoped3A = tpu.sem_alloc : memref<!tpu.dma_semaphore, #tpu.memory_space<semaphore_mem>>
        %dma_start3A = arith.constant 0 : i32
        %dma_start3A_90 = arith.constant 0 : i32
        %dma_start3A_91 = tpu.memref_slice %arg15[%dma_start3A, %dma_start3A_90] : memref<128x64xf32, #tpu.memory_space<vmem>> -> memref<112x64xf32, #tpu.memory_space<vmem>>
        %dma_start3A_92 = arith.constant 0 : i32
        %dma_start3A_93 = tpu.memref_slice %arg17[%add3A_73, %dma_start3A_92] : memref<7168x64xf32, #tpu.memory_space<vmem_shared>> -> memref<112x64xf32, #tpu.memory_space<vmem_shared>>
        %dma_start3A_94 = arith.constant 0 : i32
        %dma_start3A_95 = arith.constant 0 : i32
        %dma_start3A_96 = tpu.memref_slice %arg15[%dma_start3A_94, %dma_start3A_95] : memref<128x64xf32, #tpu.memory_space<vmem>> -> memref<112x64xf32, #tpu.memory_space<vmem>>
        %dma_start3A_97 = arith.constant 0 : i32
        %dma_start3A_98 = tpu.memref_slice %arg17[%add3A_73, %dma_start3A_97] : memref<7168x64xf32, #tpu.memory_space<vmem_shared>> -> memref<112x64xf32, #tpu.memory_space<vmem_shared>>
        tpu.enqueue_dma source(%dma_start3A_98 : memref<112x64xf32, #tpu.memory_space<vmem_shared>>) target(%dma_start3A_96 : memref<112x64xf32, #tpu.memory_space<vmem>>) target_semaphore(%run_scoped3A : memref<!tpu.dma_semaphore, #tpu.memory_space<semaphore_mem>>)
        %dma_wait3A = arith.constant 0 : i32
        %dma_wait3A_99 = arith.constant 0 : i32
        %dma_wait3A_100 = tpu.memref_slice %arg15[%dma_wait3A, %dma_wait3A_99] : memref<128x64xf32, #tpu.memory_space<vmem>> -> memref<112x64xf32, #tpu.memory_space<vmem>>
        %dma_wait3A_101 = arith.constant 0 : i32
        %dma_wait3A_102 = tpu.memref_slice %arg17[%add3A_73, %dma_wait3A_101] : memref<7168x64xf32, #tpu.memory_space<vmem_shared>> -> memref<112x64xf32, #tpu.memory_space<vmem_shared>>
        %dma_wait3A_103 = arith.constant 0 : i32
        %dma_wait3A_104 = arith.constant 0 : i32
        %dma_wait3A_105 = tpu.memref_slice %arg15[%dma_wait3A_103, %dma_wait3A_104] : memref<128x64xf32, #tpu.memory_space<vmem>> -> memref<112x64xf32, #tpu.memory_space<vmem>>
        %dma_wait3A_106 = arith.constant 0 : i32
        %dma_wait3A_107 = tpu.memref_slice %arg17[%add3A_73, %dma_wait3A_106] : memref<7168x64xf32, #tpu.memory_space<vmem_shared>> -> memref<112x64xf32, #tpu.memory_space<vmem_shared>>
        tpu.wait_dma2 semaphore(%run_scoped3A : memref<!tpu.dma_semaphore, #tpu.memory_space<semaphore_mem>>) src(%dma_wait3A_107 : memref<112x64xf32, #tpu.memory_space<vmem_shared>>) dst(%dma_wait3A_105 : memref<112x64xf32, #tpu.memory_space<vmem>>)
        tpu.yield
      }) : () -> ()
      %mul3A_74 = arith.constant 448 : i32
      %mul3A_75 = arith.muli %arg1, %mul3A_74 : i32
      %add3A_76 = arith.addi %mul3A_34, %mul3A_75 : i32
      %add3A_77 = arith.constant 224 : i32
      %add3A_78 = arith.addi %add3A_76, %add3A_77 : i32
      "tpu.region"() ({
        %run_scoped3A = tpu.sem_alloc : memref<!tpu.dma_semaphore, #tpu.memory_space<semaphore_mem>>
        %dma_start3A = arith.constant 0 : i32
        %dma_start3A_90 = arith.constant 0 : i32
        %dma_start3A_91 = tpu.memref_slice %arg15[%dma_start3A, %dma_start3A_90] : memref<128x64xf32, #tpu.memory_space<vmem>> -> memref<112x64xf32, #tpu.memory_space<vmem>>
        %dma_start3A_92 = arith.constant 0 : i32
        %dma_start3A_93 = tpu.memref_slice %arg6[%arg0, %add3A_78, %dma_start3A_92] : memref<2x100248x64xf32, #tpu.memory_space<hbm>> -> memref<1x112x64xf32, #tpu.memory_space<hbm>>
        %dma_start3A_94 = tpu.memref_squeeze %dma_start3A_93 : memref<1x112x64xf32, #tpu.memory_space<hbm>> -> memref<112x64xf32, #tpu.memory_space<hbm>>
        %dma_start3A_95 = arith.constant 0 : i32
        %dma_start3A_96 = tpu.memref_slice %arg6[%arg0, %add3A_78, %dma_start3A_95] : memref<2x100248x64xf32, #tpu.memory_space<hbm>> -> memref<1x112x64xf32, #tpu.memory_space<hbm>>
        %dma_start3A_97 = tpu.memref_squeeze %dma_start3A_96 : memref<1x112x64xf32, #tpu.memory_space<hbm>> -> memref<112x64xf32, #tpu.memory_space<hbm>>
        %dma_start3A_98 = arith.constant 0 : i32
        %dma_start3A_99 = arith.constant 0 : i32
        %dma_start3A_100 = tpu.memref_slice %arg15[%dma_start3A_98, %dma_start3A_99] : memref<128x64xf32, #tpu.memory_space<vmem>> -> memref<112x64xf32, #tpu.memory_space<vmem>>
        tpu.enqueue_dma source(%dma_start3A_100 : memref<112x64xf32, #tpu.memory_space<vmem>>) target(%dma_start3A_97 : memref<112x64xf32, #tpu.memory_space<hbm>>) target_semaphore(%run_scoped3A : memref<!tpu.dma_semaphore, #tpu.memory_space<semaphore_mem>>)
        %dma_wait3A = arith.constant 0 : i32
        %dma_wait3A_101 = arith.constant 0 : i32
        %dma_wait3A_102 = tpu.memref_slice %arg15[%dma_wait3A, %dma_wait3A_101] : memref<128x64xf32, #tpu.memory_space<vmem>> -> memref<112x64xf32, #tpu.memory_space<vmem>>
        %dma_wait3A_103 = arith.constant 0 : i32
        %dma_wait3A_104 = tpu.memref_slice %arg6[%arg0, %add3A_78, %dma_wait3A_103] : memref<2x100248x64xf32, #tpu.memory_space<hbm>> -> memref<1x112x64xf32, #tpu.memory_space<hbm>>
        %dma_wait3A_105 = tpu.memref_squeeze %dma_wait3A_104 : memref<1x112x64xf32, #tpu.memory_space<hbm>> -> memref<112x64xf32, #tpu.memory_space<hbm>>
        %dma_wait3A_106 = arith.constant 0 : i32
        %dma_wait3A_107 = tpu.memref_slice %arg6[%arg0, %add3A_78, %dma_wait3A_106] : memref<2x100248x64xf32, #tpu.memory_space<hbm>> -> memref<1x112x64xf32, #tpu.memory_space<hbm>>
        %dma_wait3A_108 = tpu.memref_squeeze %dma_wait3A_107 : memref<1x112x64xf32, #tpu.memory_space<hbm>> -> memref<112x64xf32, #tpu.memory_space<hbm>>
        %dma_wait3A_109 = arith.constant 0 : i32
        %dma_wait3A_110 = arith.constant 0 : i32
        %dma_wait3A_111 = tpu.memref_slice %arg15[%dma_wait3A_109, %dma_wait3A_110] : memref<128x64xf32, #tpu.memory_space<vmem>> -> memref<112x64xf32, #tpu.memory_space<vmem>>
        tpu.wait_dma2 semaphore(%run_scoped3A : memref<!tpu.dma_semaphore, #tpu.memory_space<semaphore_mem>>) src(%dma_wait3A_111 : memref<112x64xf32, #tpu.memory_space<vmem>>) dst(%dma_wait3A_108 : memref<112x64xf32, #tpu.memory_space<hbm>>)
        tpu.yield
      }) : () -> ()
      %mul3A_79 = arith.constant 448 : i32
      %mul3A_80 = arith.muli %arg1, %mul3A_79 : i32
      %add3A_81 = arith.constant 336 : i32
      %add3A_82 = arith.addi %mul3A_80, %add3A_81 : i32
      "tpu.region"() ({
        %run_scoped3A = tpu.sem_alloc : memref<!tpu.dma_semaphore, #tpu.memory_space<semaphore_mem>>
        %dma_start3A = arith.constant 0 : i32
        %dma_start3A_90 = arith.constant 0 : i32
        %dma_start3A_91 = tpu.memref_slice %arg15[%dma_start3A, %dma_start3A_90] : memref<128x64xf32, #tpu.memory_space<vmem>> -> memref<112x64xf32, #tpu.memory_space<vmem>>
        %dma_start3A_92 = arith.constant 0 : i32
        %dma_start3A_93 = tpu.memref_slice %arg17[%add3A_82, %dma_start3A_92] : memref<7168x64xf32, #tpu.memory_space<vmem_shared>> -> memref<112x64xf32, #tpu.memory_space<vmem_shared>>
        %dma_start3A_94 = arith.constant 0 : i32
        %dma_start3A_95 = arith.constant 0 : i32
        %dma_start3A_96 = tpu.memref_slice %arg15[%dma_start3A_94, %dma_start3A_95] : memref<128x64xf32, #tpu.memory_space<vmem>> -> memref<112x64xf32, #tpu.memory_space<vmem>>
        %dma_start3A_97 = arith.constant 0 : i32
        %dma_start3A_98 = tpu.memref_slice %arg17[%add3A_82, %dma_start3A_97] : memref<7168x64xf32, #tpu.memory_space<vmem_shared>> -> memref<112x64xf32, #tpu.memory_space<vmem_shared>>
        tpu.enqueue_dma source(%dma_start3A_98 : memref<112x64xf32, #tpu.memory_space<vmem_shared>>) target(%dma_start3A_96 : memref<112x64xf32, #tpu.memory_space<vmem>>) target_semaphore(%run_scoped3A : memref<!tpu.dma_semaphore, #tpu.memory_space<semaphore_mem>>)
        %dma_wait3A = arith.constant 0 : i32
        %dma_wait3A_99 = arith.constant 0 : i32
        %dma_wait3A_100 = tpu.memref_slice %arg15[%dma_wait3A, %dma_wait3A_99] : memref<128x64xf32, #tpu.memory_space<vmem>> -> memref<112x64xf32, #tpu.memory_space<vmem>>
        %dma_wait3A_101 = arith.constant 0 : i32
        %dma_wait3A_102 = tpu.memref_slice %arg17[%add3A_82, %dma_wait3A_101] : memref<7168x64xf32, #tpu.memory_space<vmem_shared>> -> memref<112x64xf32, #tpu.memory_space<vmem_shared>>
        %dma_wait3A_103 = arith.constant 0 : i32
        %dma_wait3A_104 = arith.constant 0 : i32
        %dma_wait3A_105 = tpu.memref_slice %arg15[%dma_wait3A_103, %dma_wait3A_104] : memref<128x64xf32, #tpu.memory_space<vmem>> -> memref<112x64xf32, #tpu.memory_space<vmem>>
        %dma_wait3A_106 = arith.constant 0 : i32
        %dma_wait3A_107 = tpu.memref_slice %arg17[%add3A_82, %dma_wait3A_106] : memref<7168x64xf32, #tpu.memory_space<vmem_shared>> -> memref<112x64xf32, #tpu.memory_space<vmem_shared>>
        tpu.wait_dma2 semaphore(%run_scoped3A : memref<!tpu.dma_semaphore, #tpu.memory_space<semaphore_mem>>) src(%dma_wait3A_107 : memref<112x64xf32, #tpu.memory_space<vmem_shared>>) dst(%dma_wait3A_105 : memref<112x64xf32, #tpu.memory_space<vmem>>)
        tpu.yield
      }) : () -> ()
      %mul3A_83 = arith.constant 448 : i32
      %mul3A_84 = arith.muli %arg1, %mul3A_83 : i32
      %add3A_85 = arith.addi %mul3A_34, %mul3A_84 : i32
      %add3A_86 = arith.constant 336 : i32
      %add3A_87 = arith.addi %add3A_85, %add3A_86 : i32
      "tpu.region"() ({
        %run_scoped3A = tpu.sem_alloc : memref<!tpu.dma_semaphore, #tpu.memory_space<semaphore_mem>>
        %dma_start3A = arith.constant 0 : i32
        %dma_start3A_90 = arith.constant 0 : i32
        %dma_start3A_91 = tpu.memref_slice %arg15[%dma_start3A, %dma_start3A_90] : memref<128x64xf32, #tpu.memory_space<vmem>> -> memref<112x64xf32, #tpu.memory_space<vmem>>
        %dma_start3A_92 = arith.constant 0 : i32
        %dma_start3A_93 = tpu.memref_slice %arg6[%arg0, %add3A_87, %dma_start3A_92] : memref<2x100248x64xf32, #tpu.memory_space<hbm>> -> memref<1x112x64xf32, #tpu.memory_space<hbm>>
        %dma_start3A_94 = tpu.memref_squeeze %dma_start3A_93 : memref<1x112x64xf32, #tpu.memory_space<hbm>> -> memref<112x64xf32, #tpu.memory_space<hbm>>
        %dma_start3A_95 = arith.constant 0 : i32
        %dma_start3A_96 = tpu.memref_slice %arg6[%arg0, %add3A_87, %dma_start3A_95] : memref<2x100248x64xf32, #tpu.memory_space<hbm>> -> memref<1x112x64xf32, #tpu.memory_space<hbm>>
        %dma_start3A_97 = tpu.memref_squeeze %dma_start3A_96 : memref<1x112x64xf32, #tpu.memory_space<hbm>> -> memref<112x64xf32, #tpu.memory_space<hbm>>
        %dma_start3A_98 = arith.constant 0 : i32
        %dma_start3A_99 = arith.constant 0 : i32
        %dma_start3A_100 = tpu.memref_slice %arg15[%dma_start3A_98, %dma_start3A_99] : memref<128x64xf32, #tpu.memory_space<vmem>> -> memref<112x64xf32, #tpu.memory_space<vmem>>
        tpu.enqueue_dma source(%dma_start3A_100 : memref<112x64xf32, #tpu.memory_space<vmem>>) target(%dma_start3A_97 : memref<112x64xf32, #tpu.memory_space<hbm>>) target_semaphore(%run_scoped3A : memref<!tpu.dma_semaphore, #tpu.memory_space<semaphore_mem>>)
        %dma_wait3A = arith.constant 0 : i32
        %dma_wait3A_101 = arith.constant 0 : i32
        %dma_wait3A_102 = tpu.memref_slice %arg15[%dma_wait3A, %dma_wait3A_101] : memref<128x64xf32, #tpu.memory_space<vmem>> -> memref<112x64xf32, #tpu.memory_space<vmem>>
        %dma_wait3A_103 = arith.constant 0 : i32
        %dma_wait3A_104 = tpu.memref_slice %arg6[%arg0, %add3A_87, %dma_wait3A_103] : memref<2x100248x64xf32, #tpu.memory_space<hbm>> -> memref<1x112x64xf32, #tpu.memory_space<hbm>>
        %dma_wait3A_105 = tpu.memref_squeeze %dma_wait3A_104 : memref<1x112x64xf32, #tpu.memory_space<hbm>> -> memref<112x64xf32, #tpu.memory_space<hbm>>
        %dma_wait3A_106 = arith.constant 0 : i32
        %dma_wait3A_107 = tpu.memref_slice %arg6[%arg0, %add3A_87, %dma_wait3A_106] : memref<2x100248x64xf32, #tpu.memory_space<hbm>> -> memref<1x112x64xf32, #tpu.memory_space<hbm>>
        %dma_wait3A_108 = tpu.memref_squeeze %dma_wait3A_107 : memref<1x112x64xf32, #tpu.memory_space<hbm>> -> memref<112x64xf32, #tpu.memory_space<hbm>>
        %dma_wait3A_109 = arith.constant 0 : i32
        %dma_wait3A_110 = arith.constant 0 : i32
        %dma_wait3A_111 = tpu.memref_slice %arg15[%dma_wait3A_109, %dma_wait3A_110] : memref<128x64xf32, #tpu.memory_space<vmem>> -> memref<112x64xf32, #tpu.memory_space<vmem>>
        tpu.wait_dma2 semaphore(%run_scoped3A : memref<!tpu.dma_semaphore, #tpu.memory_space<semaphore_mem>>) src(%dma_wait3A_111 : memref<112x64xf32, #tpu.memory_space<vmem>>) dst(%dma_wait3A_108 : memref<112x64xf32, #tpu.memory_space<hbm>>)
        tpu.yield
      }) : () -> ()
      %barrier3A_88 = arith.constant 0 : index
      tpu.barrier barrier_id(%barrier3A_88)
      %scan3A_89 = arith.constant 0 : i32
      scf.yield %scan3A_89 : i32
    }
    %scan3A_30 = arith.constant 14 : i32
    return
  }
}

module attributes {stable_mosaic.version = 14 : i64} {
  func.func @_tc_a_body(%arg0: i32, %arg1: memref<2000x32xf32, #tpu.memory_space<vmem>>, %arg2: memref<32x64xf32, #tpu.memory_space<vmem>>, %arg3: memref<2000x1xf32, #tpu.memory_space<vmem>>, %arg4: memref<2000x1xf32, #tpu.memory_space<vmem>>, %arg5: memref<2000x64xf32, #tpu.memory_space<vmem>>) attributes {dimension_semantics = [#tpu.dimension_semantics<arbitrary>], iteration_bounds = array<i64: 50>, scalar_prefetch = 0 : i64, scratch_operands = 0 : i64, tpu.core_type = #tpu.core_type<tc>, window_params = [{transform_indices = @transform_0, window_bounds = array<i64: 2000, 32>}, {pipeline_mode = #tpu.pipeline_mode<synchronous>, transform_indices = @transform_1, window_bounds = array<i64: 32, 64>}, {transform_indices = @transform_2, window_bounds = array<i64: 2000, 1>}, {transform_indices = @transform_3, window_bounds = array<i64: 2000, 1>}, {transform_indices = @transform_4, window_bounds = array<i64: 2000, 64>}]} {
    %get3A = arith.constant 0 : index
    %get3A_0 = arith.constant 0 : index
    %get3A_1 = vector.load %arg3[%get3A, %get3A_0] : memref<2000x1xf32, #tpu.memory_space<vmem>>, vector<2000x1xf32>
    %get3A_2 = arith.constant 0 : index
    %get3A_3 = arith.constant 0 : index
    %get3A_4 = vector.load %arg4[%get3A_2, %get3A_3] : memref<2000x1xf32, #tpu.memory_space<vmem>>, vector<2000x1xf32>
    %add3A = arith.addf %get3A_1, %get3A_4 : vector<2000x1xf32>
    %add3A_5 = arith.constant 1.000000e+00 : f32
    %add3A_6 = vector.broadcast %add3A_5 : f32 to vector<2000x1xf32>
    %add3A_7 = arith.addf %add3A, %add3A_6 : vector<2000x1xf32>
    %rsqrt3A = math.rsqrt %add3A_7 : vector<2000x1xf32>
    %get3A_8 = arith.constant 0 : index
    %get3A_9 = arith.constant 0 : index
    %get3A_10 = vector.load %arg1[%get3A_8, %get3A_9] : memref<2000x32xf32, #tpu.memory_space<vmem>>, vector<2000x32xf32>
    %get3A_11 = arith.constant 0 : index
    %get3A_12 = arith.constant 0 : index
    %get3A_13 = vector.load %arg2[%get3A_11, %get3A_12] : memref<32x64xf32, #tpu.memory_space<vmem>>, vector<32x64xf32>
    %dot_general3A = arith.constant dense<0.000000e+00> : vector<2000x64xf32>
    %dot_general3A_14 = tpu.matmul %get3A_10, %get3A_13, %dot_general3A {dimension_numbers = #tpu.dot_dimension_numbers<[1], [0], [0], [1], [0, 0, 1, 1], [], []>, transpose_lhs_hint = false} : vector<2000x32xf32>, vector<32x64xf32>, vector<2000x64xf32> -> vector<2000x64xf32>
    %mul3A = vector.broadcast %rsqrt3A : vector<2000x1xf32> to vector<2000x64xf32>
    %mul3A_15 = arith.mulf %dot_general3A_14, %mul3A : vector<2000x64xf32>
    %swap3A = arith.constant 0 : index
    %swap3A_16 = arith.constant 0 : index
    %swap3A_17 = vector.load %arg5[%swap3A, %swap3A_16] : memref<2000x64xf32, #tpu.memory_space<vmem>>, vector<2000x64xf32>
    tpu.vector_store %arg5[%swap3A, %swap3A_16], %mul3A_15 {strides = array<i32>} : memref<2000x64xf32, #tpu.memory_space<vmem>>, vector<2000x64xf32>,
    return
  }
  func.func @transform_0(%arg0: i32) -> (i32, i32) {
    %c0_i32 = arith.constant 0 : i32
    %c0_i32_0 = arith.constant 0 : i32
    return %arg0, %c0_i32 : i32, i32
  }
  func.func @transform_1(%arg0: i32) -> (i32, i32) {
    %c0_i32 = arith.constant 0 : i32
    %c0_i32_0 = arith.constant 0 : i32
    %c0_i32_1 = arith.constant 0 : i32
    return %c0_i32, %c0_i32_0 : i32, i32
  }
  func.func @transform_2(%arg0: i32) -> (i32, i32) {
    %c0_i32 = arith.constant 0 : i32
    %c0_i32_0 = arith.constant 0 : i32
    return %arg0, %c0_i32 : i32, i32
  }
  func.func @transform_3(%arg0: i32) -> (i32, i32) {
    %c0_i32 = arith.constant 0 : i32
    %c0_i32_0 = arith.constant 0 : i32
    return %arg0, %c0_i32 : i32, i32
  }
  func.func @transform_4(%arg0: i32) -> (i32, i32) {
    %c0_i32 = arith.constant 0 : i32
    %c0_i32_0 = arith.constant 0 : i32
    return %arg0, %c0_i32 : i32, i32
  }
}

module attributes {stable_mosaic.version = 14 : i64} {
  func.func @_tc_b_body(%arg0: i32, %arg1: memref<2x2000x64xf32, #tpu.memory_space<vmem>>, %arg2: memref<2000x64xf32, #tpu.memory_space<vmem>>, %arg3: memref<2000x1xf32, #tpu.memory_space<vmem>>, %arg4: memref<2000x1xf32, #tpu.memory_space<vmem>>, %arg5: memref<64x64xf32, #tpu.memory_space<vmem>>, %arg6: memref<1x64xf32, #tpu.memory_space<vmem>>, %arg7: memref<1x64xf32, #tpu.memory_space<vmem>>, %arg8: memref<1x64xf32, #tpu.memory_space<vmem>>, %arg9: memref<1x64xf32, #tpu.memory_space<vmem>>, %arg10: memref<1x64xf32, #tpu.memory_space<vmem>>, %arg11: memref<2000x64xf32, #tpu.memory_space<vmem>>, %arg12: memref<2000x64xf32, #tpu.memory_space<vmem>>) attributes {dimension_semantics = [#tpu.dimension_semantics<arbitrary>], iteration_bounds = array<i64: 50>, scalar_prefetch = 0 : i64, scratch_operands = 0 : i64, tpu.core_type = #tpu.core_type<tc>, window_params = [{transform_indices = @transform_0, window_bounds = array<i64: 2, 2000, 64>}, {transform_indices = @transform_1, window_bounds = array<i64: 2000, 64>}, {transform_indices = @transform_2, window_bounds = array<i64: 2000, 1>}, {transform_indices = @transform_3, window_bounds = array<i64: 2000, 1>}, {pipeline_mode = #tpu.pipeline_mode<synchronous>, transform_indices = @transform_4, window_bounds = array<i64: 64, 64>}, {pipeline_mode = #tpu.pipeline_mode<synchronous>, transform_indices = @transform_5, window_bounds = array<i64: 1, 64>}, {pipeline_mode = #tpu.pipeline_mode<synchronous>, transform_indices = @transform_6, window_bounds = array<i64: 1, 64>}, {pipeline_mode = #tpu.pipeline_mode<synchronous>, transform_indices = @transform_7, window_bounds = array<i64: 1, 64>}, {pipeline_mode = #tpu.pipeline_mode<synchronous>, transform_indices = @transform_8, window_bounds = array<i64: 1, 64>}, {pipeline_mode = #tpu.pipeline_mode<synchronous>, transform_indices = @transform_9, window_bounds = array<i64: 1, 64>}, {transform_indices = @transform_10, window_bounds = array<i64: 2000, 64>}, {transform_indices = @transform_11, window_bounds = array<i64: 2000, 64>}]} {
    %get3A = arith.constant 0 : index
    %get3A_0 = arith.constant 0 : index
    %get3A_1 = vector.load %arg3[%get3A, %get3A_0] : memref<2000x1xf32, #tpu.memory_space<vmem>>, vector<2000x1xf32>
    %get3A_2 = arith.constant 0 : index
    %get3A_3 = arith.constant 0 : index
    %get3A_4 = vector.load %arg4[%get3A_2, %get3A_3] : memref<2000x1xf32, #tpu.memory_space<vmem>>, vector<2000x1xf32>
    %add3A = arith.addf %get3A_1, %get3A_4 : vector<2000x1xf32>
    %add3A_5 = arith.constant 1.000000e+00 : f32
    %add3A_6 = vector.broadcast %add3A_5 : f32 to vector<2000x1xf32>
    %add3A_7 = arith.addf %add3A, %add3A_6 : vector<2000x1xf32>
    %rsqrt3A = math.rsqrt %add3A_7 : vector<2000x1xf32>
    %get3A_8 = arith.constant 0 : index
    %get3A_9 = arith.constant 0 : index
    %get3A_10 = arith.constant 0 : index
    %get3A_11 = vector.load %arg1[%get3A_8, %get3A_9, %get3A_10] : memref<2x2000x64xf32, #tpu.memory_space<vmem>>, vector<1x2000x64xf32>
    %get3A_12 = vector.shape_cast %get3A_11 : vector<1x2000x64xf32> to vector<2000x64xf32>
    %get3A_13 = arith.constant 1 : index
    %get3A_14 = arith.constant 0 : index
    %get3A_15 = arith.constant 0 : index
    %get3A_16 = vector.load %arg1[%get3A_13, %get3A_14, %get3A_15] : memref<2x2000x64xf32, #tpu.memory_space<vmem>>, vector<1x2000x64xf32>
    %get3A_17 = vector.shape_cast %get3A_16 : vector<1x2000x64xf32> to vector<2000x64xf32>
    %add3A_18 = arith.addf %get3A_12, %get3A_17 : vector<2000x64xf32>
    %get3A_19 = arith.constant 0 : index
    %get3A_20 = arith.constant 0 : index
    %get3A_21 = vector.load %arg2[%get3A_19, %get3A_20] : memref<2000x64xf32, #tpu.memory_space<vmem>>, vector<2000x64xf32>
    %get3A_22 = arith.constant 0 : index
    %get3A_23 = arith.constant 0 : index
    %get3A_24 = vector.load %arg6[%get3A_22, %get3A_23] : memref<1x64xf32, #tpu.memory_space<vmem>>, vector<1x64xf32>
    %get3A_25 = arith.constant 0 : index
    %get3A_26 = arith.constant 0 : index
    %get3A_27 = vector.load %arg7[%get3A_25, %get3A_26] : memref<1x64xf32, #tpu.memory_space<vmem>>, vector<1x64xf32>
    %get3A_28 = arith.constant 0 : index
    %get3A_29 = arith.constant 0 : index
    %get3A_30 = vector.load %arg8[%get3A_28, %get3A_29] : memref<1x64xf32, #tpu.memory_space<vmem>>, vector<1x64xf32>
    %get3A_31 = arith.constant 0 : index
    %get3A_32 = arith.constant 0 : index
    %get3A_33 = vector.load %arg9[%get3A_31, %get3A_32] : memref<1x64xf32, #tpu.memory_space<vmem>>, vector<1x64xf32>
    %get3A_34 = arith.constant 0 : index
    %get3A_35 = arith.constant 0 : index
    %get3A_36 = vector.load %arg10[%get3A_34, %get3A_35] : memref<1x64xf32, #tpu.memory_space<vmem>>, vector<1x64xf32>
    %add3A_37 = arith.addf %add3A_18, %get3A_21 : vector<2000x64xf32>
    %mul3A = vector.broadcast %rsqrt3A : vector<2000x1xf32> to vector<2000x64xf32>
    %mul3A_38 = arith.mulf %mul3A, %add3A_37 : vector<2000x64xf32>
    %add3A_39 = vector.broadcast %get3A_24 : vector<1x64xf32> to vector<2000x64xf32>
    %add3A_40 = arith.addf %mul3A_38, %add3A_39 : vector<2000x64xf32>
    %max3A = arith.constant 0.000000e+00 : f32
    %max3A_41 = vector.broadcast %max3A : f32 to vector<2000x64xf32>
    %max3A_42 = arith.maximumf %add3A_40, %max3A_41 : vector<2000x64xf32>
    %sub3A = vector.broadcast %get3A_33 : vector<1x64xf32> to vector<2000x64xf32>
    %sub3A_43 = arith.subf %max3A_42, %sub3A : vector<2000x64xf32>
    %add3A_44 = arith.constant 9.99999974E-6 : f32
    %add3A_45 = vector.broadcast %add3A_44 : f32 to vector<1x64xf32>
    %add3A_46 = arith.addf %get3A_36, %add3A_45 : vector<1x64xf32>
    %rsqrt3A_47 = math.rsqrt %add3A_46 : vector<1x64xf32>
    %mul3A_48 = vector.broadcast %rsqrt3A_47 : vector<1x64xf32> to vector<2000x64xf32>
    %mul3A_49 = arith.mulf %sub3A_43, %mul3A_48 : vector<2000x64xf32>
    %mul3A_50 = vector.broadcast %get3A_27 : vector<1x64xf32> to vector<2000x64xf32>
    %mul3A_51 = arith.mulf %mul3A_49, %mul3A_50 : vector<2000x64xf32>
    %add3A_52 = vector.broadcast %get3A_30 : vector<1x64xf32> to vector<2000x64xf32>
    %add3A_53 = arith.addf %mul3A_51, %add3A_52 : vector<2000x64xf32>
    %swap3A = arith.constant 0 : index
    %swap3A_54 = arith.constant 0 : index
    %swap3A_55 = vector.load %arg11[%swap3A, %swap3A_54] : memref<2000x64xf32, #tpu.memory_space<vmem>>, vector<2000x64xf32>
    tpu.vector_store %arg11[%swap3A, %swap3A_54], %add3A_53 {strides = array<i32>} : memref<2000x64xf32, #tpu.memory_space<vmem>>, vector<2000x64xf32>,
    %get3A_56 = arith.constant 0 : index
    %get3A_57 = arith.constant 0 : index
    %get3A_58 = vector.load %arg5[%get3A_56, %get3A_57] : memref<64x64xf32, #tpu.memory_space<vmem>>, vector<64x64xf32>
    %dot_general3A = arith.constant dense<0.000000e+00> : vector<2000x64xf32>
    %dot_general3A_59 = tpu.matmul %add3A_53, %get3A_58, %dot_general3A {dimension_numbers = #tpu.dot_dimension_numbers<[1], [0], [0], [1], [0, 0, 1, 1], [], []>, transpose_lhs_hint = false} : vector<2000x64xf32>, vector<64x64xf32>, vector<2000x64xf32> -> vector<2000x64xf32>
    %mul3A_60 = vector.broadcast %rsqrt3A : vector<2000x1xf32> to vector<2000x64xf32>
    %mul3A_61 = arith.mulf %dot_general3A_59, %mul3A_60 : vector<2000x64xf32>
    %swap3A_62 = arith.constant 0 : index
    %swap3A_63 = arith.constant 0 : index
    %swap3A_64 = vector.load %arg12[%swap3A_62, %swap3A_63] : memref<2000x64xf32, #tpu.memory_space<vmem>>, vector<2000x64xf32>
    tpu.vector_store %arg12[%swap3A_62, %swap3A_63], %mul3A_61 {strides = array<i32>} : memref<2000x64xf32, #tpu.memory_space<vmem>>, vector<2000x64xf32>,
    return
  }
  func.func @transform_0(%arg0: i32) -> (i32, i32, i32) {
    %c0_i32 = arith.constant 0 : i32
    %c0_i32_0 = arith.constant 0 : i32
    %c0_i32_1 = arith.constant 0 : i32
    return %c0_i32, %arg0, %c0_i32_0 : i32, i32, i32
  }
  func.func @transform_1(%arg0: i32) -> (i32, i32) {
    %c0_i32 = arith.constant 0 : i32
    %c0_i32_0 = arith.constant 0 : i32
    return %arg0, %c0_i32 : i32, i32
  }
  func.func @transform_2(%arg0: i32) -> (i32, i32) {
    %c0_i32 = arith.constant 0 : i32
    %c0_i32_0 = arith.constant 0 : i32
    return %arg0, %c0_i32 : i32, i32
  }
  func.func @transform_3(%arg0: i32) -> (i32, i32) {
    %c0_i32 = arith.constant 0 : i32
    %c0_i32_0 = arith.constant 0 : i32
    return %arg0, %c0_i32 : i32, i32
  }
  func.func @transform_4(%arg0: i32) -> (i32, i32) {
    %c0_i32 = arith.constant 0 : i32
    %c0_i32_0 = arith.constant 0 : i32
    %c0_i32_1 = arith.constant 0 : i32
    return %c0_i32, %c0_i32_0 : i32, i32
  }
  func.func @transform_5(%arg0: i32) -> (i32, i32) {
    %c0_i32 = arith.constant 0 : i32
    %c0_i32_0 = arith.constant 0 : i32
    %c0_i32_1 = arith.constant 0 : i32
    return %c0_i32, %c0_i32_0 : i32, i32
  }
  func.func @transform_6(%arg0: i32) -> (i32, i32) {
    %c0_i32 = arith.constant 0 : i32
    %c0_i32_0 = arith.constant 0 : i32
    %c0_i32_1 = arith.constant 0 : i32
    return %c0_i32, %c0_i32_0 : i32, i32
  }
  func.func @transform_7(%arg0: i32) -> (i32, i32) {
    %c0_i32 = arith.constant 0 : i32
    %c0_i32_0 = arith.constant 0 : i32
    %c0_i32_1 = arith.constant 0 : i32
    return %c0_i32, %c0_i32_0 : i32, i32
  }
  func.func @transform_8(%arg0: i32) -> (i32, i32) {
    %c0_i32 = arith.constant 0 : i32
    %c0_i32_0 = arith.constant 0 : i32
    %c0_i32_1 = arith.constant 0 : i32
    return %c0_i32, %c0_i32_0 : i32, i32
  }
  func.func @transform_9(%arg0: i32) -> (i32, i32) {
    %c0_i32 = arith.constant 0 : i32
    %c0_i32_0 = arith.constant 0 : i32
    %c0_i32_1 = arith.constant 0 : i32
    return %c0_i32, %c0_i32_0 : i32, i32
  }
  func.func @transform_10(%arg0: i32) -> (i32, i32) {
    %c0_i32 = arith.constant 0 : i32
    %c0_i32_0 = arith.constant 0 : i32
    return %arg0, %c0_i32 : i32, i32
  }
  func.func @transform_11(%arg0: i32) -> (i32, i32) {
    %c0_i32 = arith.constant 0 : i32
    %c0_i32_0 = arith.constant 0 : i32
    return %arg0, %c0_i32 : i32, i32
  }
}

module attributes {stable_mosaic.version = 14 : i64} {
  func.func @_tc_c_body(%arg0: i32, %arg1: memref<2x2000x64xf32, #tpu.memory_space<vmem>>, %arg2: memref<2000x64xf32, #tpu.memory_space<vmem>>, %arg3: memref<2000x64xf32, #tpu.memory_space<vmem>>, %arg4: memref<2000x32xf32, #tpu.memory_space<vmem>>, %arg5: memref<2000x1xf32, #tpu.memory_space<vmem>>, %arg6: memref<2000x1xf32, #tpu.memory_space<vmem>>, %arg7: memref<1x64xf32, #tpu.memory_space<vmem>>, %arg8: memref<1x64xf32, #tpu.memory_space<vmem>>, %arg9: memref<1x64xf32, #tpu.memory_space<vmem>>, %arg10: memref<1x64xf32, #tpu.memory_space<vmem>>, %arg11: memref<1x64xf32, #tpu.memory_space<vmem>>, %arg12: memref<128x192xf32, #tpu.memory_space<vmem>>, %arg13: memref<64x192xf32, #tpu.memory_space<vmem>>, %arg14: memref<1x192xf32, #tpu.memory_space<vmem>>, %arg15: memref<1x192xf32, #tpu.memory_space<vmem>>, %arg16: memref<1x192xf32, #tpu.memory_space<vmem>>, %arg17: memref<1x192xf32, #tpu.memory_space<vmem>>, %arg18: memref<64x1xf32, #tpu.memory_space<vmem>>, %arg19: memref<64x1xf32, #tpu.memory_space<vmem>>, %arg20: memref<32x1xf32, #tpu.memory_space<vmem>>, %arg21: memref<1x1xf32, #tpu.memory_space<vmem>>, %arg22: memref<2000x1xf32, #tpu.memory_space<vmem>>) attributes {dimension_semantics = [#tpu.dimension_semantics<arbitrary>], iteration_bounds = array<i64: 50>, scalar_prefetch = 0 : i64, scratch_operands = 0 : i64, tpu.core_type = #tpu.core_type<tc>, window_params = [{transform_indices = @transform_0, window_bounds = array<i64: 2, 2000, 64>}, {transform_indices = @transform_1, window_bounds = array<i64: 2000, 64>}, {transform_indices = @transform_2, window_bounds = array<i64: 2000, 64>}, {transform_indices = @transform_3, window_bounds = array<i64: 2000, 32>}, {transform_indices = @transform_4, window_bounds = array<i64: 2000, 1>}, {transform_indices = @transform_5, window_bounds = array<i64: 2000, 1>}, {pipeline_mode = #tpu.pipeline_mode<synchronous>, transform_indices = @transform_6, window_bounds = array<i64: 1, 64>}, {pipeline_mode = #tpu.pipeline_mode<synchronous>, transform_indices = @transform_7, window_bounds = array<i64: 1, 64>}, {pipeline_mode = #tpu.pipeline_mode<synchronous>, transform_indices = @transform_8, window_bounds = array<i64: 1, 64>}, {pipeline_mode = #tpu.pipeline_mode<synchronous>, transform_indices = @transform_9, window_bounds = array<i64: 1, 64>}, {pipeline_mode = #tpu.pipeline_mode<synchronous>, transform_indices = @transform_10, window_bounds = array<i64: 1, 64>}, {pipeline_mode = #tpu.pipeline_mode<synchronous>, transform_indices = @transform_11, window_bounds = array<i64: 128, 192>}, {pipeline_mode = #tpu.pipeline_mode<synchronous>, transform_indices = @transform_12, window_bounds = array<i64: 64, 192>}, {pipeline_mode = #tpu.pipeline_mode<synchronous>, transform_indices = @transform_13, window_bounds = array<i64: 1, 192>}, {pipeline_mode = #tpu.pipeline_mode<synchronous>, transform_indices = @transform_14, window_bounds = array<i64: 1, 192>}, {pipeline_mode = #tpu.pipeline_mode<synchronous>, transform_indices = @transform_15, window_bounds = array<i64: 1, 192>}, {pipeline_mode = #tpu.pipeline_mode<synchronous>, transform_indices = @transform_16, window_bounds = array<i64: 1, 192>}, {pipeline_mode = #tpu.pipeline_mode<synchronous>, transform_indices = @transform_17, window_bounds = array<i64: 64, 1>}, {pipeline_mode = #tpu.pipeline_mode<synchronous>, transform_indices = @transform_18, window_bounds = array<i64: 64, 1>}, {pipeline_mode = #tpu.pipeline_mode<synchronous>, transform_indices = @transform_19, window_bounds = array<i64: 32, 1>}, {pipeline_mode = #tpu.pipeline_mode<synchronous>, transform_indices = @transform_20, window_bounds = array<i64: 1, 1>}, {transform_indices = @transform_21, window_bounds = array<i64: 2000, 1>}]} {
    %get3A = arith.constant 0 : index
    %get3A_0 = arith.constant 0 : index
    %get3A_1 = vector.load %arg5[%get3A, %get3A_0] : memref<2000x1xf32, #tpu.memory_space<vmem>>, vector<2000x1xf32>
    %get3A_2 = arith.constant 0 : index
    %get3A_3 = arith.constant 0 : index
    %get3A_4 = vector.load %arg6[%get3A_2, %get3A_3] : memref<2000x1xf32, #tpu.memory_space<vmem>>, vector<2000x1xf32>
    %add3A = arith.addf %get3A_1, %get3A_4 : vector<2000x1xf32>
    %add3A_5 = arith.constant 1.000000e+00 : f32
    %add3A_6 = vector.broadcast %add3A_5 : f32 to vector<2000x1xf32>
    %add3A_7 = arith.addf %add3A, %add3A_6 : vector<2000x1xf32>
    %rsqrt3A = math.rsqrt %add3A_7 : vector<2000x1xf32>
    %get3A_8 = arith.constant 0 : index
    %get3A_9 = arith.constant 0 : index
    %get3A_10 = arith.constant 0 : index
    %get3A_11 = vector.load %arg1[%get3A_8, %get3A_9, %get3A_10] : memref<2x2000x64xf32, #tpu.memory_space<vmem>>, vector<1x2000x64xf32>
    %get3A_12 = vector.shape_cast %get3A_11 : vector<1x2000x64xf32> to vector<2000x64xf32>
    %get3A_13 = arith.constant 1 : index
    %get3A_14 = arith.constant 0 : index
    %get3A_15 = arith.constant 0 : index
    %get3A_16 = vector.load %arg1[%get3A_13, %get3A_14, %get3A_15] : memref<2x2000x64xf32, #tpu.memory_space<vmem>>, vector<1x2000x64xf32>
    %get3A_17 = vector.shape_cast %get3A_16 : vector<1x2000x64xf32> to vector<2000x64xf32>
    %add3A_18 = arith.addf %get3A_12, %get3A_17 : vector<2000x64xf32>
    %get3A_19 = arith.constant 0 : index
    %get3A_20 = arith.constant 0 : index
    %get3A_21 = vector.load %arg2[%get3A_19, %get3A_20] : memref<2000x64xf32, #tpu.memory_space<vmem>>, vector<2000x64xf32>
    %get3A_22 = arith.constant 0 : index
    %get3A_23 = arith.constant 0 : index
    %get3A_24 = vector.load %arg7[%get3A_22, %get3A_23] : memref<1x64xf32, #tpu.memory_space<vmem>>, vector<1x64xf32>
    %get3A_25 = arith.constant 0 : index
    %get3A_26 = arith.constant 0 : index
    %get3A_27 = vector.load %arg8[%get3A_25, %get3A_26] : memref<1x64xf32, #tpu.memory_space<vmem>>, vector<1x64xf32>
    %get3A_28 = arith.constant 0 : index
    %get3A_29 = arith.constant 0 : index
    %get3A_30 = vector.load %arg9[%get3A_28, %get3A_29] : memref<1x64xf32, #tpu.memory_space<vmem>>, vector<1x64xf32>
    %get3A_31 = arith.constant 0 : index
    %get3A_32 = arith.constant 0 : index
    %get3A_33 = vector.load %arg10[%get3A_31, %get3A_32] : memref<1x64xf32, #tpu.memory_space<vmem>>, vector<1x64xf32>
    %get3A_34 = arith.constant 0 : index
    %get3A_35 = arith.constant 0 : index
    %get3A_36 = vector.load %arg11[%get3A_34, %get3A_35] : memref<1x64xf32, #tpu.memory_space<vmem>>, vector<1x64xf32>
    %add3A_37 = arith.addf %add3A_18, %get3A_21 : vector<2000x64xf32>
    %mul3A = vector.broadcast %rsqrt3A : vector<2000x1xf32> to vector<2000x64xf32>
    %mul3A_38 = arith.mulf %mul3A, %add3A_37 : vector<2000x64xf32>
    %add3A_39 = vector.broadcast %get3A_24 : vector<1x64xf32> to vector<2000x64xf32>
    %add3A_40 = arith.addf %mul3A_38, %add3A_39 : vector<2000x64xf32>
    %max3A = arith.constant 0.000000e+00 : f32
    %max3A_41 = vector.broadcast %max3A : f32 to vector<2000x64xf32>
    %max3A_42 = arith.maximumf %add3A_40, %max3A_41 : vector<2000x64xf32>
    %sub3A = vector.broadcast %get3A_33 : vector<1x64xf32> to vector<2000x64xf32>
    %sub3A_43 = arith.subf %max3A_42, %sub3A : vector<2000x64xf32>
    %add3A_44 = arith.constant 9.99999974E-6 : f32
    %add3A_45 = vector.broadcast %add3A_44 : f32 to vector<1x64xf32>
    %add3A_46 = arith.addf %get3A_36, %add3A_45 : vector<1x64xf32>
    %rsqrt3A_47 = math.rsqrt %add3A_46 : vector<1x64xf32>
    %mul3A_48 = vector.broadcast %rsqrt3A_47 : vector<1x64xf32> to vector<2000x64xf32>
    %mul3A_49 = arith.mulf %sub3A_43, %mul3A_48 : vector<2000x64xf32>
    %mul3A_50 = vector.broadcast %get3A_27 : vector<1x64xf32> to vector<2000x64xf32>
    %mul3A_51 = arith.mulf %mul3A_49, %mul3A_50 : vector<2000x64xf32>
    %add3A_52 = vector.broadcast %get3A_30 : vector<1x64xf32> to vector<2000x64xf32>
    %add3A_53 = arith.addf %mul3A_51, %add3A_52 : vector<2000x64xf32>
    %get3A_54 = arith.constant 0 : index
    %get3A_55 = arith.constant 0 : index
    %get3A_56 = vector.load %arg3[%get3A_54, %get3A_55] : memref<2000x64xf32, #tpu.memory_space<vmem>>, vector<2000x64xf32>
    %get3A_57 = arith.constant 0 : index
    %get3A_58 = arith.constant 0 : index
    %get3A_59 = vector.load %arg12[%get3A_57, %get3A_58] : memref<128x192xf32, #tpu.memory_space<vmem>>, vector<128x192xf32>
    %slice3A = vector.extract_strided_slice %get3A_59 {offsets = [0, 0], sizes = [64, 192], strides = [1, 1]} : vector<128x192xf32> to vector<64x192xf32>
    %dot_general3A = arith.constant dense<0.000000e+00> : vector<2000x192xf32>
    %dot_general3A_60 = tpu.matmul %get3A_56, %slice3A, %dot_general3A {dimension_numbers = #tpu.dot_dimension_numbers<[1], [0], [0], [1], [0, 0, 1, 1], [], []>, transpose_lhs_hint = false} : vector<2000x64xf32>, vector<64x192xf32>, vector<2000x192xf32> -> vector<2000x192xf32>
    %slice3A_61 = vector.extract_strided_slice %get3A_59 {offsets = [64, 0], sizes = [64, 192], strides = [1, 1]} : vector<128x192xf32> to vector<64x192xf32>
    %dot_general3A_62 = arith.constant dense<0.000000e+00> : vector<2000x192xf32>
    %dot_general3A_63 = tpu.matmul %add3A_53, %slice3A_61, %dot_general3A_62 {dimension_numbers = #tpu.dot_dimension_numbers<[1], [0], [0], [1], [0, 0, 1, 1], [], []>, transpose_lhs_hint = false} : vector<2000x64xf32>, vector<64x192xf32>, vector<2000x192xf32> -> vector<2000x192xf32>
    %add3A_64 = arith.addf %dot_general3A_60, %dot_general3A_63 : vector<2000x192xf32>
    %get3A_65 = arith.constant 0 : index
    %get3A_66 = arith.constant 0 : index
    %get3A_67 = vector.load %arg14[%get3A_65, %get3A_66] : memref<1x192xf32, #tpu.memory_space<vmem>>, vector<1x192xf32>
    %get3A_68 = arith.constant 0 : index
    %get3A_69 = arith.constant 0 : index
    %get3A_70 = vector.load %arg15[%get3A_68, %get3A_69] : memref<1x192xf32, #tpu.memory_space<vmem>>, vector<1x192xf32>
    %add3A_71 = vector.broadcast %get3A_67 : vector<1x192xf32> to vector<2000x192xf32>
    %add3A_72 = arith.addf %add3A_64, %add3A_71 : vector<2000x192xf32>
    %add3A_73 = vector.broadcast %get3A_70 : vector<1x192xf32> to vector<2000x192xf32>
    %add3A_74 = arith.addf %add3A_72, %add3A_73 : vector<2000x192xf32>
    %slice3A_75 = vector.extract_strided_slice %add3A_74 {offsets = [0, 0], sizes = [2000, 64], strides = [1, 1]} : vector<2000x192xf32> to vector<2000x64xf32>
    %logistic3A = arith.negf %slice3A_75 : vector<2000x64xf32>
    %logistic3A_76 = math.exp %logistic3A : vector<2000x64xf32>
    %logistic3A_77 = arith.constant 1.000000e+00 : f32
    %logistic3A_78 = vector.broadcast %logistic3A_77 : f32 to vector<2000x64xf32>
    %logistic3A_79 = arith.addf %logistic3A_78, %logistic3A_76 : vector<2000x64xf32>
    %logistic3A_80 = arith.divf %logistic3A_78, %logistic3A_79 : vector<2000x64xf32>
    %slice3A_81 = vector.extract_strided_slice %add3A_74 {offsets = [0, 64], sizes = [2000, 64], strides = [1, 1]} : vector<2000x192xf32> to vector<2000x64xf32>
    %tanh3A = math.tanh %slice3A_81 : vector<2000x64xf32>
    %slice3A_82 = vector.extract_strided_slice %add3A_74 {offsets = [0, 128], sizes = [2000, 64], strides = [1, 1]} : vector<2000x192xf32> to vector<2000x64xf32>
    %logistic3A_83 = arith.negf %slice3A_82 : vector<2000x64xf32>
    %logistic3A_84 = math.exp %logistic3A_83 : vector<2000x64xf32>
    %logistic3A_85 = arith.constant 1.000000e+00 : f32
    %logistic3A_86 = vector.broadcast %logistic3A_85 : f32 to vector<2000x64xf32>
    %logistic3A_87 = arith.addf %logistic3A_86, %logistic3A_84 : vector<2000x64xf32>
    %logistic3A_88 = arith.divf %logistic3A_86, %logistic3A_87 : vector<2000x64xf32>
    %mul3A_89 = arith.mulf %logistic3A_80, %tanh3A : vector<2000x64xf32>
    %tanh3A_90 = math.tanh %mul3A_89 : vector<2000x64xf32>
    %mul3A_91 = arith.mulf %logistic3A_88, %tanh3A_90 : vector<2000x64xf32>
    %get3A_92 = arith.constant 0 : index
    %get3A_93 = arith.constant 0 : index
    %get3A_94 = vector.load %arg13[%get3A_92, %get3A_93] : memref<64x192xf32, #tpu.memory_space<vmem>>, vector<64x192xf32>
    %dot_general3A_95 = arith.constant dense<0.000000e+00> : vector<2000x192xf32>
    %dot_general3A_96 = tpu.matmul %mul3A_91, %get3A_94, %dot_general3A_95 {dimension_numbers = #tpu.dot_dimension_numbers<[1], [0], [0], [1], [0, 0, 1, 1], [], []>, transpose_lhs_hint = false} : vector<2000x64xf32>, vector<64x192xf32>, vector<2000x192xf32> -> vector<2000x192xf32>
    %get3A_97 = arith.constant 0 : index
    %get3A_98 = arith.constant 0 : index
    %get3A_99 = vector.load %arg16[%get3A_97, %get3A_98] : memref<1x192xf32, #tpu.memory_space<vmem>>, vector<1x192xf32>
    %get3A_100 = arith.constant 0 : index
    %get3A_101 = arith.constant 0 : index
    %get3A_102 = vector.load %arg17[%get3A_100, %get3A_101] : memref<1x192xf32, #tpu.memory_space<vmem>>, vector<1x192xf32>
    %add3A_103 = vector.broadcast %get3A_99 : vector<1x192xf32> to vector<2000x192xf32>
    %add3A_104 = arith.addf %dot_general3A_96, %add3A_103 : vector<2000x192xf32>
    %add3A_105 = vector.broadcast %get3A_102 : vector<1x192xf32> to vector<2000x192xf32>
    %add3A_106 = arith.addf %add3A_104, %add3A_105 : vector<2000x192xf32>
    %slice3A_107 = vector.extract_strided_slice %add3A_106 {offsets = [0, 0], sizes = [2000, 64], strides = [1, 1]} : vector<2000x192xf32> to vector<2000x64xf32>
    %logistic3A_108 = arith.negf %slice3A_107 : vector<2000x64xf32>
    %logistic3A_109 = math.exp %logistic3A_108 : vector<2000x64xf32>
    %logistic3A_110 = arith.constant 1.000000e+00 : f32
    %logistic3A_111 = vector.broadcast %logistic3A_110 : f32 to vector<2000x64xf32>
    %logistic3A_112 = arith.addf %logistic3A_111, %logistic3A_109 : vector<2000x64xf32>
    %logistic3A_113 = arith.divf %logistic3A_111, %logistic3A_112 : vector<2000x64xf32>
    %slice3A_114 = vector.extract_strided_slice %add3A_106 {offsets = [0, 64], sizes = [2000, 64], strides = [1, 1]} : vector<2000x192xf32> to vector<2000x64xf32>
    %tanh3A_115 = math.tanh %slice3A_114 : vector<2000x64xf32>
    %slice3A_116 = vector.extract_strided_slice %add3A_106 {offsets = [0, 128], sizes = [2000, 64], strides = [1, 1]} : vector<2000x192xf32> to vector<2000x64xf32>
    %logistic3A_117 = arith.negf %slice3A_116 : vector<2000x64xf32>
    %logistic3A_118 = math.exp %logistic3A_117 : vector<2000x64xf32>
    %logistic3A_119 = arith.constant 1.000000e+00 : f32
    %logistic3A_120 = vector.broadcast %logistic3A_119 : f32 to vector<2000x64xf32>
    %logistic3A_121 = arith.addf %logistic3A_120, %logistic3A_118 : vector<2000x64xf32>
    %logistic3A_122 = arith.divf %logistic3A_120, %logistic3A_121 : vector<2000x64xf32>
    %mul3A_123 = arith.mulf %logistic3A_113, %tanh3A_115 : vector<2000x64xf32>
    %tanh3A_124 = math.tanh %mul3A_123 : vector<2000x64xf32>
    %mul3A_125 = arith.mulf %logistic3A_122, %tanh3A_124 : vector<2000x64xf32>
    %get3A_126 = arith.constant 0 : index
    %get3A_127 = arith.constant 0 : index
    %get3A_128 = vector.load %arg18[%get3A_126, %get3A_127] : memref<64x1xf32, #tpu.memory_space<vmem>>, vector<64x1xf32>
    %dot_general3A_129 = arith.constant dense<0.000000e+00> : vector<2000x1xf32>
    %dot_general3A_130 = tpu.matmul %mul3A_91, %get3A_128, %dot_general3A_129 {dimension_numbers = #tpu.dot_dimension_numbers<[1], [0], [0], [1], [0, 0, 1, 1], [], []>, transpose_lhs_hint = false} : vector<2000x64xf32>, vector<64x1xf32>, vector<2000x1xf32> -> vector<2000x1xf32>
    %get3A_131 = arith.constant 0 : index
    %get3A_132 = arith.constant 0 : index
    %get3A_133 = vector.load %arg19[%get3A_131, %get3A_132] : memref<64x1xf32, #tpu.memory_space<vmem>>, vector<64x1xf32>
    %dot_general3A_134 = arith.constant dense<0.000000e+00> : vector<2000x1xf32>
    %dot_general3A_135 = tpu.matmul %mul3A_125, %get3A_133, %dot_general3A_134 {dimension_numbers = #tpu.dot_dimension_numbers<[1], [0], [0], [1], [0, 0, 1, 1], [], []>, transpose_lhs_hint = false} : vector<2000x64xf32>, vector<64x1xf32>, vector<2000x1xf32> -> vector<2000x1xf32>
    %add3A_136 = arith.addf %dot_general3A_130, %dot_general3A_135 : vector<2000x1xf32>
    %get3A_137 = arith.constant 0 : index
    %get3A_138 = arith.constant 0 : index
    %get3A_139 = vector.load %arg4[%get3A_137, %get3A_138] : memref<2000x32xf32, #tpu.memory_space<vmem>>, vector<2000x32xf32>
    %get3A_140 = arith.constant 0 : index
    %get3A_141 = arith.constant 0 : index
    %get3A_142 = vector.load %arg20[%get3A_140, %get3A_141] : memref<32x1xf32, #tpu.memory_space<vmem>>, vector<32x1xf32>
    %dot_general3A_143 = arith.constant dense<0.000000e+00> : vector<2000x1xf32>
    %dot_general3A_144 = tpu.matmul %get3A_139, %get3A_142, %dot_general3A_143 {dimension_numbers = #tpu.dot_dimension_numbers<[1], [0], [0], [1], [0, 0, 1, 1], [], []>, transpose_lhs_hint = false} : vector<2000x32xf32>, vector<32x1xf32>, vector<2000x1xf32> -> vector<2000x1xf32>
    %add3A_145 = arith.addf %add3A_136, %dot_general3A_144 : vector<2000x1xf32>
    %get3A_146 = arith.constant 0 : index
    %get3A_147 = arith.constant 0 : index
    %get3A_148 = vector.load %arg21[%get3A_146, %get3A_147] : memref<1x1xf32, #tpu.memory_space<vmem>>, vector<1x1xf32>
    %add3A_149 = vector.broadcast %get3A_148 : vector<1x1xf32> to vector<2000x1xf32>
    %add3A_150 = arith.addf %add3A_145, %add3A_149 : vector<2000x1xf32>
    %swap3A = arith.constant 0 : index
    %swap3A_151 = arith.constant 0 : index
    %swap3A_152 = vector.load %arg22[%swap3A, %swap3A_151] : memref<2000x1xf32, #tpu.memory_space<vmem>>, vector<2000x1xf32>
    tpu.vector_store %arg22[%swap3A, %swap3A_151], %add3A_150 {strides = array<i32>} : memref<2000x1xf32, #tpu.memory_space<vmem>>, vector<2000x1xf32>,
    return
  }
  func.func @transform_0(%arg0: i32) -> (i32, i32, i32) {
    %c0_i32 = arith.constant 0 : i32
    %c0_i32_0 = arith.constant 0 : i32
    %c0_i32_1 = arith.constant 0 : i32
    return %c0_i32, %arg0, %c0_i32_0 : i32, i32, i32
  }
  func.func @transform_1(%arg0: i32) -> (i32, i32) {
    %c0_i32 = arith.constant 0 : i32
    %c0_i32_0 = arith.constant 0 : i32
    return %arg0, %c0_i32 : i32, i32
  }
  func.func @transform_2(%arg0: i32) -> (i32, i32) {
    %c0_i32 = arith.constant 0 : i32
    %c0_i32_0 = arith.constant 0 : i32
    return %arg0, %c0_i32 : i32, i32
  }
  func.func @transform_3(%arg0: i32) -> (i32, i32) {
    %c0_i32 = arith.constant 0 : i32
    %c0_i32_0 = arith.constant 0 : i32
    return %arg0, %c0_i32 : i32, i32
  }
  func.func @transform_4(%arg0: i32) -> (i32, i32) {
    %c0_i32 = arith.constant 0 : i32
    %c0_i32_0 = arith.constant 0 : i32
    return %arg0, %c0_i32 : i32, i32
  }
  func.func @transform_5(%arg0: i32) -> (i32, i32) {
    %c0_i32 = arith.constant 0 : i32
    %c0_i32_0 = arith.constant 0 : i32
    return %arg0, %c0_i32 : i32, i32
  }
  func.func @transform_6(%arg0: i32) -> (i32, i32) {
    %c0_i32 = arith.constant 0 : i32
    %c0_i32_0 = arith.constant 0 : i32
    %c0_i32_1 = arith.constant 0 : i32
    return %c0_i32, %c0_i32_0 : i32, i32
  }
  func.func @transform_7(%arg0: i32) -> (i32, i32) {
    %c0_i32 = arith.constant 0 : i32
    %c0_i32_0 = arith.constant 0 : i32
    %c0_i32_1 = arith.constant 0 : i32
    return %c0_i32, %c0_i32_0 : i32, i32
  }
  func.func @transform_8(%arg0: i32) -> (i32, i32) {
    %c0_i32 = arith.constant 0 : i32
    %c0_i32_0 = arith.constant 0 : i32
    %c0_i32_1 = arith.constant 0 : i32
    return %c0_i32, %c0_i32_0 : i32, i32
  }
  func.func @transform_9(%arg0: i32) -> (i32, i32) {
    %c0_i32 = arith.constant 0 : i32
    %c0_i32_0 = arith.constant 0 : i32
    %c0_i32_1 = arith.constant 0 : i32
    return %c0_i32, %c0_i32_0 : i32, i32
  }
  func.func @transform_10(%arg0: i32) -> (i32, i32) {
    %c0_i32 = arith.constant 0 : i32
    %c0_i32_0 = arith.constant 0 : i32
    %c0_i32_1 = arith.constant 0 : i32
    return %c0_i32, %c0_i32_0 : i32, i32
  }
  func.func @transform_11(%arg0: i32) -> (i32, i32) {
    %c0_i32 = arith.constant 0 : i32
    %c0_i32_0 = arith.constant 0 : i32
    %c0_i32_1 = arith.constant 0 : i32
    return %c0_i32, %c0_i32_0 : i32, i32
  }
  func.func @transform_12(%arg0: i32) -> (i32, i32) {
    %c0_i32 = arith.constant 0 : i32
    %c0_i32_0 = arith.constant 0 : i32
    %c0_i32_1 = arith.constant 0 : i32
    return %c0_i32, %c0_i32_0 : i32, i32
  }
  func.func @transform_13(%arg0: i32) -> (i32, i32) {
    %c0_i32 = arith.constant 0 : i32
    %c0_i32_0 = arith.constant 0 : i32
    %c0_i32_1 = arith.constant 0 : i32
    return %c0_i32, %c0_i32_0 : i32, i32
  }
  func.func @transform_14(%arg0: i32) -> (i32, i32) {
    %c0_i32 = arith.constant 0 : i32
    %c0_i32_0 = arith.constant 0 : i32
    %c0_i32_1 = arith.constant 0 : i32
    return %c0_i32, %c0_i32_0 : i32, i32
  }
  func.func @transform_15(%arg0: i32) -> (i32, i32) {
    %c0_i32 = arith.constant 0 : i32
    %c0_i32_0 = arith.constant 0 : i32
    %c0_i32_1 = arith.constant 0 : i32
    return %c0_i32, %c0_i32_0 : i32, i32
  }
  func.func @transform_16(%arg0: i32) -> (i32, i32) {
    %c0_i32 = arith.constant 0 : i32
    %c0_i32_0 = arith.constant 0 : i32
    %c0_i32_1 = arith.constant 0 : i32
    return %c0_i32, %c0_i32_0 : i32, i32
  }
  func.func @transform_17(%arg0: i32) -> (i32, i32) {
    %c0_i32 = arith.constant 0 : i32
    %c0_i32_0 = arith.constant 0 : i32
    %c0_i32_1 = arith.constant 0 : i32
    return %c0_i32, %c0_i32_0 : i32, i32
  }
  func.func @transform_18(%arg0: i32) -> (i32, i32) {
    %c0_i32 = arith.constant 0 : i32
    %c0_i32_0 = arith.constant 0 : i32
    %c0_i32_1 = arith.constant 0 : i32
    return %c0_i32, %c0_i32_0 : i32, i32
  }
  func.func @transform_19(%arg0: i32) -> (i32, i32) {
    %c0_i32 = arith.constant 0 : i32
    %c0_i32_0 = arith.constant 0 : i32
    %c0_i32_1 = arith.constant 0 : i32
    return %c0_i32, %c0_i32_0 : i32, i32
  }
  func.func @transform_20(%arg0: i32) -> (i32, i32) {
    %c0_i32 = arith.constant 0 : i32
    %c0_i32_0 = arith.constant 0 : i32
    %c0_i32_1 = arith.constant 0 : i32
    return %c0_i32, %c0_i32_0 : i32, i32
  }
  func.func @transform_21(%arg0: i32) -> (i32, i32) {
    %c0_i32 = arith.constant 0 : i32
    %c0_i32_0 = arith.constant 0 : i32
    return %arg0, %c0_i32 : i32, i32
  }
}

</mosaic_0001>

<sc_bundles>
// kernel: kernel.11.cloned.1.call-start
scs
__scs_entry_jumppad:
0x0: {  	(pc) =	sbr.rel $0x88, $3  }
0x1: {  	(tag) =	ssettag $0x0;
	lr =	simm.s32 $0x1  }
0x2: {  	[smem:$0x3F8A] =	sst lr;
	_ =	strace $0xD0000000  }
0x3: {  	_ = 	snop  }
0x4: {  	_ = 	snop  }
0x5: {  	_ = 	snop  }
0x6: {  	_ = 	snop  }
0x7: {  	_ = 	snop  }
__scs_overlays_trampoline_lowered:
0x8: {  	[smem:$0x3F99] =	sst s0  }
0x9: {  	[smem:$0x3F9A] =	sst s1  }
0xa: {  	[smem:$0x3F9B] =	sst s2  }
0xb: {  	[smem:$0x3F9C] =	sst s3  }
0xc: {  	[smem:$0x3F9D] =	sst s4  }
0xd: {  	[smem:$0x3F9E] =	sst s5  }
0xe: {  	[smem:$0x3F9F] =	sst s6  }
0xf: {  	[smem:$0x3FA0] =	sst s7  }
0x10: {  	[smem:$0x3FA1] =	sst s8  }
0x11: {  	[smem:$0x3FA2] =	sst s9;
	s0 =	simm.s32 @!p0 $0x0  }
0x12: {  	s1 =	sld [smem:$0x3F88];
	s0 =	simm.s32 @p0 $0x1  }
0x13: {  	[smem:$0x3FA3] =	sst s0;
	s0 =	simm.s32 @!p1 $0x0  }
0x14: {  	s2 =	sld [smem:$0x3F87];
	s0 =	simm.s32 @p1 $0x1  }
0x15: {  	[smem:$0x3FA4] =	sst s0;
	s0 =	simm.s32 @!p2 $0x0  }
0x16: {  	s3 =	sld [smem:$0x3FDB];
	s0 =	simm.s32 @p2 $0x1  }
0x17: {  	s4 =	simm.s32 $0x1BF5;
	[smem:$0x3FA6] =	sst s0  }
0x18: {  	s0 =	sld [smem:$0x3F89];
	_ =	swait.ge [sflag:s4], $0x0  }
0x19: {  	s7 =	sld [smem:$0x3F8A]  }
0x1a: {  	s8 =	sadd.s32 $0xFFFFE003, lr  }
0x1b: {  	s9 =	sadd.s32 $0xFFFFFEF7, lr;
	s5 =	simm.s32 $0xFFFFFFFF;
	p2 =	slt.u32 s8, $0xFFFFF086  }
0x1c: {  	p1 =	slt.u32 s9, $0xF7A;
	s5 =	simm.s32 @!p2 $0x0  }
0x1d: {  	s5 =	simm.s32 @p1 $0x1;
	p0 =	seq.s32 s7, s2  }
0x1e: {  	s7 =	smul.u32 @!p0 $0xF7A, s2;
	p2 =	seq.s32 @!p0 s5, $0x0  }
0x1f: {  	s9 =	smul.u32 $0xF7A, s1;
	s8 =	simm.s32 @!p0 $0x1BF5;
	p2 =	por !p2, p0  }
0x20: {  	[sflag:s8] =	ssyncset.s32 @!p0 $0xFFFFF086;
	s6 =	sadd.s32 @!p0 s3, s7;
	s7 =	simm.s32 @!p0 $0x108  }
0x21: {  	s3 =	sadd.s32 s3, s9;
	s6 =	sadd.s32 @!p0 $0x88, s6;
	s7 =	simm.s32 @p2 $0x1082  }
0x22: {  	[simem:s7], [sflag:s8] =	dma.local @!p0 [hbm:s6], $0xF7A  }
0x23: {  	s9 =	sor.u32 $0xD0000000, s2;
	s6 =	simm.s32 $0x108;
	_ =	swait.ge @!p0 [sflag:s8], $0x0  }
0x24: {  	s3 =	sadd.s32 $0x88, s3;
	s6 =	simm.s32 @!p1 $0x1082;
	[sflag:s4] =	ssyncset.s32 $0xFFFFF086  }
0x25: {  	[simem:s6], [sflag:s4] =	dma.local [hbm:s3], $0xF7A  }
0x26: {  	[smem:$0x3F8A] =	sst s1;
	(tag) =	ssettag s2;
	_ =	strace s9  }
0x27: {  	s1 =	sld [smem:$0x3F9A]  }
0x28: {  	s2 =	sld [smem:$0x3F9B]  }
0x29: {  	s4 =	sld [smem:$0x3F9D]  }
0x2a: {  	p0 =	seq.s32 s5, $0x0;
	s5 =	sld [smem:$0x3F9E]  }
0x2b: {  	s6 =	sld [smem:$0x3F9F]  }
0x2c: {  	s7 =	sld [smem:$0x3FA0]  }
0x2d: {  	s3 =	simm.s32 $0x108;
	s8 =	sld [smem:$0x3FA1]  }
0x2e: {  	s3 =	simm.s32 @!p0 $0x1082;
	s9 =	sld [smem:$0x3FA2]  }
0x2f: {  	lr =	sadd.s32 s0, s3;
	s0 =	sld [smem:$0x3F99]  }
0x30: {  	s3 =	sld [smem:$0x3F9C]  }
0x31: {  	[smem:$0x3FA5] =	sst s10  }
0x32: {  	s10 =	sld [smem:$0x3FA3];
	_ =	sdelay $0x3  }
0x33: {  	p0 =	seq.s32 s10, $0x1;
	s10 =	sld [smem:$0x3FA5];
	_ =	sdelay $0x3  }
0x34: {  	[smem:$0x3FA5] =	sst s10  }
0x35: {  	s10 =	sld [smem:$0x3FA4];
	_ =	sdelay $0x3  }
0x36: {  	p1 =	seq.s32 s10, $0x1;
	s10 =	sld [smem:$0x3FA5];
	_ =	sdelay $0x3  }
0x37: {  	[smem:$0x3FA5] =	sst s10  }
0x38: {  	s10 =	sld [smem:$0x3FA6]  }
0x39: {  	_ = 	snop;
	(pc) =	sbr.ind lr, $3  }
0x3a: {  	_ = 	snop  }
0x3b: {  	_ = 	snop  }
0x3c: {  	p2 =	seq.s32 s10, $0x1;
	s10 =	sld [smem:$0x3FA5]  }
0x3d: {  	_ =	shalt  }
0x3e: {  	_ =	shalt  }
0x3f: {  	_ =	shalt  }
0x40: {  	_ =	shalt  }
0x41: {  	_ =	shalt  }
0x42: {  	_ =	shalt  }
0x43: {  	_ =	shalt  }
0x44: {  	_ =	shalt  }
0x45: {  	_ =	shalt  }
0x46: {  	_ =	shalt  }
0x47: {  	_ =	shalt  }
0x48: {  	_ =	shalt  }
0x49: {  	_ =	shalt  }
0x4a: {  	_ =	shalt  }
0x4b: {  	_ =	shalt  }
0x4c: {  	_ =	shalt  }
0x4d: {  	_ =	shalt  }
0x4e: {  	_ =	shalt  }
0x4f: {  	_ =	shalt  }
0x50: {  	_ =	shalt  }
0x51: {  	_ =	shalt  }
0x52: {  	_ =	shalt  }
0x53: {  	_ =	shalt  }
0x54: {  	_ =	shalt  }
0x55: {  	_ =	shalt  }
0x56: {  	_ =	shalt  }
0x57: {  	_ =	shalt  }
0x58: {  	_ =	shalt  }
0x59: {  	_ =	shalt  }
0x5a: {  	_ =	shalt  }
0x5b: {  	_ =	shalt  }
0x5c: {  	_ =	shalt  }
0x5d: {  	_ =	shalt  }
0x5e: {  	_ =	shalt  }
0x5f: {  	_ =	shalt  }
0x60: {  	_ =	shalt  }
0x61: {  	_ =	shalt  }
0x62: {  	_ =	shalt  }
0x63: {  	_ =	shalt  }
0x64: {  	_ =	shalt  }
0x65: {  	_ =	shalt  }
0x66: {  	_ =	shalt  }
0x67: {  	_ =	shalt  }
0x68: {  	_ =	shalt  }
0x69: {  	_ =	shalt  }
0x6a: {  	_ =	shalt  }
0x6b: {  	_ =	shalt  }
0x6c: {  	_ =	shalt  }
0x6d: {  	_ =	shalt  }
0x6e: {  	_ =	shalt  }
0x6f: {  	_ =	shalt  }
0x70: {  	_ =	shalt  }
0x71: {  	_ =	shalt  }
0x72: {  	_ =	shalt  }
0x73: {  	_ =	shalt  }
0x74: {  	_ =	shalt  }
0x75: {  	_ =	shalt  }
0x76: {  	_ =	shalt  }
0x77: {  	_ =	shalt  }
0x78: {  	_ =	shalt  }
0x79: {  	_ =	shalt  }
0x7a: {  	_ =	shalt  }
0x7b: {  	_ =	shalt  }
0x7c: {  	_ =	shalt  }
0x7d: {  	_ =	shalt  }
0x7e: {  	_ =	shalt  }
0x7f: {  	_ =	shalt  }
0x80: {  	_ =	shalt  }
0x81: {  	_ =	shalt  }
0x82: {  	_ =	shalt  }
0x83: {  	_ =	shalt  }
0x84: {  	_ =	shalt  }
0x85: {  	_ =	shalt  }
0x86: {  	_ =	shalt  }
0x87: {  	_ =	shalt  }
.Lfunc_end0:
.L_simem_size_0:
called_computation.1_lowered:
.L_overlay_start_0:
0x88: {  	s2 =	sld [smem:$0x3FD9]  }
0x89: {  	s3 =	sld [smem:$0x3FFE];
	_ =	sdelay $0x1  }
0x8a: {  	s1 =	srdreg.scid  }
0x8b: {  	s0 =	sand.u32 $0x1, s1  }
0x8c: {  	s16 =	sshll.u32 s0, $0xA;
	s2 =	sadd.s32 s3, s2  }
0x8d: {  	s2 =	sadd.s32 s2, s16  }
0x8e: {  	[smem:$0x3FB1] =	sst s2  }
0x8f: {  	_ = 	snop  }
0x90: {  	(tm) =	ssettm $0x1  }
0x91: {  	s17 =	sld [smem:$0x3FFB];
	_ =	sdelay $0x3  }
0x92: {  	_ =	strace s17  }
0x93: {  	s2 =	sld [smem:$0x3FFC];
	_ =	sdelay $0x3  }
0x94: {  	_ =	strace s2  }
0x95: {  	s2 =	sld [smem:$0x3FFD];
	_ =	sdelay $0x3  }
0x96: {  	_ =	strace s2  }
0x97: {  	_ =	strace $0x8FFFFFFF  }
0x98: {  	s18 =	sld [smem:$0x3FDB];
	_ =	sdelay $0x1  }
0x99: {  	s19 =	simm.s32 $_scs_section_size  }
0x9a: {  	s4 =	simm.s32 $_size__tile_overlayer_lowered;
	s5 =	simm.s32 $_tile_overlayer_lowered  }
0x9b: {  	s22 =	simm.s32 $0x1BFF;
	s21 =	sshll.u32 s5, $0x1;
	s2 =	sadd.s32 s19, s18  }
0x9c: {  	s6 =	simm.s32 $0x0;
	s20 =	sshll.u32 s4, $0x1;
	s4 =	sadd.s32 s21, s2  }
0x9d: {  	[timem:s6], [sflag:s22] =	dma.local [hbm:s4], s20  }
0x9e: {  	_ =	swait.ge [sflag:s22], s20  }
0x9f: {  	s3 =	ssub.s32 $0x0, s20;
	[sflag:s22] =	ssyncset.done $0x0  }
0xa0: {  	[sflag:s22] =	ssyncadd.s32 s3;
	_ =	sdelay $0x1  }
0xa1: {  	s23 =	simm.s32 $0x1B8B  }
0xa2: {  	_ =	swait.ge [sflag:s23], $0x1  }
0xa3: {  	[sflag:s23] =	ssyncset.done $0x0  }
0xa4: {  	s25 =	simm.s32 $0x1B8E;
	s24 =	sld [smem:$0x3FFE];
	[sflag:s23] =	ssyncadd.s32 $0xFFFFFFFF  }
0xa5: {  	s26 =	simm.s32 $execute0_lowered;
	[smem:$0x3FD2] =	sst s25  }
0xa6: {  	s4 =	sshll.u32 s26, $0x1;
	_ =	strace $0x80000049;
	[dreg:$0x1] =	wrdreg $0xFFFFFFFF  }
0xa7: {  	s28 =	simm.s32 $_size_execute0_lowered;
	s2 =	sadd.s32 s2, s4;
	[dreg:$0x0] =	wrdreg $0x0  }
0xa8: {  	s4 =	sshll.u32 s28, $0x1;
	[dreg:$0x2] =	wrdreg s2  }
0xa9: {  	[dreg:$0x3] =	wrdreg s4  }
0xaa: {  	[dreg:$0x4] =	wrdreg $0xC0  }
0xab: {  	_ =	task [dreg:s6], $0x5FFFF  }
0xac: {  	[dreg:$0x1] =	wrdreg $0xFFFFFFFF  }
0xad: {  	[dreg:$0x0] =	wrdreg $0x60  }
0xae: {  	[dreg:$0x2] =	wrdreg s24  }
0xaf: {  	[dreg:$0x3] =	wrdreg $0x80000  }
0xb0: {  	[dreg:$0x4] =	wrdreg $0x9  }
0xb1: {  	_ =	task.clear_ibuf [dreg:s6], $0x5FFFF;
	_ =	strace $0x90000049  }
0xb2: {  	s29 =	simm.s32 $0x9;
	_ =	strace $0x8000004B  }
0xb3: {  	_ =	swait.ge [sflag:s29], $0x1  }
0xb4: {  	[sflag:s29] =	ssyncadd.s32 $0xFFFFFFFF  }
0xb5: {  	_ =	strace $0x9000004B  }
0xb6: {  	_ =	sfence  }
0xb7: {  	s30 =	sld [smem:$0x0];
	_ =	sdelay $0x2  }
0xb8: {  	s31 =	sshll.u32 s1, $0xD;
	s1 =	sshrl.u32 s1, $0x2  }
0xb9: {  	s3 =	sand.u32 $0x4000, s31;
	s1 =	sadd.s32 s1, s30  }
0xba: {  	s0 =	sor.u32 s3, s0;
	s1 =	sshll.u32 s1, $0x11  }
0xbb: {  	s0 =	sor.u32 s1, s0  }
0xbc: {  	s0 =	sadd.s32 $0x8F2B, s0  }
0xbd: {  	[sflag:s0] =	ssyncadd.remote.s32 $0x1  }
0xbe: {  	_ =	sfence.sel $0xFFFF  }
0xbf: {  	[dreg:$0x0] =	wrdreg $0xFFFFFFFF;
	(pc) =	sbr.abs _section_cstart, $3  }
0xc0: {  	[dreg:$0x1] =	wrdreg $0xFFFFFFFF  }
0xc1: {  	_ =	task.clear_ibuf [dreg:s6], $0x2FFFF;
	_ =	strace $0x9FFFFFFF  }
0xc2: {  	(tm) =	ssettm $0x7FFFFFFF  }
0xc3: {  	_ =	shalt  }
tec
execute0_lowered:
.L_overlay_start_1:
0x0: {  	(tag) =	ssettag $0x1  }
0x1: {  	s3 =	rddreg [dreg:$0x0]  }
0x2: {  	s4 =	rddreg [dreg:$0x1]  }
0x3: {  	s0 =	rddreg [dreg:$0x2];
	s1 =	stileid.u32  }
0x4: {  	s5 =	srdreg.scid;
	s2 =	simm.s32 $0x0;
	s6 =	smul.u32 $0x38000, s1  }
0x5: {  	s14 =	simm.s32 $0x0;
	s5 =	sand.u32 $0x1, s5;
	s8 =	smul.u32 $0xE000, s1  }
0x6: {  	[smem:$0x7FF] =	sst s2;
	s7 =	smul.u32 $0xC3CC00, s5;
	s5 =	ssub.s32 $0x2, s5  }
0x7: {  	s11 =	sadd.s32 $0x74B200, s3;
	s30 =	sshrl.u32 s5, $0x1;
	s6 =	sshrl.u32 s6, $0x2  }
0x8: {  	_ =	strace $0x8000004A;
	s9 =	ssub.s32 s5, s30;
	s3 =	sadd.s32 s6, s4  }
0x9: {  	s10 =	sadd.s32 s8, s7;
	s4 =	sadd.s32 $0x3800, s3;
	s5 =	sadd.s32 $0x7000, s3  }
0xa: {  	s8 =	sadd.s32 $0xA800, s10;
	s6 =	sadd.s32 $0xA800, s3;
	s7 =	smax.u32 s9, $0x1  }
0xb: {  	s31 =	sadd.s32 $0x7000, s10;
	s12 =	sadd.s32 $0x3800, s10;
	s13 =	sshrl.u32 s10, $0x3  }
0xc: {  	s8 =	sshrl.u32 s8, $0x3;
	s9 =	sshrl.u32 s31, $0x3;
	s12 =	sshrl.u32 s12, $0x3  }
0xd: {  	s8 =	sadd.s32 s8, s11;
	s9 =	sadd.s32 s9, s11;
	s10 =	sadd.s32 s12, s11  }
0xe: {  	v0 =	vimm.f32 $0.0e+00;
	s11 =	sadd.s32 s13, s11;
	s12 =	simm.s32 $0x4000;
	s13 =	simm.s32 $0x1  }
.LBB2_1:
0xf: {  	s15 =	simm.s32 $0x0;
	s16 =	simm.s32 $0x0  }
.LBB2_2:
0x10: {  	p0 =	sne.s32 s16, $0x1FF0  }
.Ltmp0:
0x11: {  	_ = 	snop;
	(pc) =	sbr.rel @p0 .LBB2_2-.Ltmp0, $4  }
0x12: {  	_ = 	snop  }
0x13: {  	s17 =	sand.u32 $0x30, s16;
	s18 =	sand.u32 $0x3F80, s15  }
0x14: {  	s17 =	sor.u32 s17, s18  }
0x15: {  	s15 =	sadd.s32 $0x20, s15;
	s16 =	sadd.s32 $0x10, s16;
	[tilespmem:s17+$0x4000] =	vst v0  }
0x16: {  	[spmem:s3] =	stream.linear.scatter [tilespmem:s12], [sflag:$0x1], $0x3800, $0x38;
	[tilespmem:$0xF000] =	vst v63  }
0x17: {  	_ =	swait.ge [sflag:s13], $0x3800  }
0x18: {  	[sflag:s13] =	ssyncset.done $0x0  }
0x19: {  	[sflag:s13] =	ssyncadd.s32 $0xFFFFC800  }
0x1a: {  	[spmem:s4] =	stream.linear.scatter [tilespmem:s12], [sflag:$0x1], $0x3800, $0x38;
	[tilespmem:$0xF000] =	vst v63  }
0x1b: {  	_ =	swait.ge [sflag:s13], $0x3800  }
0x1c: {  	[sflag:s13] =	ssyncset.done $0x0  }
0x1d: {  	[sflag:s13] =	ssyncadd.s32 $0xFFFFC800  }
0x1e: {  	[spmem:s5] =	stream.linear.scatter [tilespmem:s12], [sflag:$0x1], $0x3800, $0x38;
	[tilespmem:$0xF000] =	vst v63  }
0x1f: {  	_ =	swait.ge [sflag:s13], $0x3800  }
0x20: {  	[sflag:s13] =	ssyncset.done $0x0  }
0x21: {  	[sflag:s13] =	ssyncadd.s32 $0xFFFFC800  }
0x22: {  	[spmem:s6] =	stream.linear.scatter [tilespmem:s12], [sflag:$0x1], $0x3800, $0x38;
	[tilespmem:$0xF000] =	vst v63  }
0x23: {  	_ =	swait.ge [sflag:s13], $0x3800  }
0x24: {  	[sflag:s13] =	ssyncset.done $0x0  }
0x25: {  	[sflag:s13] =	ssyncadd.s32 $0xFFFFC800  }
0x26: {  	[bflag:$0x0] =	sbarrier.arrive $0xFFFF  }
0x27: {  	[bflag:$0x0] =	sbarrier.arrive $0xFFFF  }
0x28: {  	[tilespmem:s2], [sflag:$0x1] =	stream.linear.gather [spmem:s3], $0x3800, $0x38;
	[tilespmem:$0xF000] =	vst v63  }
0x29: {  	_ =	swait.ge [sflag:s13], $0x3800  }
0x2a: {  	[sflag:s13] =	ssyncset.done $0x0  }
0x2b: {  	s15 =	sadd.s32 $0x0, s11;
	[sflag:s13] =	ssyncadd.s32 $0xFFFFC800  }
0x2c: {  	[hbm4b:s15+s2] =	stream.linear.scatter [tilespmem:s2], [sflag:$0x1], $0x3800, $0x38;
	[tilespmem:$0xF000] =	vst v63  }
0x2d: {  	_ =	swait.ge [sflag:s13], $0x3800  }
0x2e: {  	[sflag:s13] =	ssyncset.done $0x0  }
0x2f: {  	[sflag:s13] =	ssyncadd.s32 $0xFFFFC800  }
0x30: {  	[tilespmem:s2], [sflag:$0x1] =	stream.linear.gather [spmem:s4], $0x3800, $0x38;
	[tilespmem:$0xF000] =	vst v63  }
0x31: {  	_ =	swait.ge [sflag:s13], $0x3800  }
0x32: {  	[sflag:s13] =	ssyncset.done $0x0  }
0x33: {  	s29 =	sadd.s32 $0x0, s10;
	[sflag:s13] =	ssyncadd.s32 $0xFFFFC800  }
0x34: {  	[hbm4b:s29+s2] =	stream.linear.scatter [tilespmem:s2], [sflag:$0x1], $0x3800, $0x38;
	[tilespmem:$0xF000] =	vst v63  }
0x35: {  	_ =	swait.ge [sflag:s13], $0x3800  }
0x36: {  	[sflag:s13] =	ssyncset.done $0x0  }
0x37: {  	[sflag:s13] =	ssyncadd.s32 $0xFFFFC800  }
0x38: {  	[tilespmem:s2], [sflag:$0x1] =	stream.linear.gather [spmem:s5], $0x3800, $0x38;
	[tilespmem:$0xF000] =	vst v63  }
0x39: {  	_ =	swait.ge [sflag:s13], $0x3800  }
0x3a: {  	[sflag:s13] =	ssyncset.done $0x0  }
0x3b: {  	s30 =	sadd.s32 $0x0, s9;
	[sflag:s13] =	ssyncadd.s32 $0xFFFFC800  }
0x3c: {  	[hbm4b:s30+s2] =	stream.linear.scatter [tilespmem:s2], [sflag:$0x1], $0x3800, $0x38;
	[tilespmem:$0xF000] =	vst v63  }
0x3d: {  	_ =	swait.ge [sflag:s13], $0x3800  }
0x3e: {  	[sflag:s13] =	ssyncset.done $0x0  }
0x3f: {  	[sflag:s13] =	ssyncadd.s32 $0xFFFFC800  }
0x40: {  	[tilespmem:s2], [sflag:$0x1] =	stream.linear.gather [spmem:s6], $0x3800, $0x38;
	[tilespmem:$0xF000] =	vst v63  }
0x41: {  	_ =	swait.ge [sflag:s13], $0x3800  }
0x42: {  	[sflag:s13] =	ssyncset.done $0x0  }
0x43: {  	s31 =	sadd.s32 $0x0, s8;
	[sflag:s13] =	ssyncadd.s32 $0xFFFFC800  }
0x44: {  	[hbm4b:s31+s2] =	stream.linear.scatter [tilespmem:s2], [sflag:$0x1], $0x3800, $0x38;
	[tilespmem:$0xF000] =	vst v63  }
0x45: {  	_ =	swait.ge [sflag:s13], $0x3800  }
0x46: {  	[sflag:s13] =	ssyncset.done $0x0  }
0x47: {  	s15 =	simm.s32 $0x1BF80;
	[sflag:s13] =	ssyncadd.s32 $0xFFFFC800  }
.LBB2_4:
0x48: {  	p0 =	sne.s32 s15, $0x16B980  }
0x49: {  	[bflag:$0x0] =	sbarrier.arrive $0xFFFF;
	s16 =	smov.u32 s15;
	s15 =	sadd.s32 $0x1BF80, s15  }
0x4a: {  	[spmem:s3] =	stream.linear.scatter [tilespmem:s12], [sflag:$0x1], $0x3800, $0x38;
	[tilespmem:$0xF000] =	vst v63  }
0x4b: {  	_ =	swait.ge [sflag:s13], $0x3800  }
0x4c: {  	[sflag:s13] =	ssyncset.done $0x0  }
0x4d: {  	[sflag:s13] =	ssyncadd.s32 $0xFFFFC800  }
0x4e: {  	[spmem:s4] =	stream.linear.scatter [tilespmem:s12], [sflag:$0x1], $0x3800, $0x38;
	[tilespmem:$0xF000] =	vst v63  }
0x4f: {  	_ =	swait.ge [sflag:s13], $0x3800  }
0x50: {  	[sflag:s13] =	ssyncset.done $0x0  }
0x51: {  	[sflag:s13] =	ssyncadd.s32 $0xFFFFC800  }
0x52: {  	[spmem:s5] =	stream.linear.scatter [tilespmem:s12], [sflag:$0x1], $0x3800, $0x38;
	[tilespmem:$0xF000] =	vst v63  }
0x53: {  	_ =	swait.ge [sflag:s13], $0x3800  }
0x54: {  	[sflag:s13] =	ssyncset.done $0x0  }
0x55: {  	[sflag:s13] =	ssyncadd.s32 $0xFFFFC800  }
0x56: {  	[spmem:s6] =	stream.linear.scatter [tilespmem:s12], [sflag:$0x1], $0x3800, $0x38;
	[tilespmem:$0xF000] =	vst v63  }
0x57: {  	_ =	swait.ge [sflag:s13], $0x3800  }
0x58: {  	[sflag:s13] =	ssyncset.done $0x0  }
0x59: {  	[sflag:s13] =	ssyncadd.s32 $0xFFFFC800  }
0x5a: {  	[bflag:$0x0] =	sbarrier.arrive $0xFFFF  }
0x5b: {  	[bflag:$0x0] =	sbarrier.arrive $0xFFFF  }
0x5c: {  	[tilespmem:s2], [sflag:$0x1] =	stream.linear.gather [spmem:s3], $0x3800, $0x38;
	[tilespmem:$0xF000] =	vst v63  }
0x5d: {  	_ =	swait.ge [sflag:s13], $0x3800  }
0x5e: {  	[sflag:s13] =	ssyncset.done $0x0  }
0x5f: {  	s17 =	sadd.s32 s16, s11;
	[sflag:s13] =	ssyncadd.s32 $0xFFFFC800  }
0x60: {  	[hbm4b:s17+s2] =	stream.linear.scatter [tilespmem:s2], [sflag:$0x1], $0x3800, $0x38;
	[tilespmem:$0xF000] =	vst v63  }
0x61: {  	_ =	swait.ge [sflag:s13], $0x3800  }
0x62: {  	[sflag:s13] =	ssyncset.done $0x0  }
0x63: {  	[sflag:s13] =	ssyncadd.s32 $0xFFFFC800  }
0x64: {  	[tilespmem:s2], [sflag:$0x1] =	stream.linear.gather [spmem:s4], $0x3800, $0x38;
	[tilespmem:$0xF000] =	vst v63  }
0x65: {  	_ =	swait.ge [sflag:s13], $0x3800  }
0x66: {  	[sflag:s13] =	ssyncset.done $0x0  }
0x67: {  	s17 =	sadd.s32 s16, s10;
	[sflag:s13] =	ssyncadd.s32 $0xFFFFC800  }
0x68: {  	[hbm4b:s17+s2] =	stream.linear.scatter [tilespmem:s2], [sflag:$0x1], $0x3800, $0x38;
	[tilespmem:$0xF000] =	vst v63  }
0x69: {  	_ =	swait.ge [sflag:s13], $0x3800  }
0x6a: {  	[sflag:s13] =	ssyncset.done $0x0  }
0x6b: {  	[sflag:s13] =	ssyncadd.s32 $0xFFFFC800  }
0x6c: {  	[tilespmem:s2], [sflag:$0x1] =	stream.linear.gather [spmem:s5], $0x3800, $0x38;
	[tilespmem:$0xF000] =	vst v63  }
0x6d: {  	_ =	swait.ge [sflag:s13], $0x3800  }
0x6e: {  	[sflag:s13] =	ssyncset.done $0x0  }
0x6f: {  	s17 =	sadd.s32 s16, s9;
	[sflag:s13] =	ssyncadd.s32 $0xFFFFC800  }
0x70: {  	[hbm4b:s17+s2] =	stream.linear.scatter [tilespmem:s2], [sflag:$0x1], $0x3800, $0x38;
	[tilespmem:$0xF000] =	vst v63  }
0x71: {  	_ =	swait.ge [sflag:s13], $0x3800  }
0x72: {  	[sflag:s13] =	ssyncset.done $0x0  }
0x73: {  	[sflag:s13] =	ssyncadd.s32 $0xFFFFC800  }
0x74: {  	[tilespmem:s2], [sflag:$0x1] =	stream.linear.gather [spmem:s6], $0x3800, $0x38;
	[tilespmem:$0xF000] =	vst v63  }
0x75: {  	_ =	swait.ge [sflag:s13], $0x3800  }
0x76: {  	[sflag:s13] =	ssyncset.done $0x0  }
.Ltmp1:
0x77: {  	s16 =	sadd.s32 s16, s8;
	[sflag:s13] =	ssyncadd.s32 $0xFFFFC800;
	(pc) =	sbr.rel @p0 .LBB2_4-.Ltmp1, $4  }
0x78: {  	[hbm4b:s16+s2] =	stream.linear.scatter [tilespmem:s2], [sflag:$0x1], $0x3800, $0x38;
	[tilespmem:$0xF000] =	vst v63  }
0x79: {  	_ =	swait.ge [sflag:s13], $0x3800  }
0x7a: {  	[sflag:s13] =	ssyncset.done $0x0  }
0x7b: {  	[sflag:s13] =	ssyncadd.s32 $0xFFFFC800  }
0x7c: {  	s14 =	sadd.s32 $0x1, s14  }
0x7d: {  	p0 =	sne.s32 s14, s7  }
.Ltmp2:
0x7e: {  	_ = 	snop;
	(pc) =	sbr.rel @p0 .LBB2_1-.Ltmp2, $2  }
0x7f: {  	_ =	sdelay $0x1  }
0x80: {  	[bflag:$0x0] =	sbarrier.arrive $0xFFFF;
	_ =	sdelay $0x1  }
0x81: {  	_ =	sfence.sel $0x180000  }
0x82: {  	[bflag:$0x0] =	sbarrier.arrive $0xFFFF  }
0x83: {  	p0 =	sne.s32 s1, $0x0;
	_ =	strace $0x9000004A  }
0x84: {  	s0 =	sadd.s32 @!p0 $0x100000, s0;
	[bflag:$0x2] =	sbarrier.arrive $0xFFFF  }
0x85: {  	[sflag:s0] =	ssyncadd.tile.s32 @!p0 $0x1;
	_ =	shalt  }
.Lfunc_end2:
_tile_overlayer_lowered:
.L_overlay_start_2:
0x86: {  	(tag) =	ssettag $0x2  }
0x87: {  	s0 =	rddreg [dreg:$0x0];
	s2 =	stileid.u32  }
0x88: {  	s1 =	rddreg [dreg:$0x1];
	p0 =	sne.s32 s2, $0x0  }
0x89: {  	s3 =	rddreg [dreg:$0x2];
	[bflag:$0x3] =	sbarrier.arrive $0xFFFF;
	s2 =	simm.s32 @!p0 $0x1C01  }
0x8a: {  	[timem:s3], [sflag:s2] =	dma.local @!p0 [hbm:s0], s1  }
0x8b: {  	s0 =	simm.s32 @!p0 $0x1  }
0x8c: {  	_ =	swait.ge @!p0 [sflag:s0], s1  }
0x8d: {  	s1 =	ssub.s32 @!p0 $0x0, s1;
	[sflag:s0] =	ssyncset.done @!p0 $0x0  }
0x8e: {  	[sflag:s0] =	ssyncadd.s32 @!p0 s1  }
0x8f: {  	[bflag:$0x3] =	sbarrier.arrive $0xFFFF  }
0x90: {  	_ =	shalt  }

// kernel: kernel.14.cloned.1.call-start
scs
__scs_entry_jumppad:
0x0: {  	(pc) =	sbr.rel $0x88, $3  }
0x1: {  	(tag) =	ssettag $0x0;
	lr =	simm.s32 $0x1  }
0x2: {  	[smem:$0x3F8A] =	sst lr;
	_ =	strace $0xD0000000  }
0x3: {  	_ = 	snop  }
0x4: {  	_ = 	snop  }
0x5: {  	_ = 	snop  }
0x6: {  	_ = 	snop  }
0x7: {  	_ = 	snop  }
__scs_overlays_trampoline_lowered:
0x8: {  	[smem:$0x3F99] =	sst s0  }
0x9: {  	[smem:$0x3F9A] =	sst s1  }
0xa: {  	[smem:$0x3F9B] =	sst s2  }
0xb: {  	[smem:$0x3F9C] =	sst s3  }
0xc: {  	[smem:$0x3F9D] =	sst s4  }
0xd: {  	[smem:$0x3F9E] =	sst s5  }
0xe: {  	[smem:$0x3F9F] =	sst s6  }
0xf: {  	[smem:$0x3FA0] =	sst s7  }
0x10: {  	[smem:$0x3FA1] =	sst s8  }
0x11: {  	[smem:$0x3FA2] =	sst s9;
	s0 =	simm.s32 @!p0 $0x0  }
0x12: {  	s1 =	sld [smem:$0x3F88];
	s0 =	simm.s32 @p0 $0x1  }
0x13: {  	[smem:$0x3FA3] =	sst s0;
	s0 =	simm.s32 @!p1 $0x0  }
0x14: {  	s2 =	sld [smem:$0x3F87];
	s0 =	simm.s32 @p1 $0x1  }
0x15: {  	[smem:$0x3FA4] =	sst s0;
	s0 =	simm.s32 @!p2 $0x0  }
0x16: {  	s3 =	sld [smem:$0x3FDB];
	s0 =	simm.s32 @p2 $0x1  }
0x17: {  	s4 =	simm.s32 $0x1BF5;
	[smem:$0x3FA6] =	sst s0  }
0x18: {  	s0 =	sld [smem:$0x3F89];
	_ =	swait.ge [sflag:s4], $0x0  }
0x19: {  	s7 =	sld [smem:$0x3F8A]  }
0x1a: {  	s8 =	sadd.s32 $0xFFFFE003, lr  }
0x1b: {  	s9 =	sadd.s32 $0xFFFFFEF7, lr;
	s5 =	simm.s32 $0xFFFFFFFF;
	p2 =	slt.u32 s8, $0xFFFFF086  }
0x1c: {  	p1 =	slt.u32 s9, $0xF7A;
	s5 =	simm.s32 @!p2 $0x0  }
0x1d: {  	s5 =	simm.s32 @p1 $0x1;
	p0 =	seq.s32 s7, s2  }
0x1e: {  	s7 =	smul.u32 @!p0 $0xF7A, s2;
	p2 =	seq.s32 @!p0 s5, $0x0  }
0x1f: {  	s9 =	smul.u32 $0xF7A, s1;
	s8 =	simm.s32 @!p0 $0x1BF5;
	p2 =	por !p2, p0  }
0x20: {  	[sflag:s8] =	ssyncset.s32 @!p0 $0xFFFFF086;
	s6 =	sadd.s32 @!p0 s3, s7;
	s7 =	simm.s32 @!p0 $0x108  }
0x21: {  	s3 =	sadd.s32 s3, s9;
	s6 =	sadd.s32 @!p0 $0x88, s6;
	s7 =	simm.s32 @p2 $0x1082  }
0x22: {  	[simem:s7], [sflag:s8] =	dma.local @!p0 [hbm:s6], $0xF7A  }
0x23: {  	s9 =	sor.u32 $0xD0000000, s2;
	s6 =	simm.s32 $0x108;
	_ =	swait.ge @!p0 [sflag:s8], $0x0  }
0x24: {  	s3 =	sadd.s32 $0x88, s3;
	s6 =	simm.s32 @!p1 $0x1082;
	[sflag:s4] =	ssyncset.s32 $0xFFFFF086  }
0x25: {  	[simem:s6], [sflag:s4] =	dma.local [hbm:s3], $0xF7A  }
0x26: {  	[smem:$0x3F8A] =	sst s1;
	(tag) =	ssettag s2;
	_ =	strace s9  }
0x27: {  	s1 =	sld [smem:$0x3F9A]  }
0x28: {  	s2 =	sld [smem:$0x3F9B]  }
0x29: {  	s4 =	sld [smem:$0x3F9D]  }
0x2a: {  	p0 =	seq.s32 s5, $0x0;
	s5 =	sld [smem:$0x3F9E]  }
0x2b: {  	s6 =	sld [smem:$0x3F9F]  }
0x2c: {  	s7 =	sld [smem:$0x3FA0]  }
0x2d: {  	s3 =	simm.s32 $0x108;
	s8 =	sld [smem:$0x3FA1]  }
0x2e: {  	s3 =	simm.s32 @!p0 $0x1082;
	s9 =	sld [smem:$0x3FA2]  }
0x2f: {  	lr =	sadd.s32 s0, s3;
	s0 =	sld [smem:$0x3F99]  }
0x30: {  	s3 =	sld [smem:$0x3F9C]  }
0x31: {  	[smem:$0x3FA5] =	sst s10  }
0x32: {  	s10 =	sld [smem:$0x3FA3];
	_ =	sdelay $0x3  }
0x33: {  	p0 =	seq.s32 s10, $0x1;
	s10 =	sld [smem:$0x3FA5];
	_ =	sdelay $0x3  }
0x34: {  	[smem:$0x3FA5] =	sst s10  }
0x35: {  	s10 =	sld [smem:$0x3FA4];
	_ =	sdelay $0x3  }
0x36: {  	p1 =	seq.s32 s10, $0x1;
	s10 =	sld [smem:$0x3FA5];
	_ =	sdelay $0x3  }
0x37: {  	[smem:$0x3FA5] =	sst s10  }
0x38: {  	s10 =	sld [smem:$0x3FA6]  }
0x39: {  	_ = 	snop;
	(pc) =	sbr.ind lr, $3  }
0x3a: {  	_ = 	snop  }
0x3b: {  	_ = 	snop  }
0x3c: {  	p2 =	seq.s32 s10, $0x1;
	s10 =	sld [smem:$0x3FA5]  }
0x3d: {  	_ =	shalt  }
0x3e: {  	_ =	shalt  }
0x3f: {  	_ =	shalt  }
0x40: {  	_ =	shalt  }
0x41: {  	_ =	shalt  }
0x42: {  	_ =	shalt  }
0x43: {  	_ =	shalt  }
0x44: {  	_ =	shalt  }
0x45: {  	_ =	shalt  }
0x46: {  	_ =	shalt  }
0x47: {  	_ =	shalt  }
0x48: {  	_ =	shalt  }
0x49: {  	_ =	shalt  }
0x4a: {  	_ =	shalt  }
0x4b: {  	_ =	shalt  }
0x4c: {  	_ =	shalt  }
0x4d: {  	_ =	shalt  }
0x4e: {  	_ =	shalt  }
0x4f: {  	_ =	shalt  }
0x50: {  	_ =	shalt  }
0x51: {  	_ =	shalt  }
0x52: {  	_ =	shalt  }
0x53: {  	_ =	shalt  }
0x54: {  	_ =	shalt  }
0x55: {  	_ =	shalt  }
0x56: {  	_ =	shalt  }
0x57: {  	_ =	shalt  }
0x58: {  	_ =	shalt  }
0x59: {  	_ =	shalt  }
0x5a: {  	_ =	shalt  }
0x5b: {  	_ =	shalt  }
0x5c: {  	_ =	shalt  }
0x5d: {  	_ =	shalt  }
0x5e: {  	_ =	shalt  }
0x5f: {  	_ =	shalt  }
0x60: {  	_ =	shalt  }
0x61: {  	_ =	shalt  }
0x62: {  	_ =	shalt  }
0x63: {  	_ =	shalt  }
0x64: {  	_ =	shalt  }
0x65: {  	_ =	shalt  }
0x66: {  	_ =	shalt  }
0x67: {  	_ =	shalt  }
0x68: {  	_ =	shalt  }
0x69: {  	_ =	shalt  }
0x6a: {  	_ =	shalt  }
0x6b: {  	_ =	shalt  }
0x6c: {  	_ =	shalt  }
0x6d: {  	_ =	shalt  }
0x6e: {  	_ =	shalt  }
0x6f: {  	_ =	shalt  }
0x70: {  	_ =	shalt  }
0x71: {  	_ =	shalt  }
0x72: {  	_ =	shalt  }
0x73: {  	_ =	shalt  }
0x74: {  	_ =	shalt  }
0x75: {  	_ =	shalt  }
0x76: {  	_ =	shalt  }
0x77: {  	_ =	shalt  }
0x78: {  	_ =	shalt  }
0x79: {  	_ =	shalt  }
0x7a: {  	_ =	shalt  }
0x7b: {  	_ =	shalt  }
0x7c: {  	_ =	shalt  }
0x7d: {  	_ =	shalt  }
0x7e: {  	_ =	shalt  }
0x7f: {  	_ =	shalt  }
0x80: {  	_ =	shalt  }
0x81: {  	_ =	shalt  }
0x82: {  	_ =	shalt  }
0x83: {  	_ =	shalt  }
0x84: {  	_ =	shalt  }
0x85: {  	_ =	shalt  }
0x86: {  	_ =	shalt  }
0x87: {  	_ =	shalt  }
.Lfunc_end0:
.L_simem_size_0:
called_computation.2_lowered:
.L_overlay_start_0:
0x88: {  	s2 =	sld [smem:$0x3FD9]  }
0x89: {  	s3 =	sld [smem:$0x3FFE];
	_ =	sdelay $0x1  }
0x8a: {  	s1 =	srdreg.scid  }
0x8b: {  	s0 =	sand.u32 $0x1, s1  }
0x8c: {  	s16 =	sshll.u32 s0, $0xA;
	s2 =	sadd.s32 s3, s2  }
0x8d: {  	s2 =	sadd.s32 s2, s16  }
0x8e: {  	[smem:$0x3FB1] =	sst s2  }
0x8f: {  	_ = 	snop  }
0x90: {  	(tm) =	ssettm $0x1  }
0x91: {  	s17 =	sld [smem:$0x3FFB];
	_ =	sdelay $0x3  }
0x92: {  	_ =	strace s17  }
0x93: {  	s2 =	sld [smem:$0x3FFC];
	_ =	sdelay $0x3  }
0x94: {  	_ =	strace s2  }
0x95: {  	s2 =	sld [smem:$0x3FFD];
	_ =	sdelay $0x3  }
0x96: {  	_ =	strace s2  }
0x97: {  	_ =	strace $0x8FFFFFFF  }
0x98: {  	s18 =	sld [smem:$0x3FDB];
	_ =	sdelay $0x1  }
0x99: {  	s19 =	simm.s32 $_scs_section_size  }
0x9a: {  	s4 =	simm.s32 $_size__tile_overlayer_lowered;
	s5 =	simm.s32 $_tile_overlayer_lowered  }
0x9b: {  	s22 =	simm.s32 $0x1BFF;
	s21 =	sshll.u32 s5, $0x1;
	s2 =	sadd.s32 s19, s18  }
0x9c: {  	s6 =	simm.s32 $0x0;
	s20 =	sshll.u32 s4, $0x1;
	s4 =	sadd.s32 s21, s2  }
0x9d: {  	[timem:s6], [sflag:s22] =	dma.local [hbm:s4], s20  }
0x9e: {  	_ =	swait.ge [sflag:s22], s20  }
0x9f: {  	s3 =	ssub.s32 $0x0, s20;
	[sflag:s22] =	ssyncset.done $0x0  }
0xa0: {  	[sflag:s22] =	ssyncadd.s32 s3;
	_ =	sdelay $0x1  }
0xa1: {  	s23 =	simm.s32 $0x1B8B  }
0xa2: {  	_ =	swait.ge [sflag:s23], $0x1  }
0xa3: {  	[sflag:s23] =	ssyncset.done $0x0  }
0xa4: {  	s25 =	simm.s32 $0x1B8E;
	s24 =	sld [smem:$0x3FFE];
	[sflag:s23] =	ssyncadd.s32 $0xFFFFFFFF  }
0xa5: {  	s26 =	simm.s32 $execute0_lowered;
	[smem:$0x3FD2] =	sst s25  }
0xa6: {  	s4 =	sshll.u32 s26, $0x1;
	_ =	strace $0x8000004C;
	[dreg:$0x1] =	wrdreg $0xFFFFFFFF  }
0xa7: {  	s28 =	simm.s32 $_size_execute0_lowered;
	s2 =	sadd.s32 s2, s4;
	[dreg:$0x0] =	wrdreg $0x0  }
0xa8: {  	s4 =	sshll.u32 s28, $0x1;
	[dreg:$0x2] =	wrdreg s2  }
0xa9: {  	[dreg:$0x3] =	wrdreg s4  }
0xaa: {  	[dreg:$0x4] =	wrdreg $0xC0  }
0xab: {  	_ =	task [dreg:s6], $0x5FFFF  }
0xac: {  	[dreg:$0x1] =	wrdreg $0xFFFFFFFF  }
0xad: {  	[dreg:$0x0] =	wrdreg $0x60  }
0xae: {  	[dreg:$0x2] =	wrdreg s24  }
0xaf: {  	[dreg:$0x3] =	wrdreg $0x80000  }
0xb0: {  	[dreg:$0x4] =	wrdreg $0x9  }
0xb1: {  	_ =	task.clear_ibuf [dreg:s6], $0x5FFFF;
	_ =	strace $0x9000004C  }
0xb2: {  	s29 =	simm.s32 $0x9;
	_ =	strace $0x8000004E  }
0xb3: {  	_ =	swait.ge [sflag:s29], $0x1  }
0xb4: {  	[sflag:s29] =	ssyncadd.s32 $0xFFFFFFFF  }
0xb5: {  	_ =	strace $0x9000004E  }
0xb6: {  	_ =	sfence  }
0xb7: {  	s30 =	sld [smem:$0x0];
	_ =	sdelay $0x2  }
0xb8: {  	s31 =	sshll.u32 s1, $0xD;
	s1 =	sshrl.u32 s1, $0x2  }
0xb9: {  	s3 =	sand.u32 $0x4000, s31;
	s1 =	sadd.s32 s1, s30  }
0xba: {  	s0 =	sor.u32 s3, s0;
	s1 =	sshll.u32 s1, $0x11  }
0xbb: {  	s0 =	sor.u32 s1, s0  }
0xbc: {  	s0 =	sadd.s32 $0x8F2B, s0  }
0xbd: {  	[sflag:s0] =	ssyncadd.remote.s32 $0x1  }
0xbe: {  	_ =	sfence.sel $0xFFFF  }
0xbf: {  	[dreg:$0x0] =	wrdreg $0xFFFFFFFF;
	(pc) =	sbr.abs _section_cstart, $3  }
0xc0: {  	[dreg:$0x1] =	wrdreg $0xFFFFFFFF  }
0xc1: {  	_ =	task.clear_ibuf [dreg:s6], $0x2FFFF;
	_ =	strace $0x9FFFFFFF  }
0xc2: {  	(tm) =	ssettm $0x7FFFFFFF  }
0xc3: {  	_ =	shalt  }
tec
execute0_lowered:
.L_overlay_start_1:
0x0: {  	(tag) =	ssettag $0x1  }
0x1: {  	s3 =	rddreg [dreg:$0x0]  }
0x2: {  	s4 =	rddreg [dreg:$0x1]  }
0x3: {  	s0 =	rddreg [dreg:$0x2];
	s1 =	stileid.u32  }
0x4: {  	s5 =	srdreg.scid;
	s2 =	simm.s32 $0x0;
	s6 =	smul.u32 $0x38000, s1  }
0x5: {  	s14 =	simm.s32 $0x0;
	s5 =	sand.u32 $0x1, s5;
	s8 =	smul.u32 $0xE000, s1  }
0x6: {  	[smem:$0x7FF] =	sst s2;
	s7 =	smul.u32 $0xC3CC00, s5;
	s5 =	ssub.s32 $0x2, s5  }
0x7: {  	s11 =	sadd.s32 $0x995000, s3;
	s30 =	sshrl.u32 s5, $0x1;
	s6 =	sshrl.u32 s6, $0x2  }
0x8: {  	_ =	strace $0x8000004D;
	s9 =	ssub.s32 s5, s30;
	s3 =	sadd.s32 s6, s4  }
0x9: {  	s10 =	sadd.s32 s8, s7;
	s4 =	sadd.s32 $0x3800, s3;
	s5 =	sadd.s32 $0x7000, s3  }
0xa: {  	s8 =	sadd.s32 $0xA800, s10;
	s6 =	sadd.s32 $0xA800, s3;
	s7 =	smax.u32 s9, $0x1  }
0xb: {  	s31 =	sadd.s32 $0x7000, s10;
	s12 =	sadd.s32 $0x3800, s10;
	s13 =	sshrl.u32 s10, $0x3  }
0xc: {  	s8 =	sshrl.u32 s8, $0x3;
	s9 =	sshrl.u32 s31, $0x3;
	s12 =	sshrl.u32 s12, $0x3  }
0xd: {  	s8 =	sadd.s32 s8, s11;
	s9 =	sadd.s32 s9, s11;
	s10 =	sadd.s32 s12, s11  }
0xe: {  	v0 =	vimm.f32 $0.0e+00;
	s11 =	sadd.s32 s13, s11;
	s12 =	simm.s32 $0x4000;
	s13 =	simm.s32 $0x1  }
.LBB2_1:
0xf: {  	s15 =	simm.s32 $0x0;
	s16 =	simm.s32 $0x0  }
.LBB2_2:
0x10: {  	p0 =	sne.s32 s16, $0x1FF0  }
.Ltmp0:
0x11: {  	_ = 	snop;
	(pc) =	sbr.rel @p0 .LBB2_2-.Ltmp0, $4  }
0x12: {  	_ = 	snop  }
0x13: {  	s17 =	sand.u32 $0x30, s16;
	s18 =	sand.u32 $0x3F80, s15  }
0x14: {  	s17 =	sor.u32 s17, s18  }
0x15: {  	s15 =	sadd.s32 $0x20, s15;
	s16 =	sadd.s32 $0x10, s16;
	[tilespmem:s17+$0x4000] =	vst v0  }
0x16: {  	[spmem:s3] =	stream.linear.scatter [tilespmem:s12], [sflag:$0x1], $0x3800, $0x38;
	[tilespmem:$0xF000] =	vst v63  }
0x17: {  	_ =	swait.ge [sflag:s13], $0x3800  }
0x18: {  	[sflag:s13] =	ssyncset.done $0x0  }
0x19: {  	[sflag:s13] =	ssyncadd.s32 $0xFFFFC800  }
0x1a: {  	[spmem:s4] =	stream.linear.scatter [tilespmem:s12], [sflag:$0x1], $0x3800, $0x38;
	[tilespmem:$0xF000] =	vst v63  }
0x1b: {  	_ =	swait.ge [sflag:s13], $0x3800  }
0x1c: {  	[sflag:s13] =	ssyncset.done $0x0  }
0x1d: {  	[sflag:s13] =	ssyncadd.s32 $0xFFFFC800  }
0x1e: {  	[spmem:s5] =	stream.linear.scatter [tilespmem:s12], [sflag:$0x1], $0x3800, $0x38;
	[tilespmem:$0xF000] =	vst v63  }
0x1f: {  	_ =	swait.ge [sflag:s13], $0x3800  }
0x20: {  	[sflag:s13] =	ssyncset.done $0x0  }
0x21: {  	[sflag:s13] =	ssyncadd.s32 $0xFFFFC800  }
0x22: {  	[spmem:s6] =	stream.linear.scatter [tilespmem:s12], [sflag:$0x1], $0x3800, $0x38;
	[tilespmem:$0xF000] =	vst v63  }
0x23: {  	_ =	swait.ge [sflag:s13], $0x3800  }
0x24: {  	[sflag:s13] =	ssyncset.done $0x0  }
0x25: {  	[sflag:s13] =	ssyncadd.s32 $0xFFFFC800  }
0x26: {  	[bflag:$0x0] =	sbarrier.arrive $0xFFFF  }
0x27: {  	[bflag:$0x0] =	sbarrier.arrive $0xFFFF  }
0x28: {  	[tilespmem:s2], [sflag:$0x1] =	stream.linear.gather [spmem:s3], $0x3800, $0x38;
	[tilespmem:$0xF000] =	vst v63  }
0x29: {  	_ =	swait.ge [sflag:s13], $0x3800  }
0x2a: {  	[sflag:s13] =	ssyncset.done $0x0  }
0x2b: {  	s15 =	sadd.s32 $0x0, s11;
	[sflag:s13] =	ssyncadd.s32 $0xFFFFC800  }
0x2c: {  	[hbm4b:s15+s2] =	stream.linear.scatter [tilespmem:s2], [sflag:$0x1], $0x3800, $0x38;
	[tilespmem:$0xF000] =	vst v63  }
0x2d: {  	_ =	swait.ge [sflag:s13], $0x3800  }
0x2e: {  	[sflag:s13] =	ssyncset.done $0x0  }
0x2f: {  	[sflag:s13] =	ssyncadd.s32 $0xFFFFC800  }
0x30: {  	[tilespmem:s2], [sflag:$0x1] =	stream.linear.gather [spmem:s4], $0x3800, $0x38;
	[tilespmem:$0xF000] =	vst v63  }
0x31: {  	_ =	swait.ge [sflag:s13], $0x3800  }
0x32: {  	[sflag:s13] =	ssyncset.done $0x0  }
0x33: {  	s29 =	sadd.s32 $0x0, s10;
	[sflag:s13] =	ssyncadd.s32 $0xFFFFC800  }
0x34: {  	[hbm4b:s29+s2] =	stream.linear.scatter [tilespmem:s2], [sflag:$0x1], $0x3800, $0x38;
	[tilespmem:$0xF000] =	vst v63  }
0x35: {  	_ =	swait.ge [sflag:s13], $0x3800  }
0x36: {  	[sflag:s13] =	ssyncset.done $0x0  }
0x37: {  	[sflag:s13] =	ssyncadd.s32 $0xFFFFC800  }
0x38: {  	[tilespmem:s2], [sflag:$0x1] =	stream.linear.gather [spmem:s5], $0x3800, $0x38;
	[tilespmem:$0xF000] =	vst v63  }
0x39: {  	_ =	swait.ge [sflag:s13], $0x3800  }
0x3a: {  	[sflag:s13] =	ssyncset.done $0x0  }
0x3b: {  	s30 =	sadd.s32 $0x0, s9;
	[sflag:s13] =	ssyncadd.s32 $0xFFFFC800  }
0x3c: {  	[hbm4b:s30+s2] =	stream.linear.scatter [tilespmem:s2], [sflag:$0x1], $0x3800, $0x38;
	[tilespmem:$0xF000] =	vst v63  }
0x3d: {  	_ =	swait.ge [sflag:s13], $0x3800  }
0x3e: {  	[sflag:s13] =	ssyncset.done $0x0  }
0x3f: {  	[sflag:s13] =	ssyncadd.s32 $0xFFFFC800  }
0x40: {  	[tilespmem:s2], [sflag:$0x1] =	stream.linear.gather [spmem:s6], $0x3800, $0x38;
	[tilespmem:$0xF000] =	vst v63  }
0x41: {  	_ =	swait.ge [sflag:s13], $0x3800  }
0x42: {  	[sflag:s13] =	ssyncset.done $0x0  }
0x43: {  	s31 =	sadd.s32 $0x0, s8;
	[sflag:s13] =	ssyncadd.s32 $0xFFFFC800  }
0x44: {  	[hbm4b:s31+s2] =	stream.linear.scatter [tilespmem:s2], [sflag:$0x1], $0x3800, $0x38;
	[tilespmem:$0xF000] =	vst v63  }
0x45: {  	_ =	swait.ge [sflag:s13], $0x3800  }
0x46: {  	[sflag:s13] =	ssyncset.done $0x0  }
0x47: {  	s15 =	simm.s32 $0x1BF80;
	[sflag:s13] =	ssyncadd.s32 $0xFFFFC800  }
.LBB2_4:
0x48: {  	p0 =	sne.s32 s15, $0x16B980  }
0x49: {  	[bflag:$0x0] =	sbarrier.arrive $0xFFFF;
	s16 =	smov.u32 s15;
	s15 =	sadd.s32 $0x1BF80, s15  }
0x4a: {  	[spmem:s3] =	stream.linear.scatter [tilespmem:s12], [sflag:$0x1], $0x3800, $0x38;
	[tilespmem:$0xF000] =	vst v63  }
0x4b: {  	_ =	swait.ge [sflag:s13], $0x3800  }
0x4c: {  	[sflag:s13] =	ssyncset.done $0x0  }
0x4d: {  	[sflag:s13] =	ssyncadd.s32 $0xFFFFC800  }
0x4e: {  	[spmem:s4] =	stream.linear.scatter [tilespmem:s12], [sflag:$0x1], $0x3800, $0x38;
	[tilespmem:$0xF000] =	vst v63  }
0x4f: {  	_ =	swait.ge [sflag:s13], $0x3800  }
0x50: {  	[sflag:s13] =	ssyncset.done $0x0  }
0x51: {  	[sflag:s13] =	ssyncadd.s32 $0xFFFFC800  }
0x52: {  	[spmem:s5] =	stream.linear.scatter [tilespmem:s12], [sflag:$0x1], $0x3800, $0x38;
	[tilespmem:$0xF000] =	vst v63  }
0x53: {  	_ =	swait.ge [sflag:s13], $0x3800  }
0x54: {  	[sflag:s13] =	ssyncset.done $0x0  }
0x55: {  	[sflag:s13] =	ssyncadd.s32 $0xFFFFC800  }
0x56: {  	[spmem:s6] =	stream.linear.scatter [tilespmem:s12], [sflag:$0x1], $0x3800, $0x38;
	[tilespmem:$0xF000] =	vst v63  }
0x57: {  	_ =	swait.ge [sflag:s13], $0x3800  }
0x58: {  	[sflag:s13] =	ssyncset.done $0x0  }
0x59: {  	[sflag:s13] =	ssyncadd.s32 $0xFFFFC800  }
0x5a: {  	[bflag:$0x0] =	sbarrier.arrive $0xFFFF  }
0x5b: {  	[bflag:$0x0] =	sbarrier.arrive $0xFFFF  }
0x5c: {  	[tilespmem:s2], [sflag:$0x1] =	stream.linear.gather [spmem:s3], $0x3800, $0x38;
	[tilespmem:$0xF000] =	vst v63  }
0x5d: {  	_ =	swait.ge [sflag:s13], $0x3800  }
0x5e: {  	[sflag:s13] =	ssyncset.done $0x0  }
0x5f: {  	s17 =	sadd.s32 s16, s11;
	[sflag:s13] =	ssyncadd.s32 $0xFFFFC800  }
0x60: {  	[hbm4b:s17+s2] =	stream.linear.scatter [tilespmem:s2], [sflag:$0x1], $0x3800, $0x38;
	[tilespmem:$0xF000] =	vst v63  }
0x61: {  	_ =	swait.ge [sflag:s13], $0x3800  }
0x62: {  	[sflag:s13] =	ssyncset.done $0x0  }
0x63: {  	[sflag:s13] =	ssyncadd.s32 $0xFFFFC800  }
0x64: {  	[tilespmem:s2], [sflag:$0x1] =	stream.linear.gather [spmem:s4], $0x3800, $0x38;
	[tilespmem:$0xF000] =	vst v63  }
0x65: {  	_ =	swait.ge [sflag:s13], $0x3800  }
0x66: {  	[sflag:s13] =	ssyncset.done $0x0  }
0x67: {  	s17 =	sadd.s32 s16, s10;
	[sflag:s13] =	ssyncadd.s32 $0xFFFFC800  }
0x68: {  	[hbm4b:s17+s2] =	stream.linear.scatter [tilespmem:s2], [sflag:$0x1], $0x3800, $0x38;
	[tilespmem:$0xF000] =	vst v63  }
0x69: {  	_ =	swait.ge [sflag:s13], $0x3800  }
0x6a: {  	[sflag:s13] =	ssyncset.done $0x0  }
0x6b: {  	[sflag:s13] =	ssyncadd.s32 $0xFFFFC800  }
0x6c: {  	[tilespmem:s2], [sflag:$0x1] =	stream.linear.gather [spmem:s5], $0x3800, $0x38;
	[tilespmem:$0xF000] =	vst v63  }
0x6d: {  	_ =	swait.ge [sflag:s13], $0x3800  }
0x6e: {  	[sflag:s13] =	ssyncset.done $0x0  }
0x6f: {  	s17 =	sadd.s32 s16, s9;
	[sflag:s13] =	ssyncadd.s32 $0xFFFFC800  }
0x70: {  	[hbm4b:s17+s2] =	stream.linear.scatter [tilespmem:s2], [sflag:$0x1], $0x3800, $0x38;
	[tilespmem:$0xF000] =	vst v63  }
0x71: {  	_ =	swait.ge [sflag:s13], $0x3800  }
0x72: {  	[sflag:s13] =	ssyncset.done $0x0  }
0x73: {  	[sflag:s13] =	ssyncadd.s32 $0xFFFFC800  }
0x74: {  	[tilespmem:s2], [sflag:$0x1] =	stream.linear.gather [spmem:s6], $0x3800, $0x38;
	[tilespmem:$0xF000] =	vst v63  }
0x75: {  	_ =	swait.ge [sflag:s13], $0x3800  }
0x76: {  	[sflag:s13] =	ssyncset.done $0x0  }
.Ltmp1:
0x77: {  	s16 =	sadd.s32 s16, s8;
	[sflag:s13] =	ssyncadd.s32 $0xFFFFC800;
	(pc) =	sbr.rel @p0 .LBB2_4-.Ltmp1, $4  }
0x78: {  	[hbm4b:s16+s2] =	stream.linear.scatter [tilespmem:s2], [sflag:$0x1], $0x3800, $0x38;
	[tilespmem:$0xF000] =	vst v63  }
0x79: {  	_ =	swait.ge [sflag:s13], $0x3800  }
0x7a: {  	[sflag:s13] =	ssyncset.done $0x0  }
0x7b: {  	[sflag:s13] =	ssyncadd.s32 $0xFFFFC800  }
0x7c: {  	s14 =	sadd.s32 $0x1, s14  }
0x7d: {  	p0 =	sne.s32 s14, s7  }
.Ltmp2:
0x7e: {  	_ = 	snop;
	(pc) =	sbr.rel @p0 .LBB2_1-.Ltmp2, $2  }
0x7f: {  	_ =	sdelay $0x1  }
0x80: {  	[bflag:$0x0] =	sbarrier.arrive $0xFFFF;
	_ =	sdelay $0x1  }
0x81: {  	_ =	sfence.sel $0x180000  }
0x82: {  	[bflag:$0x0] =	sbarrier.arrive $0xFFFF  }
0x83: {  	p0 =	sne.s32 s1, $0x0;
	_ =	strace $0x9000004D  }
0x84: {  	s0 =	sadd.s32 @!p0 $0x100000, s0;
	[bflag:$0x2] =	sbarrier.arrive $0xFFFF  }
0x85: {  	[sflag:s0] =	ssyncadd.tile.s32 @!p0 $0x1;
	_ =	shalt  }
.Lfunc_end2:
_tile_overlayer_lowered:
.L_overlay_start_2:
0x86: {  	(tag) =	ssettag $0x2  }
0x87: {  	s0 =	rddreg [dreg:$0x0];
	s2 =	stileid.u32  }
0x88: {  	s1 =	rddreg [dreg:$0x1];
	p0 =	sne.s32 s2, $0x0  }
0x89: {  	s3 =	rddreg [dreg:$0x2];
	[bflag:$0x3] =	sbarrier.arrive $0xFFFF;
	s2 =	simm.s32 @!p0 $0x1C01  }
0x8a: {  	[timem:s3], [sflag:s2] =	dma.local @!p0 [hbm:s0], s1  }
0x8b: {  	s0 =	simm.s32 @!p0 $0x1  }
0x8c: {  	_ =	swait.ge @!p0 [sflag:s0], s1  }
0x8d: {  	s1 =	ssub.s32 @!p0 $0x0, s1;
	[sflag:s0] =	ssyncset.done @!p0 $0x0  }
0x8e: {  	[sflag:s0] =	ssyncadd.s32 @!p0 s1  }
0x8f: {  	[bflag:$0x3] =	sbarrier.arrive $0xFFFF  }
0x90: {  	_ =	shalt  }

// kernel: kernel.8.cloned.1.call-start
scs
__scs_entry_jumppad:
0x0: {  	(pc) =	sbr.rel $0x88, $3  }
0x1: {  	(tag) =	ssettag $0x0;
	lr =	simm.s32 $0x1  }
0x2: {  	[smem:$0x3F8A] =	sst lr;
	_ =	strace $0xD0000000  }
0x3: {  	_ = 	snop  }
0x4: {  	_ = 	snop  }
0x5: {  	_ = 	snop  }
0x6: {  	_ = 	snop  }
0x7: {  	_ = 	snop  }
__scs_overlays_trampoline_lowered:
0x8: {  	[smem:$0x3F99] =	sst s0  }
0x9: {  	[smem:$0x3F9A] =	sst s1  }
0xa: {  	[smem:$0x3F9B] =	sst s2  }
0xb: {  	[smem:$0x3F9C] =	sst s3  }
0xc: {  	[smem:$0x3F9D] =	sst s4  }
0xd: {  	[smem:$0x3F9E] =	sst s5  }
0xe: {  	[smem:$0x3F9F] =	sst s6  }
0xf: {  	[smem:$0x3FA0] =	sst s7  }
0x10: {  	[smem:$0x3FA1] =	sst s8  }
0x11: {  	[smem:$0x3FA2] =	sst s9;
	s0 =	simm.s32 @!p0 $0x0  }
0x12: {  	s1 =	sld [smem:$0x3F88];
	s0 =	simm.s32 @p0 $0x1  }
0x13: {  	[smem:$0x3FA3] =	sst s0;
	s0 =	simm.s32 @!p1 $0x0  }
0x14: {  	s2 =	sld [smem:$0x3F87];
	s0 =	simm.s32 @p1 $0x1  }
0x15: {  	[smem:$0x3FA4] =	sst s0;
	s0 =	simm.s32 @!p2 $0x0  }
0x16: {  	s3 =	sld [smem:$0x3FDB];
	s0 =	simm.s32 @p2 $0x1  }
0x17: {  	s4 =	simm.s32 $0x1BF5;
	[smem:$0x3FA6] =	sst s0  }
0x18: {  	s0 =	sld [smem:$0x3F89];
	_ =	swait.ge [sflag:s4], $0x0  }
0x19: {  	s7 =	sld [smem:$0x3F8A]  }
0x1a: {  	s8 =	sadd.s32 $0xFFFFE003, lr  }
0x1b: {  	s9 =	sadd.s32 $0xFFFFFEF7, lr;
	s5 =	simm.s32 $0xFFFFFFFF;
	p2 =	slt.u32 s8, $0xFFFFF086  }
0x1c: {  	p1 =	slt.u32 s9, $0xF7A;
	s5 =	simm.s32 @!p2 $0x0  }
0x1d: {  	s5 =	simm.s32 @p1 $0x1;
	p0 =	seq.s32 s7, s2  }
0x1e: {  	s7 =	smul.u32 @!p0 $0xF7A, s2;
	p2 =	seq.s32 @!p0 s5, $0x0  }
0x1f: {  	s9 =	smul.u32 $0xF7A, s1;
	s8 =	simm.s32 @!p0 $0x1BF5;
	p2 =	por !p2, p0  }
0x20: {  	[sflag:s8] =	ssyncset.s32 @!p0 $0xFFFFF086;
	s6 =	sadd.s32 @!p0 s3, s7;
	s7 =	simm.s32 @!p0 $0x108  }
0x21: {  	s3 =	sadd.s32 s3, s9;
	s6 =	sadd.s32 @!p0 $0x88, s6;
	s7 =	simm.s32 @p2 $0x1082  }
0x22: {  	[simem:s7], [sflag:s8] =	dma.local @!p0 [hbm:s6], $0xF7A  }
0x23: {  	s9 =	sor.u32 $0xD0000000, s2;
	s6 =	simm.s32 $0x108;
	_ =	swait.ge @!p0 [sflag:s8], $0x0  }
0x24: {  	s3 =	sadd.s32 $0x88, s3;
	s6 =	simm.s32 @!p1 $0x1082;
	[sflag:s4] =	ssyncset.s32 $0xFFFFF086  }
0x25: {  	[simem:s6], [sflag:s4] =	dma.local [hbm:s3], $0xF7A  }
0x26: {  	[smem:$0x3F8A] =	sst s1;
	(tag) =	ssettag s2;
	_ =	strace s9  }
0x27: {  	s1 =	sld [smem:$0x3F9A]  }
0x28: {  	s2 =	sld [smem:$0x3F9B]  }
0x29: {  	s4 =	sld [smem:$0x3F9D]  }
0x2a: {  	p0 =	seq.s32 s5, $0x0;
	s5 =	sld [smem:$0x3F9E]  }
0x2b: {  	s6 =	sld [smem:$0x3F9F]  }
0x2c: {  	s7 =	sld [smem:$0x3FA0]  }
0x2d: {  	s3 =	simm.s32 $0x108;
	s8 =	sld [smem:$0x3FA1]  }
0x2e: {  	s3 =	simm.s32 @!p0 $0x1082;
	s9 =	sld [smem:$0x3FA2]  }
0x2f: {  	lr =	sadd.s32 s0, s3;
	s0 =	sld [smem:$0x3F99]  }
0x30: {  	s3 =	sld [smem:$0x3F9C]  }
0x31: {  	[smem:$0x3FA5] =	sst s10  }
0x32: {  	s10 =	sld [smem:$0x3FA3];
	_ =	sdelay $0x3  }
0x33: {  	p0 =	seq.s32 s10, $0x1;
	s10 =	sld [smem:$0x3FA5];
	_ =	sdelay $0x3  }
0x34: {  	[smem:$0x3FA5] =	sst s10  }
0x35: {  	s10 =	sld [smem:$0x3FA4];
	_ =	sdelay $0x3  }
0x36: {  	p1 =	seq.s32 s10, $0x1;
	s10 =	sld [smem:$0x3FA5];
	_ =	sdelay $0x3  }
0x37: {  	[smem:$0x3FA5] =	sst s10  }
0x38: {  	s10 =	sld [smem:$0x3FA6]  }
0x39: {  	_ = 	snop;
	(pc) =	sbr.ind lr, $3  }
0x3a: {  	_ = 	snop  }
0x3b: {  	_ = 	snop  }
0x3c: {  	p2 =	seq.s32 s10, $0x1;
	s10 =	sld [smem:$0x3FA5]  }
0x3d: {  	_ =	shalt  }
0x3e: {  	_ =	shalt  }
0x3f: {  	_ =	shalt  }
0x40: {  	_ =	shalt  }
0x41: {  	_ =	shalt  }
0x42: {  	_ =	shalt  }
0x43: {  	_ =	shalt  }
0x44: {  	_ =	shalt  }
0x45: {  	_ =	shalt  }
0x46: {  	_ =	shalt  }
0x47: {  	_ =	shalt  }
0x48: {  	_ =	shalt  }
0x49: {  	_ =	shalt  }
0x4a: {  	_ =	shalt  }
0x4b: {  	_ =	shalt  }
0x4c: {  	_ =	shalt  }
0x4d: {  	_ =	shalt  }
0x4e: {  	_ =	shalt  }
0x4f: {  	_ =	shalt  }
0x50: {  	_ =	shalt  }
0x51: {  	_ =	shalt  }
0x52: {  	_ =	shalt  }
0x53: {  	_ =	shalt  }
0x54: {  	_ =	shalt  }
0x55: {  	_ =	shalt  }
0x56: {  	_ =	shalt  }
0x57: {  	_ =	shalt  }
0x58: {  	_ =	shalt  }
0x59: {  	_ =	shalt  }
0x5a: {  	_ =	shalt  }
0x5b: {  	_ =	shalt  }
0x5c: {  	_ =	shalt  }
0x5d: {  	_ =	shalt  }
0x5e: {  	_ =	shalt  }
0x5f: {  	_ =	shalt  }
0x60: {  	_ =	shalt  }
0x61: {  	_ =	shalt  }
0x62: {  	_ =	shalt  }
0x63: {  	_ =	shalt  }
0x64: {  	_ =	shalt  }
0x65: {  	_ =	shalt  }
0x66: {  	_ =	shalt  }
0x67: {  	_ =	shalt  }
0x68: {  	_ =	shalt  }
0x69: {  	_ =	shalt  }
0x6a: {  	_ =	shalt  }
0x6b: {  	_ =	shalt  }
0x6c: {  	_ =	shalt  }
0x6d: {  	_ =	shalt  }
0x6e: {  	_ =	shalt  }
0x6f: {  	_ =	shalt  }
0x70: {  	_ =	shalt  }
0x71: {  	_ =	shalt  }
0x72: {  	_ =	shalt  }
0x73: {  	_ =	shalt  }
0x74: {  	_ =	shalt  }
0x75: {  	_ =	shalt  }
0x76: {  	_ =	shalt  }
0x77: {  	_ =	shalt  }
0x78: {  	_ =	shalt  }
0x79: {  	_ =	shalt  }
0x7a: {  	_ =	shalt  }
0x7b: {  	_ =	shalt  }
0x7c: {  	_ =	shalt  }
0x7d: {  	_ =	shalt  }
0x7e: {  	_ =	shalt  }
0x7f: {  	_ =	shalt  }
0x80: {  	_ =	shalt  }
0x81: {  	_ =	shalt  }
0x82: {  	_ =	shalt  }
0x83: {  	_ =	shalt  }
0x84: {  	_ =	shalt  }
0x85: {  	_ =	shalt  }
0x86: {  	_ =	shalt  }
0x87: {  	_ =	shalt  }
.Lfunc_end0:
.L_simem_size_0:
called_computation_lowered:
.L_overlay_start_0:
0x88: {  	s2 =	sld [smem:$0x3FD9]  }
0x89: {  	s3 =	sld [smem:$0x3FFE];
	_ =	sdelay $0x1  }
0x8a: {  	s1 =	srdreg.scid  }
0x8b: {  	s0 =	sand.u32 $0x1, s1  }
0x8c: {  	s17 =	sshll.u32 s0, $0xA;
	s2 =	sadd.s32 s3, s2  }
0x8d: {  	s2 =	sadd.s32 s2, s17  }
0x8e: {  	[smem:$0x3FB1] =	sst s2  }
0x8f: {  	_ = 	snop  }
0x90: {  	s2 =	sld [smem:$0x3FC7];
	(tm) =	ssettm $0x1  }
0x91: {  	s18 =	sld [smem:$0x3FFB];
	_ =	sdelay $0x3  }
0x92: {  	_ =	strace s18  }
0x93: {  	s3 =	sld [smem:$0x3FFC];
	_ =	sdelay $0x3  }
0x94: {  	_ =	strace s3  }
0x95: {  	s3 =	sld [smem:$0x3FFD];
	_ =	sdelay $0x3  }
0x96: {  	_ =	strace s3  }
0x97: {  	_ =	strace $0x8FFFFFFF  }
0x98: {  	s19 =	sld [smem:$0x3FDB];
	_ =	sdelay $0x1  }
0x99: {  	s4 =	simm.s32 $_scs_section_size  }
0x9a: {  	s5 =	simm.s32 $_size__tile_overlayer_lowered;
	s6 =	simm.s32 $_tile_overlayer_lowered  }
0x9b: {  	s22 =	simm.s32 $0x1BFF;
	s21 =	sshll.u32 s6, $0x1;
	s3 =	sadd.s32 s4, s19  }
0x9c: {  	s7 =	simm.s32 $0x0;
	s20 =	sshll.u32 s5, $0x1;
	s5 =	sadd.s32 s21, s3  }
0x9d: {  	[timem:s7], [sflag:s22] =	dma.local [hbm:s5], s20  }
0x9e: {  	_ =	swait.ge [sflag:s22], s20  }
0x9f: {  	s4 =	ssub.s32 $0x0, s20;
	[sflag:s22] =	ssyncset.done $0x0  }
0xa0: {  	[sflag:s22] =	ssyncadd.s32 s4;
	_ =	sdelay $0x1  }
0xa1: {  	s23 =	simm.s32 $0x1B8B  }
0xa2: {  	_ =	swait.ge [sflag:s23], $0x1  }
0xa3: {  	[sflag:s23] =	ssyncset.done $0x0  }
0xa4: {  	s25 =	simm.s32 $0x1B8E;
	s24 =	sld [smem:$0x3FFE];
	[sflag:s23] =	ssyncadd.s32 $0xFFFFFFFF  }
0xa5: {  	s26 =	simm.s32 $execute0_lowered;
	[smem:$0x3FD2] =	sst s25  }
0xa6: {  	s5 =	sshll.u32 s26, $0x1;
	_ =	strace $0x80000046;
	[dreg:$0x1] =	wrdreg $0xFFFFFFFF  }
0xa7: {  	s28 =	simm.s32 $_size_execute0_lowered;
	s3 =	sadd.s32 s3, s5;
	[dreg:$0x0] =	wrdreg $0x0  }
0xa8: {  	s5 =	sshll.u32 s28, $0x1;
	[dreg:$0x2] =	wrdreg s3  }
0xa9: {  	[dreg:$0x3] =	wrdreg s5  }
0xaa: {  	[dreg:$0x4] =	wrdreg $0xC0  }
0xab: {  	_ =	task [dreg:s7], $0x5FFFF  }
0xac: {  	[dreg:$0x1] =	wrdreg $0xFFFFFFFF  }
0xad: {  	[dreg:$0x0] =	wrdreg $0x60  }
0xae: {  	[dreg:$0x2] =	wrdreg s24  }
0xaf: {  	[dreg:$0x3] =	wrdreg s2  }
0xb0: {  	[dreg:$0x4] =	wrdreg $0x68800  }
0xb1: {  	[dreg:$0x5] =	wrdreg $0x9  }
0xb2: {  	_ =	task.clear_ibuf [dreg:s7], $0x6FFFF;
	_ =	strace $0x90000046  }
0xb3: {  	s29 =	simm.s32 $0x9;
	_ =	strace $0x80000048  }
0xb4: {  	_ =	swait.ge [sflag:s29], $0x1  }
0xb5: {  	[sflag:s29] =	ssyncadd.s32 $0xFFFFFFFF  }
0xb6: {  	_ =	strace $0x90000048  }
0xb7: {  	_ =	sfence  }
0xb8: {  	s30 =	sld [smem:$0x0];
	_ =	sdelay $0x2  }
0xb9: {  	s31 =	sshll.u32 s1, $0xD;
	s1 =	sshrl.u32 s1, $0x2  }
0xba: {  	s3 =	sand.u32 $0x4000, s31;
	s1 =	sadd.s32 s1, s30  }
0xbb: {  	s0 =	sor.u32 s3, s0;
	s1 =	sshll.u32 s1, $0x11  }
0xbc: {  	s0 =	sor.u32 s1, s0  }
0xbd: {  	s0 =	sadd.s32 $0x8F2B, s0  }
0xbe: {  	[sflag:s0] =	ssyncadd.remote.s32 $0x1  }
0xbf: {  	_ =	sfence.sel $0xFFFF  }
0xc0: {  	[dreg:$0x0] =	wrdreg $0xFFFFFFFF;
	(pc) =	sbr.abs _section_cstart, $3  }
0xc1: {  	[dreg:$0x1] =	wrdreg $0xFFFFFFFF  }
0xc2: {  	_ =	task.clear_ibuf [dreg:s7], $0x2FFFF;
	_ =	strace $0x9FFFFFFF  }
0xc3: {  	(tm) =	ssettm $0x7FFFFFFF  }
tec
execute0_lowered:
.L_overlay_start_1:
0x0: {  	(tag) =	ssettag $0x1  }
0x1: {  	s6 =	rddreg [dreg:$0x0]  }
0x2: {  	s2 =	rddreg [dreg:$0x1]  }
0x3: {  	s1 =	srdreg.scid;
	s0 =	stileid.u32  }
0x4: {  	s3 =	rddreg [dreg:$0x2];
	s4 =	simm.s32 $0x0;
	s11 =	simm.s32 $0x1  }
0x5: {  	s12 =	simm.s32 $0x2780;
	s13 =	simm.s32 $0x80;
	s14 =	simm.s32 $0x4F00  }
0x6: {  	s15 =	simm.s32 $0x10;
	s16 =	simm.s32 $0x4F80;
	s17 =	simm.s32 $0x4E80  }
0x7: {  	s7 =	sand.u32 $0x1, s1;
	s8 =	smul.u32 $0x1870, s0;
	s1 =	rddreg [dreg:$0x3]  }
0x8: {  	s18 =	simm.s32 $0x0;
	[smem:$0x7FF] =	sst s4;
	s5 =	smul.u32 $0x18700, s7  }
0x9: {  	_ =	strace $0x80000047;
	s10 =	ssub.s32 $0x2, s7;
	s7 =	sshll.u32 s7, $0x4  }
0xa: {  	s31 =	sshrl.u32 s10, $0x1;
	s7 =	sor.u32 s0, s7;
	s9 =	sadd.s32 s8, s5  }
0xb: {  	s5 =	sadd.s32 $0x36400, s6;
	s10 =	ssub.s32 s10, s31;
	s9 =	sshrl.u32 s9, $0x3  }
0xc: {  	s7 =	smul.u32 $0xC350, s7;
	s9 =	sadd.s32 s9, s6;
	s6 =	sadd.s32 s8, s3  }
0xd: {  	v0 =	vimm.f32 $0.0e+00;
	s8 =	sadd.s32 $0x67200, s9;
	s9 =	smax.u32 s10, $0x1;
	s10 =	simm.s32 $0x5000  }
.LBB2_1:
0xe: {  	s19 =	simm.s32 $0x40;
	s20 =	simm.s32 $0x0  }
.LBB2_2:
0xf: {  	p0 =	sne.s32 s19, $0x6180;
	[tilespmem:s20+$0x5000] =	vst v0;
	s20 =	smov.u32 s19;
	s19 =	sadd.s32 $0x40, s19  }
.Ltmp0:
0x10: {  	(pc) =	sbr.rel @p0 .LBB2_2-.Ltmp0, $2  }
0x11: {  	_ =	sdelay $0x2  }
0x12: {  	s20 =	sshra.s32 s20, $0x2  }
0x13: {  	[tilespmem:s20+$0x5000] =	vst v0  }
0x14: {  	[spmem:s6] =	stream.linear.scatter [tilespmem:s10], [sflag:$0x1], $0x1870, $0x38;
	[tilespmem:$0x80F0] =	vst v63  }
0x15: {  	_ =	swait.ge [sflag:s11], $0x1870  }
0x16: {  	[sflag:s11] =	ssyncset.done $0x0  }
0x17: {  	[sflag:s11] =	ssyncadd.s32 $0xFFFFE790  }
0x18: {  	s19 =	simm.s32 $0x0;
	s20 =	simm.s32 $0x0;
	[bflag:$0x0] =	sbarrier.arrive $0xFFFF  }
.LBB2_4:
0x19: {  	s21 =	smul.u32 $0x2710, s20;
	_ =	sdelay $0x1  }
0x1a: {  	s21 =	sadd.s32 s7, s21  }
0x1b: {  	s21 =	sshrl.u32 s21, $0x3  }
0x1c: {  	s22 =	sadd.s32 s5, s21  }
0x1d: {  	[tilespmem:s19], [sflag:$0x1] =	stream.linear.gather [hbm4b:s22+s19], $0x2710, $0x38;
	[tilespmem:$0x80F0] =	vst v63  }
0x1e: {  	_ =	swait.ge [sflag:s11], $0x2710  }
0x1f: {  	[sflag:s11] =	ssyncset.done $0x0  }
0x20: {  	s21 =	sadd.s32 s2, s21;
	[sflag:s11] =	ssyncadd.s32 $0xFFFFD8F0  }
0x21: {  	[tilespmem:s12], [sflag:$0x1] =	stream.linear.gather [hbm4b:s21+s19], $0x2710, $0x38;
	[tilespmem:$0x80F0] =	vst v63  }
0x22: {  	_ =	swait.ge [sflag:s11], $0x2710  }
0x23: {  	[sflag:s11] =	ssyncset.done $0x0  }
0x24: {  	s30 =	simm.s32 $0x0;
	[sflag:s11] =	ssyncadd.s32 $0xFFFFD8F0  }
0x25: {  	v1 =	vld [tilespmem:s30+$0x0];
	_ =	sdelay $0x4  }
0x26: {  	[tilespmem:$0x4F00] =	vst v1  }
0x27: {  	v1 =	vld [tilespmem:s30+$0x10];
	_ =	sdelay $0x4  }
0x28: {  	[tilespmem:$0x4F10] =	vst v1  }
0x29: {  	v1 =	vld [tilespmem:s30+$0x20];
	_ =	sdelay $0x4  }
0x2a: {  	[tilespmem:$0x4F20] =	vst v1  }
0x2b: {  	v1 =	vld [tilespmem:s30+$0x30];
	_ =	sdelay $0x4  }
0x2c: {  	[tilespmem:$0x4F30] =	vst v1  }
0x2d: {  	v1 =	vld [tilespmem:s30+$0x40];
	_ =	sdelay $0x4  }
0x2e: {  	[tilespmem:$0x4F40] =	vst v1  }
0x2f: {  	v1 =	vld [tilespmem:s30+$0x50];
	_ =	sdelay $0x4  }
0x30: {  	[tilespmem:$0x4F50] =	vst v1  }
0x31: {  	v1 =	vld [tilespmem:s30+$0x60];
	_ =	sdelay $0x4  }
0x32: {  	[tilespmem:$0x4F60] =	vst v1  }
0x33: {  	v1 =	vld [tilespmem:s30+$0x70];
	_ =	sdelay $0x4  }
0x34: {  	s31 =	simm.s32 $0x2780;
	[tilespmem:$0x4F70] =	vst v1  }
0x35: {  	[spmem:s3] =	stream.indirect.scatter.add.f32 [tilespmem:s31], [sflag:$0x1], $0x1, s14, s13, $0xb8;
	[tilespmem:$0x80F0] =	vst v63  }
0x36: {  	_ =	swait.ge [sflag:s11], $0x80  }
0x37: {  	s24 =	simm.s32 $0x400;
	s21 =	simm.s32 $0x200;
	[sflag:s11] =	ssyncset.done $0x0  }
.LBB2_5:
0x38: {  	s23 =	sshra.s32 s21, $0x2  }
0x39: {  	[sflag:s11] =	ssyncadd.s32 $0xFFFFFF80;
	s21 =	smov.u32 s24;
	s22 =	sadd.s32 $0x200, s24  }
0x3a: {  	p0 =	sne.s32 s24, $0x9A00;
	v1 =	vld [tilespmem:s23+$0x0];
	_ =	sdelay $0x4  }
0x3b: {  	[tilespmem:$0x4F00] =	vst v1  }
0x3c: {  	v1 =	vld [tilespmem:s23+$0x10];
	_ =	sdelay $0x4  }
0x3d: {  	[tilespmem:$0x4F10] =	vst v1  }
0x3e: {  	v1 =	vld [tilespmem:s23+$0x20];
	_ =	sdelay $0x4  }
0x3f: {  	[tilespmem:$0x4F20] =	vst v1  }
0x40: {  	v1 =	vld [tilespmem:s23+$0x30];
	_ =	sdelay $0x4  }
0x41: {  	[tilespmem:$0x4F30] =	vst v1  }
0x42: {  	v1 =	vld [tilespmem:s23+$0x40];
	_ =	sdelay $0x4  }
0x43: {  	[tilespmem:$0x4F40] =	vst v1  }
0x44: {  	v1 =	vld [tilespmem:s23+$0x50];
	_ =	sdelay $0x4  }
0x45: {  	[tilespmem:$0x4F50] =	vst v1  }
0x46: {  	v1 =	vld [tilespmem:s23+$0x60];
	_ =	sdelay $0x4  }
0x47: {  	[tilespmem:$0x4F60] =	vst v1  }
0x48: {  	v1 =	vld [tilespmem:s23+$0x70];
	_ =	sdelay $0x3  }
.Ltmp1:
0x49: {  	(pc) =	sbr.rel @p0 .LBB2_5-.Ltmp1, $4  }
0x4a: {  	s23 =	sadd.s32 $0x2780, s23;
	[tilespmem:$0x4F70] =	vst v1  }
0x4b: {  	[spmem:s3] =	stream.indirect.scatter.add.f32 [tilespmem:s23], [sflag:$0x1], $0x1, s14, s13, $0xb8;
	[tilespmem:$0x80F0] =	vst v63  }
0x4c: {  	_ =	swait.ge [sflag:s11], $0x80  }
0x4d: {  	s24 =	smov.u32 s22;
	[sflag:s11] =	ssyncset.done $0x0  }
0x4e: {  	s21 =	sshra.s32 s21, $0x2;
	[sflag:s11] =	ssyncadd.s32 $0xFFFFFF80  }
0x4f: {  	v1 =	vld [tilespmem:s21+$0x0];
	_ =	sdelay $0x4  }
0x50: {  	[tilespmem:$0x4F00] =	vst v1  }
0x51: {  	v1 =	vld [tilespmem:s21+$0x10];
	_ =	sdelay $0x4  }
0x52: {  	[tilespmem:$0x4F10] =	vst v1  }
0x53: {  	v1 =	vld [tilespmem:s21+$0x20];
	_ =	sdelay $0x4  }
0x54: {  	[tilespmem:$0x4F20] =	vst v1  }
0x55: {  	v1 =	vld [tilespmem:s21+$0x30];
	_ =	sdelay $0x4  }
0x56: {  	[tilespmem:$0x4F30] =	vst v1  }
0x57: {  	v1 =	vld [tilespmem:s21+$0x40];
	_ =	sdelay $0x4  }
0x58: {  	[tilespmem:$0x4F40] =	vst v1  }
0x59: {  	v1 =	vld [tilespmem:s21+$0x50];
	_ =	sdelay $0x4  }
0x5a: {  	[tilespmem:$0x4F50] =	vst v1  }
0x5b: {  	v1 =	vld [tilespmem:s21+$0x60];
	_ =	sdelay $0x4  }
0x5c: {  	[tilespmem:$0x4F60] =	vst v1  }
0x5d: {  	v1 =	vld [tilespmem:s21+$0x70];
	_ =	sdelay $0x4  }
0x5e: {  	s21 =	sadd.s32 $0x2780, s21;
	[tilespmem:$0x4F70] =	vst v1  }
0x5f: {  	[spmem:s3] =	stream.indirect.scatter.add.f32 [tilespmem:s21], [sflag:$0x1], $0x1, s14, s13, $0xb8;
	[tilespmem:$0x80F0] =	vst v63  }
0x60: {  	_ =	swait.ge [sflag:s11], $0x80  }
0x61: {  	[sflag:s11] =	ssyncset.done $0x0  }
0x62: {  	[sflag:s11] =	ssyncadd.s32 $0xFFFFFF80  }
0x63: {  	v1 =	vld [tilespmem:$0x2700];
	_ =	sdelay $0x2  }
0x64: {  	s20 =	sadd.s32 $0x1, s20  }
0x65: {  	p0 =	sne.s32 s20, $0x5  }
.Ltmp2:
0x66: {  	[tilespmem:$0x4F80] =	vst v1;
	(pc) =	sbr.rel @p0 .LBB2_4-.Ltmp2, $4  }
0x67: {  	[spmem:s3] =	stream.indirect.scatter.add.f32 [tilespmem:s17], [sflag:$0x1], $0x1, s16, s15, $0xb8;
	[tilespmem:$0x80F0] =	vst v63  }
0x68: {  	_ =	swait.ge [sflag:s11], $0x10  }
0x69: {  	[sflag:s11] =	ssyncset.done $0x0  }
0x6a: {  	[sflag:s11] =	ssyncadd.s32 $0xFFFFFFF0  }
0x6b: {  	[bflag:$0x0] =	sbarrier.arrive $0xFFFF  }
0x6c: {  	[tilespmem:s10], [sflag:$0x1] =	stream.linear.gather [spmem:s6], $0x1870, $0x38;
	[tilespmem:$0x80F0] =	vst v63  }
0x6d: {  	s18 =	sadd.s32 $0x1, s18;
	_ =	swait.ge [sflag:s11], $0x1870  }
0x6e: {  	p0 =	sne.s32 s18, s9;
	[sflag:s11] =	ssyncset.done $0x0  }
.Ltmp3:
0x6f: {  	[sflag:s11] =	ssyncadd.s32 $0xFFFFE790;
	(pc) =	sbr.rel @p0 .LBB2_1-.Ltmp3, $4  }
0x70: {  	[hbm4b:s8+s4] =	stream.linear.scatter [tilespmem:s10], [sflag:$0x1], $0x1870, $0x38;
	[tilespmem:$0x80F0] =	vst v63  }
0x71: {  	_ =	swait.ge [sflag:s11], $0x1870  }
0x72: {  	[sflag:s11] =	ssyncset.done $0x0  }
0x73: {  	[sflag:s11] =	ssyncadd.s32 $0xFFFFE790  }
0x74: {  	_ =	sfence.sel $0x180000  }
0x75: {  	[bflag:$0x0] =	sbarrier.arrive $0xFFFF  }
0x76: {  	p0 =	sne.s32 s0, $0x0;
	_ =	strace $0x90000047  }
0x77: {  	s0 =	sadd.s32 @!p0 $0x100000, s1;
	[bflag:$0x2] =	sbarrier.arrive $0xFFFF  }
0x78: {  	[sflag:s0] =	ssyncadd.tile.s32 @!p0 $0x1;
	_ =	shalt  }
.Lfunc_end2:
_tile_overlayer_lowered:
.L_overlay_start_2:
0x79: {  	(tag) =	ssettag $0x2  }
0x7a: {  	s0 =	rddreg [dreg:$0x0];
	s2 =	stileid.u32  }
0x7b: {  	s1 =	rddreg [dreg:$0x1];
	p0 =	sne.s32 s2, $0x0  }
0x7c: {  	s3 =	rddreg [dreg:$0x2];
	[bflag:$0x3] =	sbarrier.arrive $0xFFFF;
	s2 =	simm.s32 @!p0 $0x1C01  }
0x7d: {  	[timem:s3], [sflag:s2] =	dma.local @!p0 [hbm:s0], s1  }
0x7e: {  	s0 =	simm.s32 @!p0 $0x1  }
0x7f: {  	_ =	swait.ge @!p0 [sflag:s0], s1  }
0x80: {  	s1 =	ssub.s32 @!p0 $0x0, s1;
	[sflag:s0] =	ssyncset.done @!p0 $0x0  }
0x81: {  	[sflag:s0] =	ssyncadd.s32 @!p0 s1  }
0x82: {  	[bflag:$0x3] =	sbarrier.arrive $0xFFFF  }
0x83: {  	_ =	shalt  }

</sc_bundles>
